<compile_context>
chip_gen: v7x
topology: tpu7x:2x2x1
jax: 0.10.2.dev20260603
libtpu: 0.0.44.dev20260713+nightly
codegen_flags: <defaults>
</compile_context>

<pallas_src>
import functools

import jax
import jax.numpy as jnp
from jax import lax
from jax.experimental import pallas as pl
from jax.experimental.pallas import tpu as pltpu
from jax.experimental.pallas import tpu_sc as plsc

N_ATOMS = 100000
EMB_DIM = 128

_NC = 2
_NS = 16
_NW = _NC * _NS
_BPW = 3136
_LASTW = _NW - 1
_TAILROWS = N_ATOMS - _LASTW * _BPW
_C = 448
_NFULL = 6
_TAILC = _TAILROWS - _NFULL * _C


def _make_sc_lookup():
  mesh = plsc.VectorSubcoreMesh(
      core_axis_name="c", subcore_axis_name="s",
      num_cores=_NC, num_subcores=_NS)

  @functools.partial(
      pl.kernel,
      mesh=mesh,
      compiler_params=pltpu.CompilerParams(
          needs_layout_passes=False, skip_device_barrier=True,
          disable_bounds_checks=True, disable_semaphore_checks=True),
      out_type=jax.ShapeDtypeStruct((N_ATOMS, EMB_DIM), jnp.float32),
      scratch_types=[
          pltpu.VMEM((_BPW,), jnp.int32),
          pltpu.VMEM((3, EMB_DIM), jnp.float32),
          pltpu.VMEM((_C, EMB_DIM), jnp.float32),
          pltpu.VMEM((_C, EMB_DIM), jnp.float32),
          pltpu.SemaphoreType.DMA,
          pltpu.SemaphoreType.DMA,
      ],
  )
  def lookup(idx_hbm, table_hbm, out_hbm, idx_v, table_v, rows_a, rows_b,
             ssem, lsem):
    wid = lax.axis_index("s") * _NC + lax.axis_index("c")
    base = wid * _BPW
    is_tail = wid == _LASTW
    common = _NFULL * _C
    pltpu.async_copy(table_hbm, table_v, lsem)
    pltpu.async_copy(idx_hbm.at[pl.ds(base, common)],
                     idx_v.at[pl.ds(0, common)], lsem)

    @pl.when(jnp.logical_not(is_tail))
    def _():
      pltpu.async_copy(idx_hbm.at[pl.ds(base + common, _C)],
                       idx_v.at[pl.ds(common, _C)], lsem)

    @pl.when(is_tail)
    def _():
      pltpu.async_copy(idx_hbm.at[pl.ds(base + common, _TAILC)],
                       idx_v.at[pl.ds(common, _TAILC)], lsem)

    pltpu.make_async_copy(table_hbm, table_v, lsem).wait()
    pltpu.make_async_copy(idx_hbm.at[pl.ds(base, common)],
                          idx_v.at[pl.ds(0, common)], lsem).wait()

    @pl.when(jnp.logical_not(is_tail))
    def _():
      pltpu.make_async_copy(idx_hbm.at[pl.ds(base + common, _C)],
                            idx_v.at[pl.ds(common, _C)], lsem).wait()

    @pl.when(is_tail)
    def _():
      pltpu.make_async_copy(idx_hbm.at[pl.ds(base + common, _TAILC)],
                            idx_v.at[pl.ds(common, _TAILC)], lsem).wait()

    zeros = jnp.zeros((16,), jnp.float32)
    t1 = [table_v[1, pl.ds(k * 16, 16)] for k in range(8)]
    t2 = [table_v[2, pl.ds(k * 16, 16)] for k in range(8)]

    def chunk_compute(cb, buf, rows):
      @plsc.parallel_loop(0, rows, 1, unroll=8)
      def row_body(r):
        ridx = plsc.load_gather(idx_v, [jnp.full((16,), cb + r, jnp.int32)])
        m1 = ridx == 1
        m2 = ridx == 2
        for k in range(8):
          vals = jnp.where(m1, t1[k], jnp.where(m2, t2[k], zeros))
          buf[r, pl.ds(k * 16, 16)] = vals

    def scatter_args(ci, buf, rows):
      return (buf.at[pl.ds(0, rows)],
              out_hbm.at[pl.ds(base + ci * _C, rows)], ssem)

    bufs = [rows_a, rows_b]
    for ci in range(_NFULL):
      buf = bufs[ci % 2]
      if ci >= 2:
        pltpu.make_async_copy(*scatter_args(ci - 2, buf, _C)).wait()
      chunk_compute(ci * _C, buf, _C)
      pltpu.async_copy(*scatter_args(ci, buf, _C))

    lastbuf = bufs[_NFULL % 2]
    pltpu.make_async_copy(*scatter_args(_NFULL - 2, lastbuf, _C)).wait()

    @pl.when(jnp.logical_not(is_tail))
    def _():
      chunk_compute(_NFULL * _C, lastbuf, _C)
      pltpu.async_copy(*scatter_args(_NFULL, lastbuf, _C))

    @pl.when(is_tail)
    def _():
      chunk_compute(_NFULL * _C, lastbuf, _TAILC)
      pltpu.async_copy(*scatter_args(_NFULL, lastbuf, _TAILC))

    pltpu.make_async_copy(
        *scatter_args(_NFULL - 1, bufs[(_NFULL - 1) % 2], _C)).wait()

    @pl.when(jnp.logical_not(is_tail))
    def _():
      pltpu.make_async_copy(*scatter_args(_NFULL, lastbuf, _C)).wait()

    @pl.when(is_tail)
    def _():
      pltpu.make_async_copy(*scatter_args(_NFULL, lastbuf, _TAILC)).wait()

  return lookup


_sc_lookup = _make_sc_lookup()


def kernel(atom_feature, table):
  return _sc_lookup(atom_feature.astype(jnp.int32), table)

# --- scband reference (transcript-rebuilt; emitter-appended) ---
"""Pipeline reference for scband-atom-encoder-20547123544302 (READ-ONLY COPY).

The authoritative reference and input builder live on the scoring server;
editing this copy changes nothing except your own understanding.
"""

import jax, jax.numpy as jnp
import numpy as np

NUM_EMBEDDINGS = 3  # len(ATOM_FEATURE_DICT) in the original module
EMB_DIM = 128
N_ATOMS = 100000

def setup_inputs(seed: int = 0) -> dict:
    key = jax.random.key(seed)
    k1, k2 = jax.random.split(key)
    atom_feature = jax.random.randint(k1, (N_ATOMS,), 0, NUM_EMBEDDINGS, dtype=jnp.int64 if jax.config.jax_enable_x64 else jnp.int32)
    table = jax.random.normal(k2, (NUM_EMBEDDINGS, EMB_DIM), dtype=jnp.float32)
    # padding_idx=0: PyTorch initializes the padding row to zeros
    table = table.at[0].set(0.0)
    return {"atom_feature": atom_feature, "table": table}

def reference(atom_feature, table):
    # nn.Embedding(num_embeddings=3, embedding_dim=emb_dim, padding_idx=0)
    # padding row contributes zeros; enforce it in the forward so it also
    # blocks gradient flow to row 0 (matching padding_idx semantics).
    table_eff = table.at[0].set(jnp.zeros((table.shape[1],), table.dtype))
    atom_embedding = jnp.take(table_eff, atom_feature, axis=0)
    return atom_embedding

if __name__ == "__main__":
    import jax
    _d = setup_inputs()
    print(jax.jit(kernel)(*tuple(_d.values())))

</pallas_src>

<mosaic_0001>
#map = affine_map<(d0, d1) -> (0)>
#map1 = affine_map<(d0, d1) -> (0, 0)>
module attributes {stable_mosaic.version = 14 : i64} {
  func.func @lookup(%arg0: i32, %arg1: i32, %arg2: memref<100000xi32, #tpu.memory_space<hbm>>, %arg3: memref<3x128xf32, #tpu.memory_space<hbm>>, %arg4: memref<100000x128xf32, #tpu.memory_space<hbm>>, %arg5: memref<3136xi32, #tpu.memory_space<vmem>>, %arg6: memref<3x128xf32, #tpu.memory_space<vmem>>, %arg7: memref<448x128xf32, #tpu.memory_space<vmem>>, %arg8: memref<448x128xf32, #tpu.memory_space<vmem>>, %arg9: memref<!tpu.dma_semaphore, #tpu.memory_space<semaphore_mem>>, %arg10: memref<!tpu.dma_semaphore, #tpu.memory_space<semaphore_mem>>) attributes {dimension_semantics = [#tpu.dimension_semantics<core_parallel>, #tpu.dimension_semantics<subcore_parallel>], iteration_bounds = array<i64: 2, 16>, scalar_prefetch = 0 : i64, scratch_operands = 6 : i64, tpu.core_type = #tpu.core_type<sc_vector_subcore>, window_params = [{transform_indices = #map}, {transform_indices = #map1}, {transform_indices = #map1}]} {
    %mul3A = arith.constant 2 : i32
    %mul3A_0 = arith.muli %arg1, %mul3A : i32
    %add3A = arith.addi %mul3A_0, %arg0 : i32
    %mul3A_1 = arith.constant 3136 : i32
    %mul3A_2 = arith.muli %add3A, %mul3A_1 : i32
    %eq3A = arith.constant 31 : i32
    %eq3A_3 = arith.cmpi eq, %add3A, %eq3A : i32
    tpu.enqueue_dma source(%arg3 : memref<3x128xf32, #tpu.memory_space<hbm>>) target(%arg6 : memref<3x128xf32, #tpu.memory_space<vmem>>) target_semaphore(%arg10 : memref<!tpu.dma_semaphore, #tpu.memory_space<semaphore_mem>>)
    %dma_start3A = arith.constant 0 : i32
    %dma_start3A_4 = tpu.memref_slice %arg5[%dma_start3A] : memref<3136xi32, #tpu.memory_space<vmem>> -> memref<2688xi32, #tpu.memory_space<vmem>>
    %dma_start3A_5 = tpu.memref_slice %arg2[%mul3A_2] : memref<100000xi32, #tpu.memory_space<hbm>> -> memref<2688xi32, #tpu.memory_space<hbm>>
    %dma_start3A_6 = arith.constant 0 : i32
    %dma_start3A_7 = tpu.memref_slice %arg5[%dma_start3A_6] : memref<3136xi32, #tpu.memory_space<vmem>> -> memref<2688xi32, #tpu.memory_space<vmem>>
    %dma_start3A_8 = tpu.memref_slice %arg2[%mul3A_2] : memref<100000xi32, #tpu.memory_space<hbm>> -> memref<2688xi32, #tpu.memory_space<hbm>>
    tpu.enqueue_dma source(%dma_start3A_8 : memref<2688xi32, #tpu.memory_space<hbm>>) target(%dma_start3A_7 : memref<2688xi32, #tpu.memory_space<vmem>>) target_semaphore(%arg10 : memref<!tpu.dma_semaphore, #tpu.memory_space<semaphore_mem>>)
    %not3A = arith.constant true
    %not3A_9 = arith.xori %eq3A_3, %not3A : i1
    %convert_element_type3A = arith.extui %not3A_9 : i1 to i32
    %cond3A = arith.constant 0 : i32
    %cond3A_10 = arith.cmpi ne, %convert_element_type3A, %cond3A : i32
    scf.if %cond3A_10 {
      %add3A_268 = arith.constant 2688 : i32
      %add3A_269 = arith.addi %mul3A_2, %add3A_268 : i32
      %dma_start3A_270 = arith.constant 2688 : i32
      %dma_start3A_271 = tpu.memref_slice %arg5[%dma_start3A_270] : memref<3136xi32, #tpu.memory_space<vmem>> -> memref<448xi32, #tpu.memory_space<vmem>>
      %dma_start3A_272 = tpu.memref_slice %arg2[%add3A_269] : memref<100000xi32, #tpu.memory_space<hbm>> -> memref<448xi32, #tpu.memory_space<hbm>>
      %dma_start3A_273 = arith.constant 2688 : i32
      %dma_start3A_274 = tpu.memref_slice %arg5[%dma_start3A_273] : memref<3136xi32, #tpu.memory_space<vmem>> -> memref<448xi32, #tpu.memory_space<vmem>>
      %dma_start3A_275 = tpu.memref_slice %arg2[%add3A_269] : memref<100000xi32, #tpu.memory_space<hbm>> -> memref<448xi32, #tpu.memory_space<hbm>>
      tpu.enqueue_dma source(%dma_start3A_275 : memref<448xi32, #tpu.memory_space<hbm>>) target(%dma_start3A_274 : memref<448xi32, #tpu.memory_space<vmem>>) target_semaphore(%arg10 : memref<!tpu.dma_semaphore, #tpu.memory_space<semaphore_mem>>)
    } else {
    }
    %convert_element_type3A_11 = arith.extui %eq3A_3 : i1 to i32
    %cond3A_12 = arith.constant 0 : i32
    %cond3A_13 = arith.cmpi ne, %convert_element_type3A_11, %cond3A_12 : i32
    scf.if %cond3A_13 {
      %add3A_268 = arith.constant 2688 : i32
      %add3A_269 = arith.addi %mul3A_2, %add3A_268 : i32
      %dma_start3A_270 = arith.constant 2688 : i32
      %dma_start3A_271 = tpu.memref_slice %arg5[%dma_start3A_270] : memref<3136xi32, #tpu.memory_space<vmem>> -> memref<96xi32, #tpu.memory_space<vmem>>
      %dma_start3A_272 = tpu.memref_slice %arg2[%add3A_269] : memref<100000xi32, #tpu.memory_space<hbm>> -> memref<96xi32, #tpu.memory_space<hbm>>
      %dma_start3A_273 = arith.constant 2688 : i32
      %dma_start3A_274 = tpu.memref_slice %arg5[%dma_start3A_273] : memref<3136xi32, #tpu.memory_space<vmem>> -> memref<96xi32, #tpu.memory_space<vmem>>
      %dma_start3A_275 = tpu.memref_slice %arg2[%add3A_269] : memref<100000xi32, #tpu.memory_space<hbm>> -> memref<96xi32, #tpu.memory_space<hbm>>
      tpu.enqueue_dma source(%dma_start3A_275 : memref<96xi32, #tpu.memory_space<hbm>>) target(%dma_start3A_274 : memref<96xi32, #tpu.memory_space<vmem>>) target_semaphore(%arg10 : memref<!tpu.dma_semaphore, #tpu.memory_space<semaphore_mem>>)
    } else {
    }
    tpu.wait_dma2 semaphore(%arg10 : memref<!tpu.dma_semaphore, #tpu.memory_space<semaphore_mem>>) src(%arg3 : memref<3x128xf32, #tpu.memory_space<hbm>>) dst(%arg6 : memref<3x128xf32, #tpu.memory_space<vmem>>)
    %dma_wait3A = arith.constant 0 : i32
    %dma_wait3A_14 = tpu.memref_slice %arg5[%dma_wait3A] : memref<3136xi32, #tpu.memory_space<vmem>> -> memref<2688xi32, #tpu.memory_space<vmem>>
    %dma_wait3A_15 = tpu.memref_slice %arg2[%mul3A_2] : memref<100000xi32, #tpu.memory_space<hbm>> -> memref<2688xi32, #tpu.memory_space<hbm>>
    %dma_wait3A_16 = arith.constant 0 : i32
    %dma_wait3A_17 = tpu.memref_slice %arg5[%dma_wait3A_16] : memref<3136xi32, #tpu.memory_space<vmem>> -> memref<2688xi32, #tpu.memory_space<vmem>>
    %dma_wait3A_18 = tpu.memref_slice %arg2[%mul3A_2] : memref<100000xi32, #tpu.memory_space<hbm>> -> memref<2688xi32, #tpu.memory_space<hbm>>
    tpu.wait_dma2 semaphore(%arg10 : memref<!tpu.dma_semaphore, #tpu.memory_space<semaphore_mem>>) src(%dma_wait3A_18 : memref<2688xi32, #tpu.memory_space<hbm>>) dst(%dma_wait3A_17 : memref<2688xi32, #tpu.memory_space<vmem>>)
    %not3A_19 = arith.constant true
    %not3A_20 = arith.xori %eq3A_3, %not3A_19 : i1
    %convert_element_type3A_21 = arith.extui %not3A_20 : i1 to i32
    %cond3A_22 = arith.constant 0 : i32
    %cond3A_23 = arith.cmpi ne, %convert_element_type3A_21, %cond3A_22 : i32
    scf.if %cond3A_23 {
      %add3A_268 = arith.constant 2688 : i32
      %add3A_269 = arith.addi %mul3A_2, %add3A_268 : i32
      %dma_wait3A_270 = arith.constant 2688 : i32
      %dma_wait3A_271 = tpu.memref_slice %arg5[%dma_wait3A_270] : memref<3136xi32, #tpu.memory_space<vmem>> -> memref<448xi32, #tpu.memory_space<vmem>>
      %dma_wait3A_272 = tpu.memref_slice %arg2[%add3A_269] : memref<100000xi32, #tpu.memory_space<hbm>> -> memref<448xi32, #tpu.memory_space<hbm>>
      %dma_wait3A_273 = arith.constant 2688 : i32
      %dma_wait3A_274 = tpu.memref_slice %arg5[%dma_wait3A_273] : memref<3136xi32, #tpu.memory_space<vmem>> -> memref<448xi32, #tpu.memory_space<vmem>>
      %dma_wait3A_275 = tpu.memref_slice %arg2[%add3A_269] : memref<100000xi32, #tpu.memory_space<hbm>> -> memref<448xi32, #tpu.memory_space<hbm>>
      tpu.wait_dma2 semaphore(%arg10 : memref<!tpu.dma_semaphore, #tpu.memory_space<semaphore_mem>>) src(%dma_wait3A_275 : memref<448xi32, #tpu.memory_space<hbm>>) dst(%dma_wait3A_274 : memref<448xi32, #tpu.memory_space<vmem>>)
    } else {
    }
    %convert_element_type3A_24 = arith.extui %eq3A_3 : i1 to i32
    %cond3A_25 = arith.constant 0 : i32
    %cond3A_26 = arith.cmpi ne, %convert_element_type3A_24, %cond3A_25 : i32
    scf.if %cond3A_26 {
      %add3A_268 = arith.constant 2688 : i32
      %add3A_269 = arith.addi %mul3A_2, %add3A_268 : i32
      %dma_wait3A_270 = arith.constant 2688 : i32
      %dma_wait3A_271 = tpu.memref_slice %arg5[%dma_wait3A_270] : memref<3136xi32, #tpu.memory_space<vmem>> -> memref<96xi32, #tpu.memory_space<vmem>>
      %dma_wait3A_272 = tpu.memref_slice %arg2[%add3A_269] : memref<100000xi32, #tpu.memory_space<hbm>> -> memref<96xi32, #tpu.memory_space<hbm>>
      %dma_wait3A_273 = arith.constant 2688 : i32
      %dma_wait3A_274 = tpu.memref_slice %arg5[%dma_wait3A_273] : memref<3136xi32, #tpu.memory_space<vmem>> -> memref<96xi32, #tpu.memory_space<vmem>>
      %dma_wait3A_275 = tpu.memref_slice %arg2[%add3A_269] : memref<100000xi32, #tpu.memory_space<hbm>> -> memref<96xi32, #tpu.memory_space<hbm>>
      tpu.wait_dma2 semaphore(%arg10 : memref<!tpu.dma_semaphore, #tpu.memory_space<semaphore_mem>>) src(%dma_wait3A_275 : memref<96xi32, #tpu.memory_space<hbm>>) dst(%dma_wait3A_274 : memref<96xi32, #tpu.memory_space<vmem>>)
    } else {
    }
    %broadcast_in_dim3A = arith.constant 0.000000e+00 : f32
    %broadcast_in_dim3A_27 = vector.broadcast %broadcast_in_dim3A : f32 to vector<16xf32>
    %get3A = arith.constant 1 : i32
    %get3A_28 = arith.index_cast %get3A : i32 to index
    %get3A_29 = arith.constant 0 : index
    %get3A_30 = tpu.vector_load %arg6[%get3A_28, %get3A_29] {strides = array<i32>} : memref<3x128xf32, #tpu.memory_space<vmem>>, vector<16xf32>,
    %get3A_31 = arith.constant 1 : i32
    %get3A_32 = arith.index_cast %get3A_31 : i32 to index
    %get3A_33 = arith.constant 16 : index
    %get3A_34 = tpu.vector_load %arg6[%get3A_32, %get3A_33] {strides = array<i32>} : memref<3x128xf32, #tpu.memory_space<vmem>>, vector<16xf32>,
    %get3A_35 = arith.constant 1 : i32
    %get3A_36 = arith.index_cast %get3A_35 : i32 to index
    %get3A_37 = arith.constant 32 : index
    %get3A_38 = tpu.vector_load %arg6[%get3A_36, %get3A_37] {strides = array<i32>} : memref<3x128xf32, #tpu.memory_space<vmem>>, vector<16xf32>,
    %get3A_39 = arith.constant 1 : i32
    %get3A_40 = arith.index_cast %get3A_39 : i32 to index
    %get3A_41 = arith.constant 48 : index
    %get3A_42 = tpu.vector_load %arg6[%get3A_40, %get3A_41] {strides = array<i32>} : memref<3x128xf32, #tpu.memory_space<vmem>>, vector<16xf32>,
    %get3A_43 = arith.constant 1 : i32
    %get3A_44 = arith.index_cast %get3A_43 : i32 to index
    %get3A_45 = arith.constant 64 : index
    %get3A_46 = tpu.vector_load %arg6[%get3A_44, %get3A_45] {strides = array<i32>} : memref<3x128xf32, #tpu.memory_space<vmem>>, vector<16xf32>,
    %get3A_47 = arith.constant 1 : i32
    %get3A_48 = arith.index_cast %get3A_47 : i32 to index
    %get3A_49 = arith.constant 80 : index
    %get3A_50 = tpu.vector_load %arg6[%get3A_48, %get3A_49] {strides = array<i32>} : memref<3x128xf32, #tpu.memory_space<vmem>>, vector<16xf32>,
    %get3A_51 = arith.constant 1 : i32
    %get3A_52 = arith.index_cast %get3A_51 : i32 to index
    %get3A_53 = arith.constant 96 : index
    %get3A_54 = tpu.vector_load %arg6[%get3A_52, %get3A_53] {strides = array<i32>} : memref<3x128xf32, #tpu.memory_space<vmem>>, vector<16xf32>,
    %get3A_55 = arith.constant 1 : i32
    %get3A_56 = arith.index_cast %get3A_55 : i32 to index
    %get3A_57 = arith.constant 112 : index
    %get3A_58 = tpu.vector_load %arg6[%get3A_56, %get3A_57] {strides = array<i32>} : memref<3x128xf32, #tpu.memory_space<vmem>>, vector<16xf32>,
    %get3A_59 = arith.constant 2 : i32
    %get3A_60 = arith.index_cast %get3A_59 : i32 to index
    %get3A_61 = arith.constant 0 : index
    %get3A_62 = tpu.vector_load %arg6[%get3A_60, %get3A_61] {strides = array<i32>} : memref<3x128xf32, #tpu.memory_space<vmem>>, vector<16xf32>,
    %get3A_63 = arith.constant 2 : i32
    %get3A_64 = arith.index_cast %get3A_63 : i32 to index
    %get3A_65 = arith.constant 16 : index
    %get3A_66 = tpu.vector_load %arg6[%get3A_64, %get3A_65] {strides = array<i32>} : memref<3x128xf32, #tpu.memory_space<vmem>>, vector<16xf32>,
    %get3A_67 = arith.constant 2 : i32
    %get3A_68 = arith.index_cast %get3A_67 : i32 to index
    %get3A_69 = arith.constant 32 : index
    %get3A_70 = tpu.vector_load %arg6[%get3A_68, %get3A_69] {strides = array<i32>} : memref<3x128xf32, #tpu.memory_space<vmem>>, vector<16xf32>,
    %get3A_71 = arith.constant 2 : i32
    %get3A_72 = arith.index_cast %get3A_71 : i32 to index
    %get3A_73 = arith.constant 48 : index
    %get3A_74 = tpu.vector_load %arg6[%get3A_72, %get3A_73] {strides = array<i32>} : memref<3x128xf32, #tpu.memory_space<vmem>>, vector<16xf32>,
    %get3A_75 = arith.constant 2 : i32
    %get3A_76 = arith.index_cast %get3A_75 : i32 to index
    %get3A_77 = arith.constant 64 : index
    %get3A_78 = tpu.vector_load %arg6[%get3A_76, %get3A_77] {strides = array<i32>} : memref<3x128xf32, #tpu.memory_space<vmem>>, vector<16xf32>,
    %get3A_79 = arith.constant 2 : i32
    %get3A_80 = arith.index_cast %get3A_79 : i32 to index
    %get3A_81 = arith.constant 80 : index
    %get3A_82 = tpu.vector_load %arg6[%get3A_80, %get3A_81] {strides = array<i32>} : memref<3x128xf32, #tpu.memory_space<vmem>>, vector<16xf32>,
    %get3A_83 = arith.constant 2 : i32
    %get3A_84 = arith.index_cast %get3A_83 : i32 to index
    %get3A_85 = arith.constant 96 : index
    %get3A_86 = tpu.vector_load %arg6[%get3A_84, %get3A_85] {strides = array<i32>} : memref<3x128xf32, #tpu.memory_space<vmem>>, vector<16xf32>,
    %get3A_87 = arith.constant 2 : i32
    %get3A_88 = arith.index_cast %get3A_87 : i32 to index
    %get3A_89 = arith.constant 112 : index
    %get3A_90 = tpu.vector_load %arg6[%get3A_88, %get3A_89] {strides = array<i32>} : memref<3x128xf32, #tpu.memory_space<vmem>>, vector<16xf32>,
    %parallel_loop3A = arith.constant 0 : i32
    %parallel_loop3A_91 = arith.constant 448 : i32
    %parallel_loop3A_92 = arith.constant 1 : i32
    scf.for %parallel_loop3A_268 = %parallel_loop3A to %parallel_loop3A_91 step %parallel_loop3A_92  : i32 {
      %parallel_loop3A_269 = arith.constant 0 : i32
      %parallel_loop3A_270 = arith.addi %parallel_loop3A_269, %parallel_loop3A_268 : i32
      %parallel_loop3A_271 = vector.broadcast %parallel_loop3A_270 : i32 to vector<16xi32>
      %parallel_loop3A_272 = tpu.vector_load_idx %arg5[%parallel_loop3A_271] : memref<3136xi32, #tpu.memory_space<vmem>>[vector<16xi32>], vector<16xi32>,
      %parallel_loop3A_273 = arith.constant 1 : i32
      %parallel_loop3A_274 = vector.broadcast %parallel_loop3A_273 : i32 to vector<16xi32>
      %parallel_loop3A_275 = arith.cmpi eq, %parallel_loop3A_272, %parallel_loop3A_274 : vector<16xi32>
      %parallel_loop3A_276 = arith.constant 2 : i32
      %parallel_loop3A_277 = vector.broadcast %parallel_loop3A_276 : i32 to vector<16xi32>
      %parallel_loop3A_278 = arith.cmpi eq, %parallel_loop3A_272, %parallel_loop3A_277 : vector<16xi32>
      %parallel_loop3A_279 = arith.select %parallel_loop3A_278, %get3A_62, %broadcast_in_dim3A_27 : vector<16xi1>, vector<16xf32>
      %parallel_loop3A_280 = arith.select %parallel_loop3A_275, %get3A_30, %parallel_loop3A_279 : vector<16xi1>, vector<16xf32>
      %parallel_loop3A_281 = arith.index_cast %parallel_loop3A_268 : i32 to index
      %parallel_loop3A_282 = arith.constant 0 : index
      %parallel_loop3A_283 = tpu.vector_load %arg7[%parallel_loop3A_281, %parallel_loop3A_282] {strides = array<i32>} : memref<448x128xf32, #tpu.memory_space<vmem>>, vector<16xf32>,
      tpu.vector_store %arg7[%parallel_loop3A_281, %parallel_loop3A_282], %parallel_loop3A_280 {strides = array<i32>} : memref<448x128xf32, #tpu.memory_space<vmem>>, vector<16xf32>,
      %parallel_loop3A_284 = arith.select %parallel_loop3A_278, %get3A_66, %broadcast_in_dim3A_27 : vector<16xi1>, vector<16xf32>
      %parallel_loop3A_285 = arith.select %parallel_loop3A_275, %get3A_34, %parallel_loop3A_284 : vector<16xi1>, vector<16xf32>
      %parallel_loop3A_286 = arith.index_cast %parallel_loop3A_268 : i32 to index
      %parallel_loop3A_287 = arith.constant 16 : index
      %parallel_loop3A_288 = tpu.vector_load %arg7[%parallel_loop3A_286, %parallel_loop3A_287] {strides = array<i32>} : memref<448x128xf32, #tpu.memory_space<vmem>>, vector<16xf32>,
      tpu.vector_store %arg7[%parallel_loop3A_286, %parallel_loop3A_287], %parallel_loop3A_285 {strides = array<i32>} : memref<448x128xf32, #tpu.memory_space<vmem>>, vector<16xf32>,
      %parallel_loop3A_289 = arith.select %parallel_loop3A_278, %get3A_70, %broadcast_in_dim3A_27 : vector<16xi1>, vector<16xf32>
      %parallel_loop3A_290 = arith.select %parallel_loop3A_275, %get3A_38, %parallel_loop3A_289 : vector<16xi1>, vector<16xf32>
      %parallel_loop3A_291 = arith.index_cast %parallel_loop3A_268 : i32 to index
      %parallel_loop3A_292 = arith.constant 32 : index
      %parallel_loop3A_293 = tpu.vector_load %arg7[%parallel_loop3A_291, %parallel_loop3A_292] {strides = array<i32>} : memref<448x128xf32, #tpu.memory_space<vmem>>, vector<16xf32>,
      tpu.vector_store %arg7[%parallel_loop3A_291, %parallel_loop3A_292], %parallel_loop3A_290 {strides = array<i32>} : memref<448x128xf32, #tpu.memory_space<vmem>>, vector<16xf32>,
      %parallel_loop3A_294 = arith.select %parallel_loop3A_278, %get3A_74, %broadcast_in_dim3A_27 : vector<16xi1>, vector<16xf32>
      %parallel_loop3A_295 = arith.select %parallel_loop3A_275, %get3A_42, %parallel_loop3A_294 : vector<16xi1>, vector<16xf32>
      %parallel_loop3A_296 = arith.index_cast %parallel_loop3A_268 : i32 to index
      %parallel_loop3A_297 = arith.constant 48 : index
      %parallel_loop3A_298 = tpu.vector_load %arg7[%parallel_loop3A_296, %parallel_loop3A_297] {strides = array<i32>} : memref<448x128xf32, #tpu.memory_space<vmem>>, vector<16xf32>,
      tpu.vector_store %arg7[%parallel_loop3A_296, %parallel_loop3A_297], %parallel_loop3A_295 {strides = array<i32>} : memref<448x128xf32, #tpu.memory_space<vmem>>, vector<16xf32>,
      %parallel_loop3A_299 = arith.select %parallel_loop3A_278, %get3A_78, %broadcast_in_dim3A_27 : vector<16xi1>, vector<16xf32>
      %parallel_loop3A_300 = arith.select %parallel_loop3A_275, %get3A_46, %parallel_loop3A_299 : vector<16xi1>, vector<16xf32>
      %parallel_loop3A_301 = arith.index_cast %parallel_loop3A_268 : i32 to index
      %parallel_loop3A_302 = arith.constant 64 : index
      %parallel_loop3A_303 = tpu.vector_load %arg7[%parallel_loop3A_301, %parallel_loop3A_302] {strides = array<i32>} : memref<448x128xf32, #tpu.memory_space<vmem>>, vector<16xf32>,
      tpu.vector_store %arg7[%parallel_loop3A_301, %parallel_loop3A_302], %parallel_loop3A_300 {strides = array<i32>} : memref<448x128xf32, #tpu.memory_space<vmem>>, vector<16xf32>,
      %parallel_loop3A_304 = arith.select %parallel_loop3A_278, %get3A_82, %broadcast_in_dim3A_27 : vector<16xi1>, vector<16xf32>
      %parallel_loop3A_305 = arith.select %parallel_loop3A_275, %get3A_50, %parallel_loop3A_304 : vector<16xi1>, vector<16xf32>
      %parallel_loop3A_306 = arith.index_cast %parallel_loop3A_268 : i32 to index
      %parallel_loop3A_307 = arith.constant 80 : index
      %parallel_loop3A_308 = tpu.vector_load %arg7[%parallel_loop3A_306, %parallel_loop3A_307] {strides = array<i32>} : memref<448x128xf32, #tpu.memory_space<vmem>>, vector<16xf32>,
      tpu.vector_store %arg7[%parallel_loop3A_306, %parallel_loop3A_307], %parallel_loop3A_305 {strides = array<i32>} : memref<448x128xf32, #tpu.memory_space<vmem>>, vector<16xf32>,
      %parallel_loop3A_309 = arith.select %parallel_loop3A_278, %get3A_86, %broadcast_in_dim3A_27 : vector<16xi1>, vector<16xf32>
      %parallel_loop3A_310 = arith.select %parallel_loop3A_275, %get3A_54, %parallel_loop3A_309 : vector<16xi1>, vector<16xf32>
      %parallel_loop3A_311 = arith.index_cast %parallel_loop3A_268 : i32 to index
      %parallel_loop3A_312 = arith.constant 96 : index
      %parallel_loop3A_313 = tpu.vector_load %arg7[%parallel_loop3A_311, %parallel_loop3A_312] {strides = array<i32>} : memref<448x128xf32, #tpu.memory_space<vmem>>, vector<16xf32>,
      tpu.vector_store %arg7[%parallel_loop3A_311, %parallel_loop3A_312], %parallel_loop3A_310 {strides = array<i32>} : memref<448x128xf32, #tpu.memory_space<vmem>>, vector<16xf32>,
      %parallel_loop3A_314 = arith.select %parallel_loop3A_278, %get3A_90, %broadcast_in_dim3A_27 : vector<16xi1>, vector<16xf32>
      %parallel_loop3A_315 = arith.select %parallel_loop3A_275, %get3A_58, %parallel_loop3A_314 : vector<16xi1>, vector<16xf32>
      %parallel_loop3A_316 = arith.index_cast %parallel_loop3A_268 : i32 to index
      %parallel_loop3A_317 = arith.constant 112 : index
      %parallel_loop3A_318 = tpu.vector_load %arg7[%parallel_loop3A_316, %parallel_loop3A_317] {strides = array<i32>} : memref<448x128xf32, #tpu.memory_space<vmem>>, vector<16xf32>,
      tpu.vector_store %arg7[%parallel_loop3A_316, %parallel_loop3A_317], %parallel_loop3A_315 {strides = array<i32>} : memref<448x128xf32, #tpu.memory_space<vmem>>, vector<16xf32>,
    } {sc.loop_unroll_factor = 8 : i64, sc.parallel_access}
    %add3A_93 = arith.constant 0 : i32
    %add3A_94 = arith.addi %mul3A_2, %add3A_93 : i32
    %dma_start3A_95 = arith.constant 0 : i32
    %dma_start3A_96 = arith.constant 0 : i32
    %dma_start3A_97 = tpu.memref_slice %arg7[%dma_start3A_95, %dma_start3A_96] : memref<448x128xf32, #tpu.memory_space<vmem>> -> memref<448x128xf32, #tpu.memory_space<vmem>>
    %dma_start3A_98 = arith.constant 0 : i32
    %dma_start3A_99 = tpu.memref_slice %arg4[%add3A_94, %dma_start3A_98] : memref<100000x128xf32, #tpu.memory_space<hbm>> -> memref<448x128xf32, #tpu.memory_space<hbm>>
    %dma_start3A_100 = arith.constant 0 : i32
    %dma_start3A_101 = tpu.memref_slice %arg4[%add3A_94, %dma_start3A_100] : memref<100000x128xf32, #tpu.memory_space<hbm>> -> memref<448x128xf32, #tpu.memory_space<hbm>>
    %dma_start3A_102 = arith.constant 0 : i32
    %dma_start3A_103 = arith.constant 0 : i32
    %dma_start3A_104 = tpu.memref_slice %arg7[%dma_start3A_102, %dma_start3A_103] : memref<448x128xf32, #tpu.memory_space<vmem>> -> memref<448x128xf32, #tpu.memory_space<vmem>>
    tpu.enqueue_dma source(%dma_start3A_104 : memref<448x128xf32, #tpu.memory_space<vmem>>) target(%dma_start3A_101 : memref<448x128xf32, #tpu.memory_space<hbm>>) target_semaphore(%arg9 : memref<!tpu.dma_semaphore, #tpu.memory_space<semaphore_mem>>)
    %parallel_loop3A_105 = arith.constant 0 : i32
    %parallel_loop3A_106 = arith.constant 448 : i32
    %parallel_loop3A_107 = arith.constant 1 : i32
    scf.for %parallel_loop3A_268 = %parallel_loop3A_105 to %parallel_loop3A_106 step %parallel_loop3A_107  : i32 {
      %parallel_loop3A_269 = arith.constant 448 : i32
      %parallel_loop3A_270 = arith.addi %parallel_loop3A_269, %parallel_loop3A_268 : i32
      %parallel_loop3A_271 = vector.broadcast %parallel_loop3A_270 : i32 to vector<16xi32>
      %parallel_loop3A_272 = tpu.vector_load_idx %arg5[%parallel_loop3A_271] : memref<3136xi32, #tpu.memory_space<vmem>>[vector<16xi32>], vector<16xi32>,
      %parallel_loop3A_273 = arith.constant 1 : i32
      %parallel_loop3A_274 = vector.broadcast %parallel_loop3A_273 : i32 to vector<16xi32>
      %parallel_loop3A_275 = arith.cmpi eq, %parallel_loop3A_272, %parallel_loop3A_274 : vector<16xi32>
      %parallel_loop3A_276 = arith.constant 2 : i32
      %parallel_loop3A_277 = vector.broadcast %parallel_loop3A_276 : i32 to vector<16xi32>
      %parallel_loop3A_278 = arith.cmpi eq, %parallel_loop3A_272, %parallel_loop3A_277 : vector<16xi32>
      %parallel_loop3A_279 = arith.select %parallel_loop3A_278, %get3A_62, %broadcast_in_dim3A_27 : vector<16xi1>, vector<16xf32>
      %parallel_loop3A_280 = arith.select %parallel_loop3A_275, %get3A_30, %parallel_loop3A_279 : vector<16xi1>, vector<16xf32>
      %parallel_loop3A_281 = arith.index_cast %parallel_loop3A_268 : i32 to index
      %parallel_loop3A_282 = arith.constant 0 : index
      %parallel_loop3A_283 = tpu.vector_load %arg8[%parallel_loop3A_281, %parallel_loop3A_282] {strides = array<i32>} : memref<448x128xf32, #tpu.memory_space<vmem>>, vector<16xf32>,
      tpu.vector_store %arg8[%parallel_loop3A_281, %parallel_loop3A_282], %parallel_loop3A_280 {strides = array<i32>} : memref<448x128xf32, #tpu.memory_space<vmem>>, vector<16xf32>,
      %parallel_loop3A_284 = arith.select %parallel_loop3A_278, %get3A_66, %broadcast_in_dim3A_27 : vector<16xi1>, vector<16xf32>
      %parallel_loop3A_285 = arith.select %parallel_loop3A_275, %get3A_34, %parallel_loop3A_284 : vector<16xi1>, vector<16xf32>
      %parallel_loop3A_286 = arith.index_cast %parallel_loop3A_268 : i32 to index
      %parallel_loop3A_287 = arith.constant 16 : index
      %parallel_loop3A_288 = tpu.vector_load %arg8[%parallel_loop3A_286, %parallel_loop3A_287] {strides = array<i32>} : memref<448x128xf32, #tpu.memory_space<vmem>>, vector<16xf32>,
      tpu.vector_store %arg8[%parallel_loop3A_286, %parallel_loop3A_287], %parallel_loop3A_285 {strides = array<i32>} : memref<448x128xf32, #tpu.memory_space<vmem>>, vector<16xf32>,
      %parallel_loop3A_289 = arith.select %parallel_loop3A_278, %get3A_70, %broadcast_in_dim3A_27 : vector<16xi1>, vector<16xf32>
      %parallel_loop3A_290 = arith.select %parallel_loop3A_275, %get3A_38, %parallel_loop3A_289 : vector<16xi1>, vector<16xf32>
      %parallel_loop3A_291 = arith.index_cast %parallel_loop3A_268 : i32 to index
      %parallel_loop3A_292 = arith.constant 32 : index
      %parallel_loop3A_293 = tpu.vector_load %arg8[%parallel_loop3A_291, %parallel_loop3A_292] {strides = array<i32>} : memref<448x128xf32, #tpu.memory_space<vmem>>, vector<16xf32>,
      tpu.vector_store %arg8[%parallel_loop3A_291, %parallel_loop3A_292], %parallel_loop3A_290 {strides = array<i32>} : memref<448x128xf32, #tpu.memory_space<vmem>>, vector<16xf32>,
      %parallel_loop3A_294 = arith.select %parallel_loop3A_278, %get3A_74, %broadcast_in_dim3A_27 : vector<16xi1>, vector<16xf32>
      %parallel_loop3A_295 = arith.select %parallel_loop3A_275, %get3A_42, %parallel_loop3A_294 : vector<16xi1>, vector<16xf32>
      %parallel_loop3A_296 = arith.index_cast %parallel_loop3A_268 : i32 to index
      %parallel_loop3A_297 = arith.constant 48 : index
      %parallel_loop3A_298 = tpu.vector_load %arg8[%parallel_loop3A_296, %parallel_loop3A_297] {strides = array<i32>} : memref<448x128xf32, #tpu.memory_space<vmem>>, vector<16xf32>,
      tpu.vector_store %arg8[%parallel_loop3A_296, %parallel_loop3A_297], %parallel_loop3A_295 {strides = array<i32>} : memref<448x128xf32, #tpu.memory_space<vmem>>, vector<16xf32>,
      %parallel_loop3A_299 = arith.select %parallel_loop3A_278, %get3A_78, %broadcast_in_dim3A_27 : vector<16xi1>, vector<16xf32>
      %parallel_loop3A_300 = arith.select %parallel_loop3A_275, %get3A_46, %parallel_loop3A_299 : vector<16xi1>, vector<16xf32>
      %parallel_loop3A_301 = arith.index_cast %parallel_loop3A_268 : i32 to index
      %parallel_loop3A_302 = arith.constant 64 : index
      %parallel_loop3A_303 = tpu.vector_load %arg8[%parallel_loop3A_301, %parallel_loop3A_302] {strides = array<i32>} : memref<448x128xf32, #tpu.memory_space<vmem>>, vector<16xf32>,
      tpu.vector_store %arg8[%parallel_loop3A_301, %parallel_loop3A_302], %parallel_loop3A_300 {strides = array<i32>} : memref<448x128xf32, #tpu.memory_space<vmem>>, vector<16xf32>,
      %parallel_loop3A_304 = arith.select %parallel_loop3A_278, %get3A_82, %broadcast_in_dim3A_27 : vector<16xi1>, vector<16xf32>
      %parallel_loop3A_305 = arith.select %parallel_loop3A_275, %get3A_50, %parallel_loop3A_304 : vector<16xi1>, vector<16xf32>
      %parallel_loop3A_306 = arith.index_cast %parallel_loop3A_268 : i32 to index
      %parallel_loop3A_307 = arith.constant 80 : index
      %parallel_loop3A_308 = tpu.vector_load %arg8[%parallel_loop3A_306, %parallel_loop3A_307] {strides = array<i32>} : memref<448x128xf32, #tpu.memory_space<vmem>>, vector<16xf32>,
      tpu.vector_store %arg8[%parallel_loop3A_306, %parallel_loop3A_307], %parallel_loop3A_305 {strides = array<i32>} : memref<448x128xf32, #tpu.memory_space<vmem>>, vector<16xf32>,
      %parallel_loop3A_309 = arith.select %parallel_loop3A_278, %get3A_86, %broadcast_in_dim3A_27 : vector<16xi1>, vector<16xf32>
      %parallel_loop3A_310 = arith.select %parallel_loop3A_275, %get3A_54, %parallel_loop3A_309 : vector<16xi1>, vector<16xf32>
      %parallel_loop3A_311 = arith.index_cast %parallel_loop3A_268 : i32 to index
      %parallel_loop3A_312 = arith.constant 96 : index
      %parallel_loop3A_313 = tpu.vector_load %arg8[%parallel_loop3A_311, %parallel_loop3A_312] {strides = array<i32>} : memref<448x128xf32, #tpu.memory_space<vmem>>, vector<16xf32>,
      tpu.vector_store %arg8[%parallel_loop3A_311, %parallel_loop3A_312], %parallel_loop3A_310 {strides = array<i32>} : memref<448x128xf32, #tpu.memory_space<vmem>>, vector<16xf32>,
      %parallel_loop3A_314 = arith.select %parallel_loop3A_278, %get3A_90, %broadcast_in_dim3A_27 : vector<16xi1>, vector<16xf32>
      %parallel_loop3A_315 = arith.select %parallel_loop3A_275, %get3A_58, %parallel_loop3A_314 : vector<16xi1>, vector<16xf32>
      %parallel_loop3A_316 = arith.index_cast %parallel_loop3A_268 : i32 to index
      %parallel_loop3A_317 = arith.constant 112 : index
      %parallel_loop3A_318 = tpu.vector_load %arg8[%parallel_loop3A_316, %parallel_loop3A_317] {strides = array<i32>} : memref<448x128xf32, #tpu.memory_space<vmem>>, vector<16xf32>,
      tpu.vector_store %arg8[%parallel_loop3A_316, %parallel_loop3A_317], %parallel_loop3A_315 {strides = array<i32>} : memref<448x128xf32, #tpu.memory_space<vmem>>, vector<16xf32>,
    } {sc.loop_unroll_factor = 8 : i64, sc.parallel_access}
    %add3A_108 = arith.constant 448 : i32
    %add3A_109 = arith.addi %mul3A_2, %add3A_108 : i32
    %dma_start3A_110 = arith.constant 0 : i32
    %dma_start3A_111 = arith.constant 0 : i32
    %dma_start3A_112 = tpu.memref_slice %arg8[%dma_start3A_110, %dma_start3A_111] : memref<448x128xf32, #tpu.memory_space<vmem>> -> memref<448x128xf32, #tpu.memory_space<vmem>>
    %dma_start3A_113 = arith.constant 0 : i32
    %dma_start3A_114 = tpu.memref_slice %arg4[%add3A_109, %dma_start3A_113] : memref<100000x128xf32, #tpu.memory_space<hbm>> -> memref<448x128xf32, #tpu.memory_space<hbm>>
    %dma_start3A_115 = arith.constant 0 : i32
    %dma_start3A_116 = tpu.memref_slice %arg4[%add3A_109, %dma_start3A_115] : memref<100000x128xf32, #tpu.memory_space<hbm>> -> memref<448x128xf32, #tpu.memory_space<hbm>>
    %dma_start3A_117 = arith.constant 0 : i32
    %dma_start3A_118 = arith.constant 0 : i32
    %dma_start3A_119 = tpu.memref_slice %arg8[%dma_start3A_117, %dma_start3A_118] : memref<448x128xf32, #tpu.memory_space<vmem>> -> memref<448x128xf32, #tpu.memory_space<vmem>>
    tpu.enqueue_dma source(%dma_start3A_119 : memref<448x128xf32, #tpu.memory_space<vmem>>) target(%dma_start3A_116 : memref<448x128xf32, #tpu.memory_space<hbm>>) target_semaphore(%arg9 : memref<!tpu.dma_semaphore, #tpu.memory_space<semaphore_mem>>)
    %add3A_120 = arith.constant 0 : i32
    %add3A_121 = arith.addi %mul3A_2, %add3A_120 : i32
    %dma_wait3A_122 = arith.constant 0 : i32
    %dma_wait3A_123 = arith.constant 0 : i32
    %dma_wait3A_124 = tpu.memref_slice %arg7[%dma_wait3A_122, %dma_wait3A_123] : memref<448x128xf32, #tpu.memory_space<vmem>> -> memref<448x128xf32, #tpu.memory_space<vmem>>
    %dma_wait3A_125 = arith.constant 0 : i32
    %dma_wait3A_126 = tpu.memref_slice %arg4[%add3A_121, %dma_wait3A_125] : memref<100000x128xf32, #tpu.memory_space<hbm>> -> memref<448x128xf32, #tpu.memory_space<hbm>>
    %dma_wait3A_127 = arith.constant 0 : i32
    %dma_wait3A_128 = tpu.memref_slice %arg4[%add3A_121, %dma_wait3A_127] : memref<100000x128xf32, #tpu.memory_space<hbm>> -> memref<448x128xf32, #tpu.memory_space<hbm>>
    %dma_wait3A_129 = arith.constant 0 : i32
    %dma_wait3A_130 = arith.constant 0 : i32
    %dma_wait3A_131 = tpu.memref_slice %arg7[%dma_wait3A_129, %dma_wait3A_130] : memref<448x128xf32, #tpu.memory_space<vmem>> -> memref<448x128xf32, #tpu.memory_space<vmem>>
    tpu.wait_dma2 semaphore(%arg9 : memref<!tpu.dma_semaphore, #tpu.memory_space<semaphore_mem>>) src(%dma_wait3A_131 : memref<448x128xf32, #tpu.memory_space<vmem>>) dst(%dma_wait3A_128 : memref<448x128xf32, #tpu.memory_space<hbm>>)
    %parallel_loop3A_132 = arith.constant 0 : i32
    %parallel_loop3A_133 = arith.constant 448 : i32
    %parallel_loop3A_134 = arith.constant 1 : i32
    scf.for %parallel_loop3A_268 = %parallel_loop3A_132 to %parallel_loop3A_133 step %parallel_loop3A_134  : i32 {
      %parallel_loop3A_269 = arith.constant 896 : i32
      %parallel_loop3A_270 = arith.addi %parallel_loop3A_269, %parallel_loop3A_268 : i32
      %parallel_loop3A_271 = vector.broadcast %parallel_loop3A_270 : i32 to vector<16xi32>
      %parallel_loop3A_272 = tpu.vector_load_idx %arg5[%parallel_loop3A_271] : memref<3136xi32, #tpu.memory_space<vmem>>[vector<16xi32>], vector<16xi32>,
      %parallel_loop3A_273 = arith.constant 1 : i32
      %parallel_loop3A_274 = vector.broadcast %parallel_loop3A_273 : i32 to vector<16xi32>
      %parallel_loop3A_275 = arith.cmpi eq, %parallel_loop3A_272, %parallel_loop3A_274 : vector<16xi32>
      %parallel_loop3A_276 = arith.constant 2 : i32
      %parallel_loop3A_277 = vector.broadcast %parallel_loop3A_276 : i32 to vector<16xi32>
      %parallel_loop3A_278 = arith.cmpi eq, %parallel_loop3A_272, %parallel_loop3A_277 : vector<16xi32>
      %parallel_loop3A_279 = arith.select %parallel_loop3A_278, %get3A_62, %broadcast_in_dim3A_27 : vector<16xi1>, vector<16xf32>
      %parallel_loop3A_280 = arith.select %parallel_loop3A_275, %get3A_30, %parallel_loop3A_279 : vector<16xi1>, vector<16xf32>
      %parallel_loop3A_281 = arith.index_cast %parallel_loop3A_268 : i32 to index
      %parallel_loop3A_282 = arith.constant 0 : index
      %parallel_loop3A_283 = tpu.vector_load %arg7[%parallel_loop3A_281, %parallel_loop3A_282] {strides = array<i32>} : memref<448x128xf32, #tpu.memory_space<vmem>>, vector<16xf32>,
      tpu.vector_store %arg7[%parallel_loop3A_281, %parallel_loop3A_282], %parallel_loop3A_280 {strides = array<i32>} : memref<448x128xf32, #tpu.memory_space<vmem>>, vector<16xf32>,
      %parallel_loop3A_284 = arith.select %parallel_loop3A_278, %get3A_66, %broadcast_in_dim3A_27 : vector<16xi1>, vector<16xf32>
      %parallel_loop3A_285 = arith.select %parallel_loop3A_275, %get3A_34, %parallel_loop3A_284 : vector<16xi1>, vector<16xf32>
      %parallel_loop3A_286 = arith.index_cast %parallel_loop3A_268 : i32 to index
      %parallel_loop3A_287 = arith.constant 16 : index
      %parallel_loop3A_288 = tpu.vector_load %arg7[%parallel_loop3A_286, %parallel_loop3A_287] {strides = array<i32>} : memref<448x128xf32, #tpu.memory_space<vmem>>, vector<16xf32>,
      tpu.vector_store %arg7[%parallel_loop3A_286, %parallel_loop3A_287], %parallel_loop3A_285 {strides = array<i32>} : memref<448x128xf32, #tpu.memory_space<vmem>>, vector<16xf32>,
      %parallel_loop3A_289 = arith.select %parallel_loop3A_278, %get3A_70, %broadcast_in_dim3A_27 : vector<16xi1>, vector<16xf32>
      %parallel_loop3A_290 = arith.select %parallel_loop3A_275, %get3A_38, %parallel_loop3A_289 : vector<16xi1>, vector<16xf32>
      %parallel_loop3A_291 = arith.index_cast %parallel_loop3A_268 : i32 to index
      %parallel_loop3A_292 = arith.constant 32 : index
      %parallel_loop3A_293 = tpu.vector_load %arg7[%parallel_loop3A_291, %parallel_loop3A_292] {strides = array<i32>} : memref<448x128xf32, #tpu.memory_space<vmem>>, vector<16xf32>,
      tpu.vector_store %arg7[%parallel_loop3A_291, %parallel_loop3A_292], %parallel_loop3A_290 {strides = array<i32>} : memref<448x128xf32, #tpu.memory_space<vmem>>, vector<16xf32>,
      %parallel_loop3A_294 = arith.select %parallel_loop3A_278, %get3A_74, %broadcast_in_dim3A_27 : vector<16xi1>, vector<16xf32>
      %parallel_loop3A_295 = arith.select %parallel_loop3A_275, %get3A_42, %parallel_loop3A_294 : vector<16xi1>, vector<16xf32>
      %parallel_loop3A_296 = arith.index_cast %parallel_loop3A_268 : i32 to index
      %parallel_loop3A_297 = arith.constant 48 : index
      %parallel_loop3A_298 = tpu.vector_load %arg7[%parallel_loop3A_296, %parallel_loop3A_297] {strides = array<i32>} : memref<448x128xf32, #tpu.memory_space<vmem>>, vector<16xf32>,
      tpu.vector_store %arg7[%parallel_loop3A_296, %parallel_loop3A_297], %parallel_loop3A_295 {strides = array<i32>} : memref<448x128xf32, #tpu.memory_space<vmem>>, vector<16xf32>,
      %parallel_loop3A_299 = arith.select %parallel_loop3A_278, %get3A_78, %broadcast_in_dim3A_27 : vector<16xi1>, vector<16xf32>
      %parallel_loop3A_300 = arith.select %parallel_loop3A_275, %get3A_46, %parallel_loop3A_299 : vector<16xi1>, vector<16xf32>
      %parallel_loop3A_301 = arith.index_cast %parallel_loop3A_268 : i32 to index
      %parallel_loop3A_302 = arith.constant 64 : index
      %parallel_loop3A_303 = tpu.vector_load %arg7[%parallel_loop3A_301, %parallel_loop3A_302] {strides = array<i32>} : memref<448x128xf32, #tpu.memory_space<vmem>>, vector<16xf32>,
      tpu.vector_store %arg7[%parallel_loop3A_301, %parallel_loop3A_302], %parallel_loop3A_300 {strides = array<i32>} : memref<448x128xf32, #tpu.memory_space<vmem>>, vector<16xf32>,
      %parallel_loop3A_304 = arith.select %parallel_loop3A_278, %get3A_82, %broadcast_in_dim3A_27 : vector<16xi1>, vector<16xf32>
      %parallel_loop3A_305 = arith.select %parallel_loop3A_275, %get3A_50, %parallel_loop3A_304 : vector<16xi1>, vector<16xf32>
      %parallel_loop3A_306 = arith.index_cast %parallel_loop3A_268 : i32 to index
      %parallel_loop3A_307 = arith.constant 80 : index
      %parallel_loop3A_308 = tpu.vector_load %arg7[%parallel_loop3A_306, %parallel_loop3A_307] {strides = array<i32>} : memref<448x128xf32, #tpu.memory_space<vmem>>, vector<16xf32>,
      tpu.vector_store %arg7[%parallel_loop3A_306, %parallel_loop3A_307], %parallel_loop3A_305 {strides = array<i32>} : memref<448x128xf32, #tpu.memory_space<vmem>>, vector<16xf32>,
      %parallel_loop3A_309 = arith.select %parallel_loop3A_278, %get3A_86, %broadcast_in_dim3A_27 : vector<16xi1>, vector<16xf32>
      %parallel_loop3A_310 = arith.select %parallel_loop3A_275, %get3A_54, %parallel_loop3A_309 : vector<16xi1>, vector<16xf32>
      %parallel_loop3A_311 = arith.index_cast %parallel_loop3A_268 : i32 to index
      %parallel_loop3A_312 = arith.constant 96 : index
      %parallel_loop3A_313 = tpu.vector_load %arg7[%parallel_loop3A_311, %parallel_loop3A_312] {strides = array<i32>} : memref<448x128xf32, #tpu.memory_space<vmem>>, vector<16xf32>,
      tpu.vector_store %arg7[%parallel_loop3A_311, %parallel_loop3A_312], %parallel_loop3A_310 {strides = array<i32>} : memref<448x128xf32, #tpu.memory_space<vmem>>, vector<16xf32>,
      %parallel_loop3A_314 = arith.select %parallel_loop3A_278, %get3A_90, %broadcast_in_dim3A_27 : vector<16xi1>, vector<16xf32>
      %parallel_loop3A_315 = arith.select %parallel_loop3A_275, %get3A_58, %parallel_loop3A_314 : vector<16xi1>, vector<16xf32>
      %parallel_loop3A_316 = arith.index_cast %parallel_loop3A_268 : i32 to index
      %parallel_loop3A_317 = arith.constant 112 : index
      %parallel_loop3A_318 = tpu.vector_load %arg7[%parallel_loop3A_316, %parallel_loop3A_317] {strides = array<i32>} : memref<448x128xf32, #tpu.memory_space<vmem>>, vector<16xf32>,
      tpu.vector_store %arg7[%parallel_loop3A_316, %parallel_loop3A_317], %parallel_loop3A_315 {strides = array<i32>} : memref<448x128xf32, #tpu.memory_space<vmem>>, vector<16xf32>,
    } {sc.loop_unroll_factor = 8 : i64, sc.parallel_access}
    %add3A_135 = arith.constant 896 : i32
    %add3A_136 = arith.addi %mul3A_2, %add3A_135 : i32
    %dma_start3A_137 = arith.constant 0 : i32
    %dma_start3A_138 = arith.constant 0 : i32
    %dma_start3A_139 = tpu.memref_slice %arg7[%dma_start3A_137, %dma_start3A_138] : memref<448x128xf32, #tpu.memory_space<vmem>> -> memref<448x128xf32, #tpu.memory_space<vmem>>
    %dma_start3A_140 = arith.constant 0 : i32
    %dma_start3A_141 = tpu.memref_slice %arg4[%add3A_136, %dma_start3A_140] : memref<100000x128xf32, #tpu.memory_space<hbm>> -> memref<448x128xf32, #tpu.memory_space<hbm>>
    %dma_start3A_142 = arith.constant 0 : i32
    %dma_start3A_143 = tpu.memref_slice %arg4[%add3A_136, %dma_start3A_142] : memref<100000x128xf32, #tpu.memory_space<hbm>> -> memref<448x128xf32, #tpu.memory_space<hbm>>
    %dma_start3A_144 = arith.constant 0 : i32
    %dma_start3A_145 = arith.constant 0 : i32
    %dma_start3A_146 = tpu.memref_slice %arg7[%dma_start3A_144, %dma_start3A_145] : memref<448x128xf32, #tpu.memory_space<vmem>> -> memref<448x128xf32, #tpu.memory_space<vmem>>
    tpu.enqueue_dma source(%dma_start3A_146 : memref<448x128xf32, #tpu.memory_space<vmem>>) target(%dma_start3A_143 : memref<448x128xf32, #tpu.memory_space<hbm>>) target_semaphore(%arg9 : memref<!tpu.dma_semaphore, #tpu.memory_space<semaphore_mem>>)
    %add3A_147 = arith.constant 448 : i32
    %add3A_148 = arith.addi %mul3A_2, %add3A_147 : i32
    %dma_wait3A_149 = arith.constant 0 : i32
    %dma_wait3A_150 = arith.constant 0 : i32
    %dma_wait3A_151 = tpu.memref_slice %arg8[%dma_wait3A_149, %dma_wait3A_150] : memref<448x128xf32, #tpu.memory_space<vmem>> -> memref<448x128xf32, #tpu.memory_space<vmem>>
    %dma_wait3A_152 = arith.constant 0 : i32
    %dma_wait3A_153 = tpu.memref_slice %arg4[%add3A_148, %dma_wait3A_152] : memref<100000x128xf32, #tpu.memory_space<hbm>> -> memref<448x128xf32, #tpu.memory_space<hbm>>
    %dma_wait3A_154 = arith.constant 0 : i32
    %dma_wait3A_155 = tpu.memref_slice %arg4[%add3A_148, %dma_wait3A_154] : memref<100000x128xf32, #tpu.memory_space<hbm>> -> memref<448x128xf32, #tpu.memory_space<hbm>>
    %dma_wait3A_156 = arith.constant 0 : i32
    %dma_wait3A_157 = arith.constant 0 : i32
    %dma_wait3A_158 = tpu.memref_slice %arg8[%dma_wait3A_156, %dma_wait3A_157] : memref<448x128xf32, #tpu.memory_space<vmem>> -> memref<448x128xf32, #tpu.memory_space<vmem>>
    tpu.wait_dma2 semaphore(%arg9 : memref<!tpu.dma_semaphore, #tpu.memory_space<semaphore_mem>>) src(%dma_wait3A_158 : memref<448x128xf32, #tpu.memory_space<vmem>>) dst(%dma_wait3A_155 : memref<448x128xf32, #tpu.memory_space<hbm>>)
    %parallel_loop3A_159 = arith.constant 0 : i32
    %parallel_loop3A_160 = arith.constant 448 : i32
    %parallel_loop3A_161 = arith.constant 1 : i32
    scf.for %parallel_loop3A_268 = %parallel_loop3A_159 to %parallel_loop3A_160 step %parallel_loop3A_161  : i32 {
      %parallel_loop3A_269 = arith.constant 1344 : i32
      %parallel_loop3A_270 = arith.addi %parallel_loop3A_269, %parallel_loop3A_268 : i32
      %parallel_loop3A_271 = vector.broadcast %parallel_loop3A_270 : i32 to vector<16xi32>
      %parallel_loop3A_272 = tpu.vector_load_idx %arg5[%parallel_loop3A_271] : memref<3136xi32, #tpu.memory_space<vmem>>[vector<16xi32>], vector<16xi32>,
      %parallel_loop3A_273 = arith.constant 1 : i32
      %parallel_loop3A_274 = vector.broadcast %parallel_loop3A_273 : i32 to vector<16xi32>
      %parallel_loop3A_275 = arith.cmpi eq, %parallel_loop3A_272, %parallel_loop3A_274 : vector<16xi32>
      %parallel_loop3A_276 = arith.constant 2 : i32
      %parallel_loop3A_277 = vector.broadcast %parallel_loop3A_276 : i32 to vector<16xi32>
      %parallel_loop3A_278 = arith.cmpi eq, %parallel_loop3A_272, %parallel_loop3A_277 : vector<16xi32>
      %parallel_loop3A_279 = arith.select %parallel_loop3A_278, %get3A_62, %broadcast_in_dim3A_27 : vector<16xi1>, vector<16xf32>
      %parallel_loop3A_280 = arith.select %parallel_loop3A_275, %get3A_30, %parallel_loop3A_279 : vector<16xi1>, vector<16xf32>
      %parallel_loop3A_281 = arith.index_cast %parallel_loop3A_268 : i32 to index
      %parallel_loop3A_282 = arith.constant 0 : index
      %parallel_loop3A_283 = tpu.vector_load %arg8[%parallel_loop3A_281, %parallel_loop3A_282] {strides = array<i32>} : memref<448x128xf32, #tpu.memory_space<vmem>>, vector<16xf32>,
      tpu.vector_store %arg8[%parallel_loop3A_281, %parallel_loop3A_282], %parallel_loop3A_280 {strides = array<i32>} : memref<448x128xf32, #tpu.memory_space<vmem>>, vector<16xf32>,
      %parallel_loop3A_284 = arith.select %parallel_loop3A_278, %get3A_66, %broadcast_in_dim3A_27 : vector<16xi1>, vector<16xf32>
      %parallel_loop3A_285 = arith.select %parallel_loop3A_275, %get3A_34, %parallel_loop3A_284 : vector<16xi1>, vector<16xf32>
      %parallel_loop3A_286 = arith.index_cast %parallel_loop3A_268 : i32 to index
      %parallel_loop3A_287 = arith.constant 16 : index
      %parallel_loop3A_288 = tpu.vector_load %arg8[%parallel_loop3A_286, %parallel_loop3A_287] {strides = array<i32>} : memref<448x128xf32, #tpu.memory_space<vmem>>, vector<16xf32>,
      tpu.vector_store %arg8[%parallel_loop3A_286, %parallel_loop3A_287], %parallel_loop3A_285 {strides = array<i32>} : memref<448x128xf32, #tpu.memory_space<vmem>>, vector<16xf32>,
      %parallel_loop3A_289 = arith.select %parallel_loop3A_278, %get3A_70, %broadcast_in_dim3A_27 : vector<16xi1>, vector<16xf32>
      %parallel_loop3A_290 = arith.select %parallel_loop3A_275, %get3A_38, %parallel_loop3A_289 : vector<16xi1>, vector<16xf32>
      %parallel_loop3A_291 = arith.index_cast %parallel_loop3A_268 : i32 to index
      %parallel_loop3A_292 = arith.constant 32 : index
      %parallel_loop3A_293 = tpu.vector_load %arg8[%parallel_loop3A_291, %parallel_loop3A_292] {strides = array<i32>} : memref<448x128xf32, #tpu.memory_space<vmem>>, vector<16xf32>,
      tpu.vector_store %arg8[%parallel_loop3A_291, %parallel_loop3A_292], %parallel_loop3A_290 {strides = array<i32>} : memref<448x128xf32, #tpu.memory_space<vmem>>, vector<16xf32>,
      %parallel_loop3A_294 = arith.select %parallel_loop3A_278, %get3A_74, %broadcast_in_dim3A_27 : vector<16xi1>, vector<16xf32>
      %parallel_loop3A_295 = arith.select %parallel_loop3A_275, %get3A_42, %parallel_loop3A_294 : vector<16xi1>, vector<16xf32>
      %parallel_loop3A_296 = arith.index_cast %parallel_loop3A_268 : i32 to index
      %parallel_loop3A_297 = arith.constant 48 : index
      %parallel_loop3A_298 = tpu.vector_load %arg8[%parallel_loop3A_296, %parallel_loop3A_297] {strides = array<i32>} : memref<448x128xf32, #tpu.memory_space<vmem>>, vector<16xf32>,
      tpu.vector_store %arg8[%parallel_loop3A_296, %parallel_loop3A_297], %parallel_loop3A_295 {strides = array<i32>} : memref<448x128xf32, #tpu.memory_space<vmem>>, vector<16xf32>,
      %parallel_loop3A_299 = arith.select %parallel_loop3A_278, %get3A_78, %broadcast_in_dim3A_27 : vector<16xi1>, vector<16xf32>
      %parallel_loop3A_300 = arith.select %parallel_loop3A_275, %get3A_46, %parallel_loop3A_299 : vector<16xi1>, vector<16xf32>
      %parallel_loop3A_301 = arith.index_cast %parallel_loop3A_268 : i32 to index
      %parallel_loop3A_302 = arith.constant 64 : index
      %parallel_loop3A_303 = tpu.vector_load %arg8[%parallel_loop3A_301, %parallel_loop3A_302] {strides = array<i32>} : memref<448x128xf32, #tpu.memory_space<vmem>>, vector<16xf32>,
      tpu.vector_store %arg8[%parallel_loop3A_301, %parallel_loop3A_302], %parallel_loop3A_300 {strides = array<i32>} : memref<448x128xf32, #tpu.memory_space<vmem>>, vector<16xf32>,
      %parallel_loop3A_304 = arith.select %parallel_loop3A_278, %get3A_82, %broadcast_in_dim3A_27 : vector<16xi1>, vector<16xf32>
      %parallel_loop3A_305 = arith.select %parallel_loop3A_275, %get3A_50, %parallel_loop3A_304 : vector<16xi1>, vector<16xf32>
      %parallel_loop3A_306 = arith.index_cast %parallel_loop3A_268 : i32 to index
      %parallel_loop3A_307 = arith.constant 80 : index
      %parallel_loop3A_308 = tpu.vector_load %arg8[%parallel_loop3A_306, %parallel_loop3A_307] {strides = array<i32>} : memref<448x128xf32, #tpu.memory_space<vmem>>, vector<16xf32>,
      tpu.vector_store %arg8[%parallel_loop3A_306, %parallel_loop3A_307], %parallel_loop3A_305 {strides = array<i32>} : memref<448x128xf32, #tpu.memory_space<vmem>>, vector<16xf32>,
      %parallel_loop3A_309 = arith.select %parallel_loop3A_278, %get3A_86, %broadcast_in_dim3A_27 : vector<16xi1>, vector<16xf32>
      %parallel_loop3A_310 = arith.select %parallel_loop3A_275, %get3A_54, %parallel_loop3A_309 : vector<16xi1>, vector<16xf32>
      %parallel_loop3A_311 = arith.index_cast %parallel_loop3A_268 : i32 to index
      %parallel_loop3A_312 = arith.constant 96 : index
      %parallel_loop3A_313 = tpu.vector_load %arg8[%parallel_loop3A_311, %parallel_loop3A_312] {strides = array<i32>} : memref<448x128xf32, #tpu.memory_space<vmem>>, vector<16xf32>,
      tpu.vector_store %arg8[%parallel_loop3A_311, %parallel_loop3A_312], %parallel_loop3A_310 {strides = array<i32>} : memref<448x128xf32, #tpu.memory_space<vmem>>, vector<16xf32>,
      %parallel_loop3A_314 = arith.select %parallel_loop3A_278, %get3A_90, %broadcast_in_dim3A_27 : vector<16xi1>, vector<16xf32>
      %parallel_loop3A_315 = arith.select %parallel_loop3A_275, %get3A_58, %parallel_loop3A_314 : vector<16xi1>, vector<16xf32>
      %parallel_loop3A_316 = arith.index_cast %parallel_loop3A_268 : i32 to index
      %parallel_loop3A_317 = arith.constant 112 : index
      %parallel_loop3A_318 = tpu.vector_load %arg8[%parallel_loop3A_316, %parallel_loop3A_317] {strides = array<i32>} : memref<448x128xf32, #tpu.memory_space<vmem>>, vector<16xf32>,
      tpu.vector_store %arg8[%parallel_loop3A_316, %parallel_loop3A_317], %parallel_loop3A_315 {strides = array<i32>} : memref<448x128xf32, #tpu.memory_space<vmem>>, vector<16xf32>,
    } {sc.loop_unroll_factor = 8 : i64, sc.parallel_access}
    %add3A_162 = arith.constant 1344 : i32
    %add3A_163 = arith.addi %mul3A_2, %add3A_162 : i32
    %dma_start3A_164 = arith.constant 0 : i32
    %dma_start3A_165 = arith.constant 0 : i32
    %dma_start3A_166 = tpu.memref_slice %arg8[%dma_start3A_164, %dma_start3A_165] : memref<448x128xf32, #tpu.memory_space<vmem>> -> memref<448x128xf32, #tpu.memory_space<vmem>>
    %dma_start3A_167 = arith.constant 0 : i32
    %dma_start3A_168 = tpu.memref_slice %arg4[%add3A_163, %dma_start3A_167] : memref<100000x128xf32, #tpu.memory_space<hbm>> -> memref<448x128xf32, #tpu.memory_space<hbm>>
    %dma_start3A_169 = arith.constant 0 : i32
    %dma_start3A_170 = tpu.memref_slice %arg4[%add3A_163, %dma_start3A_169] : memref<100000x128xf32, #tpu.memory_space<hbm>> -> memref<448x128xf32, #tpu.memory_space<hbm>>
    %dma_start3A_171 = arith.constant 0 : i32
    %dma_start3A_172 = arith.constant 0 : i32
    %dma_start3A_173 = tpu.memref_slice %arg8[%dma_start3A_171, %dma_start3A_172] : memref<448x128xf32, #tpu.memory_space<vmem>> -> memref<448x128xf32, #tpu.memory_space<vmem>>
    tpu.enqueue_dma source(%dma_start3A_173 : memref<448x128xf32, #tpu.memory_space<vmem>>) target(%dma_start3A_170 : memref<448x128xf32, #tpu.memory_space<hbm>>) target_semaphore(%arg9 : memref<!tpu.dma_semaphore, #tpu.memory_space<semaphore_mem>>)
    %add3A_174 = arith.constant 896 : i32
    %add3A_175 = arith.addi %mul3A_2, %add3A_174 : i32
    %dma_wait3A_176 = arith.constant 0 : i32
    %dma_wait3A_177 = arith.constant 0 : i32
    %dma_wait3A_178 = tpu.memref_slice %arg7[%dma_wait3A_176, %dma_wait3A_177] : memref<448x128xf32, #tpu.memory_space<vmem>> -> memref<448x128xf32, #tpu.memory_space<vmem>>
    %dma_wait3A_179 = arith.constant 0 : i32
    %dma_wait3A_180 = tpu.memref_slice %arg4[%add3A_175, %dma_wait3A_179] : memref<100000x128xf32, #tpu.memory_space<hbm>> -> memref<448x128xf32, #tpu.memory_space<hbm>>
    %dma_wait3A_181 = arith.constant 0 : i32
    %dma_wait3A_182 = tpu.memref_slice %arg4[%add3A_175, %dma_wait3A_181] : memref<100000x128xf32, #tpu.memory_space<hbm>> -> memref<448x128xf32, #tpu.memory_space<hbm>>
    %dma_wait3A_183 = arith.constant 0 : i32
    %dma_wait3A_184 = arith.constant 0 : i32
    %dma_wait3A_185 = tpu.memref_slice %arg7[%dma_wait3A_183, %dma_wait3A_184] : memref<448x128xf32, #tpu.memory_space<vmem>> -> memref<448x128xf32, #tpu.memory_space<vmem>>
    tpu.wait_dma2 semaphore(%arg9 : memref<!tpu.dma_semaphore, #tpu.memory_space<semaphore_mem>>) src(%dma_wait3A_185 : memref<448x128xf32, #tpu.memory_space<vmem>>) dst(%dma_wait3A_182 : memref<448x128xf32, #tpu.memory_space<hbm>>)
    %parallel_loop3A_186 = arith.constant 0 : i32
    %parallel_loop3A_187 = arith.constant 448 : i32
    %parallel_loop3A_188 = arith.constant 1 : i32
    scf.for %parallel_loop3A_268 = %parallel_loop3A_186 to %parallel_loop3A_187 step %parallel_loop3A_188  : i32 {
      %parallel_loop3A_269 = arith.constant 1792 : i32
      %parallel_loop3A_270 = arith.addi %parallel_loop3A_269, %parallel_loop3A_268 : i32
      %parallel_loop3A_271 = vector.broadcast %parallel_loop3A_270 : i32 to vector<16xi32>
      %parallel_loop3A_272 = tpu.vector_load_idx %arg5[%parallel_loop3A_271] : memref<3136xi32, #tpu.memory_space<vmem>>[vector<16xi32>], vector<16xi32>,
      %parallel_loop3A_273 = arith.constant 1 : i32
      %parallel_loop3A_274 = vector.broadcast %parallel_loop3A_273 : i32 to vector<16xi32>
      %parallel_loop3A_275 = arith.cmpi eq, %parallel_loop3A_272, %parallel_loop3A_274 : vector<16xi32>
      %parallel_loop3A_276 = arith.constant 2 : i32
      %parallel_loop3A_277 = vector.broadcast %parallel_loop3A_276 : i32 to vector<16xi32>
      %parallel_loop3A_278 = arith.cmpi eq, %parallel_loop3A_272, %parallel_loop3A_277 : vector<16xi32>
      %parallel_loop3A_279 = arith.select %parallel_loop3A_278, %get3A_62, %broadcast_in_dim3A_27 : vector<16xi1>, vector<16xf32>
      %parallel_loop3A_280 = arith.select %parallel_loop3A_275, %get3A_30, %parallel_loop3A_279 : vector<16xi1>, vector<16xf32>
      %parallel_loop3A_281 = arith.index_cast %parallel_loop3A_268 : i32 to index
      %parallel_loop3A_282 = arith.constant 0 : index
      %parallel_loop3A_283 = tpu.vector_load %arg7[%parallel_loop3A_281, %parallel_loop3A_282] {strides = array<i32>} : memref<448x128xf32, #tpu.memory_space<vmem>>, vector<16xf32>,
      tpu.vector_store %arg7[%parallel_loop3A_281, %parallel_loop3A_282], %parallel_loop3A_280 {strides = array<i32>} : memref<448x128xf32, #tpu.memory_space<vmem>>, vector<16xf32>,
      %parallel_loop3A_284 = arith.select %parallel_loop3A_278, %get3A_66, %broadcast_in_dim3A_27 : vector<16xi1>, vector<16xf32>
      %parallel_loop3A_285 = arith.select %parallel_loop3A_275, %get3A_34, %parallel_loop3A_284 : vector<16xi1>, vector<16xf32>
      %parallel_loop3A_286 = arith.index_cast %parallel_loop3A_268 : i32 to index
      %parallel_loop3A_287 = arith.constant 16 : index
      %parallel_loop3A_288 = tpu.vector_load %arg7[%parallel_loop3A_286, %parallel_loop3A_287] {strides = array<i32>} : memref<448x128xf32, #tpu.memory_space<vmem>>, vector<16xf32>,
      tpu.vector_store %arg7[%parallel_loop3A_286, %parallel_loop3A_287], %parallel_loop3A_285 {strides = array<i32>} : memref<448x128xf32, #tpu.memory_space<vmem>>, vector<16xf32>,
      %parallel_loop3A_289 = arith.select %parallel_loop3A_278, %get3A_70, %broadcast_in_dim3A_27 : vector<16xi1>, vector<16xf32>
      %parallel_loop3A_290 = arith.select %parallel_loop3A_275, %get3A_38, %parallel_loop3A_289 : vector<16xi1>, vector<16xf32>
      %parallel_loop3A_291 = arith.index_cast %parallel_loop3A_268 : i32 to index
      %parallel_loop3A_292 = arith.constant 32 : index
      %parallel_loop3A_293 = tpu.vector_load %arg7[%parallel_loop3A_291, %parallel_loop3A_292] {strides = array<i32>} : memref<448x128xf32, #tpu.memory_space<vmem>>, vector<16xf32>,
      tpu.vector_store %arg7[%parallel_loop3A_291, %parallel_loop3A_292], %parallel_loop3A_290 {strides = array<i32>} : memref<448x128xf32, #tpu.memory_space<vmem>>, vector<16xf32>,
      %parallel_loop3A_294 = arith.select %parallel_loop3A_278, %get3A_74, %broadcast_in_dim3A_27 : vector<16xi1>, vector<16xf32>
      %parallel_loop3A_295 = arith.select %parallel_loop3A_275, %get3A_42, %parallel_loop3A_294 : vector<16xi1>, vector<16xf32>
      %parallel_loop3A_296 = arith.index_cast %parallel_loop3A_268 : i32 to index
      %parallel_loop3A_297 = arith.constant 48 : index
      %parallel_loop3A_298 = tpu.vector_load %arg7[%parallel_loop3A_296, %parallel_loop3A_297] {strides = array<i32>} : memref<448x128xf32, #tpu.memory_space<vmem>>, vector<16xf32>,
      tpu.vector_store %arg7[%parallel_loop3A_296, %parallel_loop3A_297], %parallel_loop3A_295 {strides = array<i32>} : memref<448x128xf32, #tpu.memory_space<vmem>>, vector<16xf32>,
      %parallel_loop3A_299 = arith.select %parallel_loop3A_278, %get3A_78, %broadcast_in_dim3A_27 : vector<16xi1>, vector<16xf32>
      %parallel_loop3A_300 = arith.select %parallel_loop3A_275, %get3A_46, %parallel_loop3A_299 : vector<16xi1>, vector<16xf32>
      %parallel_loop3A_301 = arith.index_cast %parallel_loop3A_268 : i32 to index
      %parallel_loop3A_302 = arith.constant 64 : index
      %parallel_loop3A_303 = tpu.vector_load %arg7[%parallel_loop3A_301, %parallel_loop3A_302] {strides = array<i32>} : memref<448x128xf32, #tpu.memory_space<vmem>>, vector<16xf32>,
      tpu.vector_store %arg7[%parallel_loop3A_301, %parallel_loop3A_302], %parallel_loop3A_300 {strides = array<i32>} : memref<448x128xf32, #tpu.memory_space<vmem>>, vector<16xf32>,
      %parallel_loop3A_304 = arith.select %parallel_loop3A_278, %get3A_82, %broadcast_in_dim3A_27 : vector<16xi1>, vector<16xf32>
      %parallel_loop3A_305 = arith.select %parallel_loop3A_275, %get3A_50, %parallel_loop3A_304 : vector<16xi1>, vector<16xf32>
      %parallel_loop3A_306 = arith.index_cast %parallel_loop3A_268 : i32 to index
      %parallel_loop3A_307 = arith.constant 80 : index
      %parallel_loop3A_308 = tpu.vector_load %arg7[%parallel_loop3A_306, %parallel_loop3A_307] {strides = array<i32>} : memref<448x128xf32, #tpu.memory_space<vmem>>, vector<16xf32>,
      tpu.vector_store %arg7[%parallel_loop3A_306, %parallel_loop3A_307], %parallel_loop3A_305 {strides = array<i32>} : memref<448x128xf32, #tpu.memory_space<vmem>>, vector<16xf32>,
      %parallel_loop3A_309 = arith.select %parallel_loop3A_278, %get3A_86, %broadcast_in_dim3A_27 : vector<16xi1>, vector<16xf32>
      %parallel_loop3A_310 = arith.select %parallel_loop3A_275, %get3A_54, %parallel_loop3A_309 : vector<16xi1>, vector<16xf32>
      %parallel_loop3A_311 = arith.index_cast %parallel_loop3A_268 : i32 to index
      %parallel_loop3A_312 = arith.constant 96 : index
      %parallel_loop3A_313 = tpu.vector_load %arg7[%parallel_loop3A_311, %parallel_loop3A_312] {strides = array<i32>} : memref<448x128xf32, #tpu.memory_space<vmem>>, vector<16xf32>,
      tpu.vector_store %arg7[%parallel_loop3A_311, %parallel_loop3A_312], %parallel_loop3A_310 {strides = array<i32>} : memref<448x128xf32, #tpu.memory_space<vmem>>, vector<16xf32>,
      %parallel_loop3A_314 = arith.select %parallel_loop3A_278, %get3A_90, %broadcast_in_dim3A_27 : vector<16xi1>, vector<16xf32>
      %parallel_loop3A_315 = arith.select %parallel_loop3A_275, %get3A_58, %parallel_loop3A_314 : vector<16xi1>, vector<16xf32>
      %parallel_loop3A_316 = arith.index_cast %parallel_loop3A_268 : i32 to index
      %parallel_loop3A_317 = arith.constant 112 : index
      %parallel_loop3A_318 = tpu.vector_load %arg7[%parallel_loop3A_316, %parallel_loop3A_317] {strides = array<i32>} : memref<448x128xf32, #tpu.memory_space<vmem>>, vector<16xf32>,
      tpu.vector_store %arg7[%parallel_loop3A_316, %parallel_loop3A_317], %parallel_loop3A_315 {strides = array<i32>} : memref<448x128xf32, #tpu.memory_space<vmem>>, vector<16xf32>,
    } {sc.loop_unroll_factor = 8 : i64, sc.parallel_access}
    %add3A_189 = arith.constant 1792 : i32
    %add3A_190 = arith.addi %mul3A_2, %add3A_189 : i32
    %dma_start3A_191 = arith.constant 0 : i32
    %dma_start3A_192 = arith.constant 0 : i32
    %dma_start3A_193 = tpu.memref_slice %arg7[%dma_start3A_191, %dma_start3A_192] : memref<448x128xf32, #tpu.memory_space<vmem>> -> memref<448x128xf32, #tpu.memory_space<vmem>>
    %dma_start3A_194 = arith.constant 0 : i32
    %dma_start3A_195 = tpu.memref_slice %arg4[%add3A_190, %dma_start3A_194] : memref<100000x128xf32, #tpu.memory_space<hbm>> -> memref<448x128xf32, #tpu.memory_space<hbm>>
    %dma_start3A_196 = arith.constant 0 : i32
    %dma_start3A_197 = tpu.memref_slice %arg4[%add3A_190, %dma_start3A_196] : memref<100000x128xf32, #tpu.memory_space<hbm>> -> memref<448x128xf32, #tpu.memory_space<hbm>>
    %dma_start3A_198 = arith.constant 0 : i32
    %dma_start3A_199 = arith.constant 0 : i32
    %dma_start3A_200 = tpu.memref_slice %arg7[%dma_start3A_198, %dma_start3A_199] : memref<448x128xf32, #tpu.memory_space<vmem>> -> memref<448x128xf32, #tpu.memory_space<vmem>>
    tpu.enqueue_dma source(%dma_start3A_200 : memref<448x128xf32, #tpu.memory_space<vmem>>) target(%dma_start3A_197 : memref<448x128xf32, #tpu.memory_space<hbm>>) target_semaphore(%arg9 : memref<!tpu.dma_semaphore, #tpu.memory_space<semaphore_mem>>)
    %add3A_201 = arith.constant 1344 : i32
    %add3A_202 = arith.addi %mul3A_2, %add3A_201 : i32
    %dma_wait3A_203 = arith.constant 0 : i32
    %dma_wait3A_204 = arith.constant 0 : i32
    %dma_wait3A_205 = tpu.memref_slice %arg8[%dma_wait3A_203, %dma_wait3A_204] : memref<448x128xf32, #tpu.memory_space<vmem>> -> memref<448x128xf32, #tpu.memory_space<vmem>>
    %dma_wait3A_206 = arith.constant 0 : i32
    %dma_wait3A_207 = tpu.memref_slice %arg4[%add3A_202, %dma_wait3A_206] : memref<100000x128xf32, #tpu.memory_space<hbm>> -> memref<448x128xf32, #tpu.memory_space<hbm>>
    %dma_wait3A_208 = arith.constant 0 : i32
    %dma_wait3A_209 = tpu.memref_slice %arg4[%add3A_202, %dma_wait3A_208] : memref<100000x128xf32, #tpu.memory_space<hbm>> -> memref<448x128xf32, #tpu.memory_space<hbm>>
    %dma_wait3A_210 = arith.constant 0 : i32
    %dma_wait3A_211 = arith.constant 0 : i32
    %dma_wait3A_212 = tpu.memref_slice %arg8[%dma_wait3A_210, %dma_wait3A_211] : memref<448x128xf32, #tpu.memory_space<vmem>> -> memref<448x128xf32, #tpu.memory_space<vmem>>
    tpu.wait_dma2 semaphore(%arg9 : memref<!tpu.dma_semaphore, #tpu.memory_space<semaphore_mem>>) src(%dma_wait3A_212 : memref<448x128xf32, #tpu.memory_space<vmem>>) dst(%dma_wait3A_209 : memref<448x128xf32, #tpu.memory_space<hbm>>)
    %parallel_loop3A_213 = arith.constant 0 : i32
    %parallel_loop3A_214 = arith.constant 448 : i32
    %parallel_loop3A_215 = arith.constant 1 : i32
    scf.for %parallel_loop3A_268 = %parallel_loop3A_213 to %parallel_loop3A_214 step %parallel_loop3A_215  : i32 {
      %parallel_loop3A_269 = arith.constant 2240 : i32
      %parallel_loop3A_270 = arith.addi %parallel_loop3A_269, %parallel_loop3A_268 : i32
      %parallel_loop3A_271 = vector.broadcast %parallel_loop3A_270 : i32 to vector<16xi32>
      %parallel_loop3A_272 = tpu.vector_load_idx %arg5[%parallel_loop3A_271] : memref<3136xi32, #tpu.memory_space<vmem>>[vector<16xi32>], vector<16xi32>,
      %parallel_loop3A_273 = arith.constant 1 : i32
      %parallel_loop3A_274 = vector.broadcast %parallel_loop3A_273 : i32 to vector<16xi32>
      %parallel_loop3A_275 = arith.cmpi eq, %parallel_loop3A_272, %parallel_loop3A_274 : vector<16xi32>
      %parallel_loop3A_276 = arith.constant 2 : i32
      %parallel_loop3A_277 = vector.broadcast %parallel_loop3A_276 : i32 to vector<16xi32>
      %parallel_loop3A_278 = arith.cmpi eq, %parallel_loop3A_272, %parallel_loop3A_277 : vector<16xi32>
      %parallel_loop3A_279 = arith.select %parallel_loop3A_278, %get3A_62, %broadcast_in_dim3A_27 : vector<16xi1>, vector<16xf32>
      %parallel_loop3A_280 = arith.select %parallel_loop3A_275, %get3A_30, %parallel_loop3A_279 : vector<16xi1>, vector<16xf32>
      %parallel_loop3A_281 = arith.index_cast %parallel_loop3A_268 : i32 to index
      %parallel_loop3A_282 = arith.constant 0 : index
      %parallel_loop3A_283 = tpu.vector_load %arg8[%parallel_loop3A_281, %parallel_loop3A_282] {strides = array<i32>} : memref<448x128xf32, #tpu.memory_space<vmem>>, vector<16xf32>,
      tpu.vector_store %arg8[%parallel_loop3A_281, %parallel_loop3A_282], %parallel_loop3A_280 {strides = array<i32>} : memref<448x128xf32, #tpu.memory_space<vmem>>, vector<16xf32>,
      %parallel_loop3A_284 = arith.select %parallel_loop3A_278, %get3A_66, %broadcast_in_dim3A_27 : vector<16xi1>, vector<16xf32>
      %parallel_loop3A_285 = arith.select %parallel_loop3A_275, %get3A_34, %parallel_loop3A_284 : vector<16xi1>, vector<16xf32>
      %parallel_loop3A_286 = arith.index_cast %parallel_loop3A_268 : i32 to index
      %parallel_loop3A_287 = arith.constant 16 : index
      %parallel_loop3A_288 = tpu.vector_load %arg8[%parallel_loop3A_286, %parallel_loop3A_287] {strides = array<i32>} : memref<448x128xf32, #tpu.memory_space<vmem>>, vector<16xf32>,
      tpu.vector_store %arg8[%parallel_loop3A_286, %parallel_loop3A_287], %parallel_loop3A_285 {strides = array<i32>} : memref<448x128xf32, #tpu.memory_space<vmem>>, vector<16xf32>,
      %parallel_loop3A_289 = arith.select %parallel_loop3A_278, %get3A_70, %broadcast_in_dim3A_27 : vector<16xi1>, vector<16xf32>
      %parallel_loop3A_290 = arith.select %parallel_loop3A_275, %get3A_38, %parallel_loop3A_289 : vector<16xi1>, vector<16xf32>
      %parallel_loop3A_291 = arith.index_cast %parallel_loop3A_268 : i32 to index
      %parallel_loop3A_292 = arith.constant 32 : index
      %parallel_loop3A_293 = tpu.vector_load %arg8[%parallel_loop3A_291, %parallel_loop3A_292] {strides = array<i32>} : memref<448x128xf32, #tpu.memory_space<vmem>>, vector<16xf32>,
      tpu.vector_store %arg8[%parallel_loop3A_291, %parallel_loop3A_292], %parallel_loop3A_290 {strides = array<i32>} : memref<448x128xf32, #tpu.memory_space<vmem>>, vector<16xf32>,
      %parallel_loop3A_294 = arith.select %parallel_loop3A_278, %get3A_74, %broadcast_in_dim3A_27 : vector<16xi1>, vector<16xf32>
      %parallel_loop3A_295 = arith.select %parallel_loop3A_275, %get3A_42, %parallel_loop3A_294 : vector<16xi1>, vector<16xf32>
      %parallel_loop3A_296 = arith.index_cast %parallel_loop3A_268 : i32 to index
      %parallel_loop3A_297 = arith.constant 48 : index
      %parallel_loop3A_298 = tpu.vector_load %arg8[%parallel_loop3A_296, %parallel_loop3A_297] {strides = array<i32>} : memref<448x128xf32, #tpu.memory_space<vmem>>, vector<16xf32>,
      tpu.vector_store %arg8[%parallel_loop3A_296, %parallel_loop3A_297], %parallel_loop3A_295 {strides = array<i32>} : memref<448x128xf32, #tpu.memory_space<vmem>>, vector<16xf32>,
      %parallel_loop3A_299 = arith.select %parallel_loop3A_278, %get3A_78, %broadcast_in_dim3A_27 : vector<16xi1>, vector<16xf32>
      %parallel_loop3A_300 = arith.select %parallel_loop3A_275, %get3A_46, %parallel_loop3A_299 : vector<16xi1>, vector<16xf32>
      %parallel_loop3A_301 = arith.index_cast %parallel_loop3A_268 : i32 to index
      %parallel_loop3A_302 = arith.constant 64 : index
      %parallel_loop3A_303 = tpu.vector_load %arg8[%parallel_loop3A_301, %parallel_loop3A_302] {strides = array<i32>} : memref<448x128xf32, #tpu.memory_space<vmem>>, vector<16xf32>,
      tpu.vector_store %arg8[%parallel_loop3A_301, %parallel_loop3A_302], %parallel_loop3A_300 {strides = array<i32>} : memref<448x128xf32, #tpu.memory_space<vmem>>, vector<16xf32>,
      %parallel_loop3A_304 = arith.select %parallel_loop3A_278, %get3A_82, %broadcast_in_dim3A_27 : vector<16xi1>, vector<16xf32>
      %parallel_loop3A_305 = arith.select %parallel_loop3A_275, %get3A_50, %parallel_loop3A_304 : vector<16xi1>, vector<16xf32>
      %parallel_loop3A_306 = arith.index_cast %parallel_loop3A_268 : i32 to index
      %parallel_loop3A_307 = arith.constant 80 : index
      %parallel_loop3A_308 = tpu.vector_load %arg8[%parallel_loop3A_306, %parallel_loop3A_307] {strides = array<i32>} : memref<448x128xf32, #tpu.memory_space<vmem>>, vector<16xf32>,
      tpu.vector_store %arg8[%parallel_loop3A_306, %parallel_loop3A_307], %parallel_loop3A_305 {strides = array<i32>} : memref<448x128xf32, #tpu.memory_space<vmem>>, vector<16xf32>,
      %parallel_loop3A_309 = arith.select %parallel_loop3A_278, %get3A_86, %broadcast_in_dim3A_27 : vector<16xi1>, vector<16xf32>
      %parallel_loop3A_310 = arith.select %parallel_loop3A_275, %get3A_54, %parallel_loop3A_309 : vector<16xi1>, vector<16xf32>
      %parallel_loop3A_311 = arith.index_cast %parallel_loop3A_268 : i32 to index
      %parallel_loop3A_312 = arith.constant 96 : index
      %parallel_loop3A_313 = tpu.vector_load %arg8[%parallel_loop3A_311, %parallel_loop3A_312] {strides = array<i32>} : memref<448x128xf32, #tpu.memory_space<vmem>>, vector<16xf32>,
      tpu.vector_store %arg8[%parallel_loop3A_311, %parallel_loop3A_312], %parallel_loop3A_310 {strides = array<i32>} : memref<448x128xf32, #tpu.memory_space<vmem>>, vector<16xf32>,
      %parallel_loop3A_314 = arith.select %parallel_loop3A_278, %get3A_90, %broadcast_in_dim3A_27 : vector<16xi1>, vector<16xf32>
      %parallel_loop3A_315 = arith.select %parallel_loop3A_275, %get3A_58, %parallel_loop3A_314 : vector<16xi1>, vector<16xf32>
      %parallel_loop3A_316 = arith.index_cast %parallel_loop3A_268 : i32 to index
      %parallel_loop3A_317 = arith.constant 112 : index
      %parallel_loop3A_318 = tpu.vector_load %arg8[%parallel_loop3A_316, %parallel_loop3A_317] {strides = array<i32>} : memref<448x128xf32, #tpu.memory_space<vmem>>, vector<16xf32>,
      tpu.vector_store %arg8[%parallel_loop3A_316, %parallel_loop3A_317], %parallel_loop3A_315 {strides = array<i32>} : memref<448x128xf32, #tpu.memory_space<vmem>>, vector<16xf32>,
    } {sc.loop_unroll_factor = 8 : i64, sc.parallel_access}
    %add3A_216 = arith.constant 2240 : i32
    %add3A_217 = arith.addi %mul3A_2, %add3A_216 : i32
    %dma_start3A_218 = arith.constant 0 : i32
    %dma_start3A_219 = arith.constant 0 : i32
    %dma_start3A_220 = tpu.memref_slice %arg8[%dma_start3A_218, %dma_start3A_219] : memref<448x128xf32, #tpu.memory_space<vmem>> -> memref<448x128xf32, #tpu.memory_space<vmem>>
    %dma_start3A_221 = arith.constant 0 : i32
    %dma_start3A_222 = tpu.memref_slice %arg4[%add3A_217, %dma_start3A_221] : memref<100000x128xf32, #tpu.memory_space<hbm>> -> memref<448x128xf32, #tpu.memory_space<hbm>>
    %dma_start3A_223 = arith.constant 0 : i32
    %dma_start3A_224 = tpu.memref_slice %arg4[%add3A_217, %dma_start3A_223] : memref<100000x128xf32, #tpu.memory_space<hbm>> -> memref<448x128xf32, #tpu.memory_space<hbm>>
    %dma_start3A_225 = arith.constant 0 : i32
    %dma_start3A_226 = arith.constant 0 : i32
    %dma_start3A_227 = tpu.memref_slice %arg8[%dma_start3A_225, %dma_start3A_226] : memref<448x128xf32, #tpu.memory_space<vmem>> -> memref<448x128xf32, #tpu.memory_space<vmem>>
    tpu.enqueue_dma source(%dma_start3A_227 : memref<448x128xf32, #tpu.memory_space<vmem>>) target(%dma_start3A_224 : memref<448x128xf32, #tpu.memory_space<hbm>>) target_semaphore(%arg9 : memref<!tpu.dma_semaphore, #tpu.memory_space<semaphore_mem>>)
    %add3A_228 = arith.constant 1792 : i32
    %add3A_229 = arith.addi %mul3A_2, %add3A_228 : i32
    %dma_wait3A_230 = arith.constant 0 : i32
    %dma_wait3A_231 = arith.constant 0 : i32
    %dma_wait3A_232 = tpu.memref_slice %arg7[%dma_wait3A_230, %dma_wait3A_231] : memref<448x128xf32, #tpu.memory_space<vmem>> -> memref<448x128xf32, #tpu.memory_space<vmem>>
    %dma_wait3A_233 = arith.constant 0 : i32
    %dma_wait3A_234 = tpu.memref_slice %arg4[%add3A_229, %dma_wait3A_233] : memref<100000x128xf32, #tpu.memory_space<hbm>> -> memref<448x128xf32, #tpu.memory_space<hbm>>
    %dma_wait3A_235 = arith.constant 0 : i32
    %dma_wait3A_236 = tpu.memref_slice %arg4[%add3A_229, %dma_wait3A_235] : memref<100000x128xf32, #tpu.memory_space<hbm>> -> memref<448x128xf32, #tpu.memory_space<hbm>>
    %dma_wait3A_237 = arith.constant 0 : i32
    %dma_wait3A_238 = arith.constant 0 : i32
    %dma_wait3A_239 = tpu.memref_slice %arg7[%dma_wait3A_237, %dma_wait3A_238] : memref<448x128xf32, #tpu.memory_space<vmem>> -> memref<448x128xf32, #tpu.memory_space<vmem>>
    tpu.wait_dma2 semaphore(%arg9 : memref<!tpu.dma_semaphore, #tpu.memory_space<semaphore_mem>>) src(%dma_wait3A_239 : memref<448x128xf32, #tpu.memory_space<vmem>>) dst(%dma_wait3A_236 : memref<448x128xf32, #tpu.memory_space<hbm>>)
    %not3A_240 = arith.constant true
    %not3A_241 = arith.xori %eq3A_3, %not3A_240 : i1
    %convert_element_type3A_242 = arith.extui %not3A_241 : i1 to i32
    %cond3A_243 = arith.constant 0 : i32
    %cond3A_244 = arith.cmpi ne, %convert_element_type3A_242, %cond3A_243 : i32
    scf.if %cond3A_244 {
      %parallel_loop3A_268 = arith.constant 0 : i32
      %parallel_loop3A_269 = arith.constant 448 : i32
      %parallel_loop3A_270 = arith.constant 1 : i32
      scf.for %parallel_loop3A_283 = %parallel_loop3A_268 to %parallel_loop3A_269 step %parallel_loop3A_270  : i32 {
        %parallel_loop3A_284 = arith.constant 2688 : i32
        %parallel_loop3A_285 = arith.addi %parallel_loop3A_284, %parallel_loop3A_283 : i32
        %parallel_loop3A_286 = vector.broadcast %parallel_loop3A_285 : i32 to vector<16xi32>
        %parallel_loop3A_287 = tpu.vector_load_idx %arg5[%parallel_loop3A_286] : memref<3136xi32, #tpu.memory_space<vmem>>[vector<16xi32>], vector<16xi32>,
        %parallel_loop3A_288 = arith.constant 1 : i32
        %parallel_loop3A_289 = vector.broadcast %parallel_loop3A_288 : i32 to vector<16xi32>
        %parallel_loop3A_290 = arith.cmpi eq, %parallel_loop3A_287, %parallel_loop3A_289 : vector<16xi32>
        %parallel_loop3A_291 = arith.constant 2 : i32
        %parallel_loop3A_292 = vector.broadcast %parallel_loop3A_291 : i32 to vector<16xi32>
        %parallel_loop3A_293 = arith.cmpi eq, %parallel_loop3A_287, %parallel_loop3A_292 : vector<16xi32>
        %parallel_loop3A_294 = arith.select %parallel_loop3A_293, %get3A_62, %broadcast_in_dim3A_27 : vector<16xi1>, vector<16xf32>
        %parallel_loop3A_295 = arith.select %parallel_loop3A_290, %get3A_30, %parallel_loop3A_294 : vector<16xi1>, vector<16xf32>
        %parallel_loop3A_296 = arith.index_cast %parallel_loop3A_283 : i32 to index
        %parallel_loop3A_297 = arith.constant 0 : index
        %parallel_loop3A_298 = tpu.vector_load %arg7[%parallel_loop3A_296, %parallel_loop3A_297] {strides = array<i32>} : memref<448x128xf32, #tpu.memory_space<vmem>>, vector<16xf32>,
        tpu.vector_store %arg7[%parallel_loop3A_296, %parallel_loop3A_297], %parallel_loop3A_295 {strides = array<i32>} : memref<448x128xf32, #tpu.memory_space<vmem>>, vector<16xf32>,
        %parallel_loop3A_299 = arith.select %parallel_loop3A_293, %get3A_66, %broadcast_in_dim3A_27 : vector<16xi1>, vector<16xf32>
        %parallel_loop3A_300 = arith.select %parallel_loop3A_290, %get3A_34, %parallel_loop3A_299 : vector<16xi1>, vector<16xf32>
        %parallel_loop3A_301 = arith.index_cast %parallel_loop3A_283 : i32 to index
        %parallel_loop3A_302 = arith.constant 16 : index
        %parallel_loop3A_303 = tpu.vector_load %arg7[%parallel_loop3A_301, %parallel_loop3A_302] {strides = array<i32>} : memref<448x128xf32, #tpu.memory_space<vmem>>, vector<16xf32>,
        tpu.vector_store %arg7[%parallel_loop3A_301, %parallel_loop3A_302], %parallel_loop3A_300 {strides = array<i32>} : memref<448x128xf32, #tpu.memory_space<vmem>>, vector<16xf32>,
        %parallel_loop3A_304 = arith.select %parallel_loop3A_293, %get3A_70, %broadcast_in_dim3A_27 : vector<16xi1>, vector<16xf32>
        %parallel_loop3A_305 = arith.select %parallel_loop3A_290, %get3A_38, %parallel_loop3A_304 : vector<16xi1>, vector<16xf32>
        %parallel_loop3A_306 = arith.index_cast %parallel_loop3A_283 : i32 to index
        %parallel_loop3A_307 = arith.constant 32 : index
        %parallel_loop3A_308 = tpu.vector_load %arg7[%parallel_loop3A_306, %parallel_loop3A_307] {strides = array<i32>} : memref<448x128xf32, #tpu.memory_space<vmem>>, vector<16xf32>,
        tpu.vector_store %arg7[%parallel_loop3A_306, %parallel_loop3A_307], %parallel_loop3A_305 {strides = array<i32>} : memref<448x128xf32, #tpu.memory_space<vmem>>, vector<16xf32>,
        %parallel_loop3A_309 = arith.select %parallel_loop3A_293, %get3A_74, %broadcast_in_dim3A_27 : vector<16xi1>, vector<16xf32>
        %parallel_loop3A_310 = arith.select %parallel_loop3A_290, %get3A_42, %parallel_loop3A_309 : vector<16xi1>, vector<16xf32>
        %parallel_loop3A_311 = arith.index_cast %parallel_loop3A_283 : i32 to index
        %parallel_loop3A_312 = arith.constant 48 : index
        %parallel_loop3A_313 = tpu.vector_load %arg7[%parallel_loop3A_311, %parallel_loop3A_312] {strides = array<i32>} : memref<448x128xf32, #tpu.memory_space<vmem>>, vector<16xf32>,
        tpu.vector_store %arg7[%parallel_loop3A_311, %parallel_loop3A_312], %parallel_loop3A_310 {strides = array<i32>} : memref<448x128xf32, #tpu.memory_space<vmem>>, vector<16xf32>,
        %parallel_loop3A_314 = arith.select %parallel_loop3A_293, %get3A_78, %broadcast_in_dim3A_27 : vector<16xi1>, vector<16xf32>
        %parallel_loop3A_315 = arith.select %parallel_loop3A_290, %get3A_46, %parallel_loop3A_314 : vector<16xi1>, vector<16xf32>
        %parallel_loop3A_316 = arith.index_cast %parallel_loop3A_283 : i32 to index
        %parallel_loop3A_317 = arith.constant 64 : index
        %parallel_loop3A_318 = tpu.vector_load %arg7[%parallel_loop3A_316, %parallel_loop3A_317] {strides = array<i32>} : memref<448x128xf32, #tpu.memory_space<vmem>>, vector<16xf32>,
        tpu.vector_store %arg7[%parallel_loop3A_316, %parallel_loop3A_317], %parallel_loop3A_315 {strides = array<i32>} : memref<448x128xf32, #tpu.memory_space<vmem>>, vector<16xf32>,
        %parallel_loop3A_319 = arith.select %parallel_loop3A_293, %get3A_82, %broadcast_in_dim3A_27 : vector<16xi1>, vector<16xf32>
        %parallel_loop3A_320 = arith.select %parallel_loop3A_290, %get3A_50, %parallel_loop3A_319 : vector<16xi1>, vector<16xf32>
        %parallel_loop3A_321 = arith.index_cast %parallel_loop3A_283 : i32 to index
        %parallel_loop3A_322 = arith.constant 80 : index
        %parallel_loop3A_323 = tpu.vector_load %arg7[%parallel_loop3A_321, %parallel_loop3A_322] {strides = array<i32>} : memref<448x128xf32, #tpu.memory_space<vmem>>, vector<16xf32>,
        tpu.vector_store %arg7[%parallel_loop3A_321, %parallel_loop3A_322], %parallel_loop3A_320 {strides = array<i32>} : memref<448x128xf32, #tpu.memory_space<vmem>>, vector<16xf32>,
        %parallel_loop3A_324 = arith.select %parallel_loop3A_293, %get3A_86, %broadcast_in_dim3A_27 : vector<16xi1>, vector<16xf32>
        %parallel_loop3A_325 = arith.select %parallel_loop3A_290, %get3A_54, %parallel_loop3A_324 : vector<16xi1>, vector<16xf32>
        %parallel_loop3A_326 = arith.index_cast %parallel_loop3A_283 : i32 to index
        %parallel_loop3A_327 = arith.constant 96 : index
        %parallel_loop3A_328 = tpu.vector_load %arg7[%parallel_loop3A_326, %parallel_loop3A_327] {strides = array<i32>} : memref<448x128xf32, #tpu.memory_space<vmem>>, vector<16xf32>,
        tpu.vector_store %arg7[%parallel_loop3A_326, %parallel_loop3A_327], %parallel_loop3A_325 {strides = array<i32>} : memref<448x128xf32, #tpu.memory_space<vmem>>, vector<16xf32>,
        %parallel_loop3A_329 = arith.select %parallel_loop3A_293, %get3A_90, %broadcast_in_dim3A_27 : vector<16xi1>, vector<16xf32>
        %parallel_loop3A_330 = arith.select %parallel_loop3A_290, %get3A_58, %parallel_loop3A_329 : vector<16xi1>, vector<16xf32>
        %parallel_loop3A_331 = arith.index_cast %parallel_loop3A_283 : i32 to index
        %parallel_loop3A_332 = arith.constant 112 : index
        %parallel_loop3A_333 = tpu.vector_load %arg7[%parallel_loop3A_331, %parallel_loop3A_332] {strides = array<i32>} : memref<448x128xf32, #tpu.memory_space<vmem>>, vector<16xf32>,
        tpu.vector_store %arg7[%parallel_loop3A_331, %parallel_loop3A_332], %parallel_loop3A_330 {strides = array<i32>} : memref<448x128xf32, #tpu.memory_space<vmem>>, vector<16xf32>,
      } {sc.loop_unroll_factor = 8 : i64, sc.parallel_access}
      %add3A_271 = arith.constant 2688 : i32
      %add3A_272 = arith.addi %mul3A_2, %add3A_271 : i32
      %dma_start3A_273 = arith.constant 0 : i32
      %dma_start3A_274 = arith.constant 0 : i32
      %dma_start3A_275 = tpu.memref_slice %arg7[%dma_start3A_273, %dma_start3A_274] : memref<448x128xf32, #tpu.memory_space<vmem>> -> memref<448x128xf32, #tpu.memory_space<vmem>>
      %dma_start3A_276 = arith.constant 0 : i32
      %dma_start3A_277 = tpu.memref_slice %arg4[%add3A_272, %dma_start3A_276] : memref<100000x128xf32, #tpu.memory_space<hbm>> -> memref<448x128xf32, #tpu.memory_space<hbm>>
      %dma_start3A_278 = arith.constant 0 : i32
      %dma_start3A_279 = tpu.memref_slice %arg4[%add3A_272, %dma_start3A_278] : memref<100000x128xf32, #tpu.memory_space<hbm>> -> memref<448x128xf32, #tpu.memory_space<hbm>>
      %dma_start3A_280 = arith.constant 0 : i32
      %dma_start3A_281 = arith.constant 0 : i32
      %dma_start3A_282 = tpu.memref_slice %arg7[%dma_start3A_280, %dma_start3A_281] : memref<448x128xf32, #tpu.memory_space<vmem>> -> memref<448x128xf32, #tpu.memory_space<vmem>>
      tpu.enqueue_dma source(%dma_start3A_282 : memref<448x128xf32, #tpu.memory_space<vmem>>) target(%dma_start3A_279 : memref<448x128xf32, #tpu.memory_space<hbm>>) target_semaphore(%arg9 : memref<!tpu.dma_semaphore, #tpu.memory_space<semaphore_mem>>)
    } else {
    }
    %convert_element_type3A_245 = arith.extui %eq3A_3 : i1 to i32
    %cond3A_246 = arith.constant 0 : i32
    %cond3A_247 = arith.cmpi ne, %convert_element_type3A_245, %cond3A_246 : i32
    scf.if %cond3A_247 {
      %parallel_loop3A_268 = arith.constant 0 : i32
      %parallel_loop3A_269 = arith.constant 96 : i32
      %parallel_loop3A_270 = arith.constant 1 : i32
      scf.for %parallel_loop3A_283 = %parallel_loop3A_268 to %parallel_loop3A_269 step %parallel_loop3A_270  : i32 {
        %parallel_loop3A_284 = arith.constant 2688 : i32
        %parallel_loop3A_285 = arith.addi %parallel_loop3A_284, %parallel_loop3A_283 : i32
        %parallel_loop3A_286 = vector.broadcast %parallel_loop3A_285 : i32 to vector<16xi32>
        %parallel_loop3A_287 = tpu.vector_load_idx %arg5[%parallel_loop3A_286] : memref<3136xi32, #tpu.memory_space<vmem>>[vector<16xi32>], vector<16xi32>,
        %parallel_loop3A_288 = arith.constant 1 : i32
        %parallel_loop3A_289 = vector.broadcast %parallel_loop3A_288 : i32 to vector<16xi32>
        %parallel_loop3A_290 = arith.cmpi eq, %parallel_loop3A_287, %parallel_loop3A_289 : vector<16xi32>
        %parallel_loop3A_291 = arith.constant 2 : i32
        %parallel_loop3A_292 = vector.broadcast %parallel_loop3A_291 : i32 to vector<16xi32>
        %parallel_loop3A_293 = arith.cmpi eq, %parallel_loop3A_287, %parallel_loop3A_292 : vector<16xi32>
        %parallel_loop3A_294 = arith.select %parallel_loop3A_293, %get3A_62, %broadcast_in_dim3A_27 : vector<16xi1>, vector<16xf32>
        %parallel_loop3A_295 = arith.select %parallel_loop3A_290, %get3A_30, %parallel_loop3A_294 : vector<16xi1>, vector<16xf32>
        %parallel_loop3A_296 = arith.index_cast %parallel_loop3A_283 : i32 to index
        %parallel_loop3A_297 = arith.constant 0 : index
        %parallel_loop3A_298 = tpu.vector_load %arg7[%parallel_loop3A_296, %parallel_loop3A_297] {strides = array<i32>} : memref<448x128xf32, #tpu.memory_space<vmem>>, vector<16xf32>,
        tpu.vector_store %arg7[%parallel_loop3A_296, %parallel_loop3A_297], %parallel_loop3A_295 {strides = array<i32>} : memref<448x128xf32, #tpu.memory_space<vmem>>, vector<16xf32>,
        %parallel_loop3A_299 = arith.select %parallel_loop3A_293, %get3A_66, %broadcast_in_dim3A_27 : vector<16xi1>, vector<16xf32>
        %parallel_loop3A_300 = arith.select %parallel_loop3A_290, %get3A_34, %parallel_loop3A_299 : vector<16xi1>, vector<16xf32>
        %parallel_loop3A_301 = arith.index_cast %parallel_loop3A_283 : i32 to index
        %parallel_loop3A_302 = arith.constant 16 : index
        %parallel_loop3A_303 = tpu.vector_load %arg7[%parallel_loop3A_301, %parallel_loop3A_302] {strides = array<i32>} : memref<448x128xf32, #tpu.memory_space<vmem>>, vector<16xf32>,
        tpu.vector_store %arg7[%parallel_loop3A_301, %parallel_loop3A_302], %parallel_loop3A_300 {strides = array<i32>} : memref<448x128xf32, #tpu.memory_space<vmem>>, vector<16xf32>,
        %parallel_loop3A_304 = arith.select %parallel_loop3A_293, %get3A_70, %broadcast_in_dim3A_27 : vector<16xi1>, vector<16xf32>
        %parallel_loop3A_305 = arith.select %parallel_loop3A_290, %get3A_38, %parallel_loop3A_304 : vector<16xi1>, vector<16xf32>
        %parallel_loop3A_306 = arith.index_cast %parallel_loop3A_283 : i32 to index
        %parallel_loop3A_307 = arith.constant 32 : index
        %parallel_loop3A_308 = tpu.vector_load %arg7[%parallel_loop3A_306, %parallel_loop3A_307] {strides = array<i32>} : memref<448x128xf32, #tpu.memory_space<vmem>>, vector<16xf32>,
        tpu.vector_store %arg7[%parallel_loop3A_306, %parallel_loop3A_307], %parallel_loop3A_305 {strides = array<i32>} : memref<448x128xf32, #tpu.memory_space<vmem>>, vector<16xf32>,
        %parallel_loop3A_309 = arith.select %parallel_loop3A_293, %get3A_74, %broadcast_in_dim3A_27 : vector<16xi1>, vector<16xf32>
        %parallel_loop3A_310 = arith.select %parallel_loop3A_290, %get3A_42, %parallel_loop3A_309 : vector<16xi1>, vector<16xf32>
        %parallel_loop3A_311 = arith.index_cast %parallel_loop3A_283 : i32 to index
        %parallel_loop3A_312 = arith.constant 48 : index
        %parallel_loop3A_313 = tpu.vector_load %arg7[%parallel_loop3A_311, %parallel_loop3A_312] {strides = array<i32>} : memref<448x128xf32, #tpu.memory_space<vmem>>, vector<16xf32>,
        tpu.vector_store %arg7[%parallel_loop3A_311, %parallel_loop3A_312], %parallel_loop3A_310 {strides = array<i32>} : memref<448x128xf32, #tpu.memory_space<vmem>>, vector<16xf32>,
        %parallel_loop3A_314 = arith.select %parallel_loop3A_293, %get3A_78, %broadcast_in_dim3A_27 : vector<16xi1>, vector<16xf32>
        %parallel_loop3A_315 = arith.select %parallel_loop3A_290, %get3A_46, %parallel_loop3A_314 : vector<16xi1>, vector<16xf32>
        %parallel_loop3A_316 = arith.index_cast %parallel_loop3A_283 : i32 to index
        %parallel_loop3A_317 = arith.constant 64 : index
        %parallel_loop3A_318 = tpu.vector_load %arg7[%parallel_loop3A_316, %parallel_loop3A_317] {strides = array<i32>} : memref<448x128xf32, #tpu.memory_space<vmem>>, vector<16xf32>,
        tpu.vector_store %arg7[%parallel_loop3A_316, %parallel_loop3A_317], %parallel_loop3A_315 {strides = array<i32>} : memref<448x128xf32, #tpu.memory_space<vmem>>, vector<16xf32>,
        %parallel_loop3A_319 = arith.select %parallel_loop3A_293, %get3A_82, %broadcast_in_dim3A_27 : vector<16xi1>, vector<16xf32>
        %parallel_loop3A_320 = arith.select %parallel_loop3A_290, %get3A_50, %parallel_loop3A_319 : vector<16xi1>, vector<16xf32>
        %parallel_loop3A_321 = arith.index_cast %parallel_loop3A_283 : i32 to index
        %parallel_loop3A_322 = arith.constant 80 : index
        %parallel_loop3A_323 = tpu.vector_load %arg7[%parallel_loop3A_321, %parallel_loop3A_322] {strides = array<i32>} : memref<448x128xf32, #tpu.memory_space<vmem>>, vector<16xf32>,
        tpu.vector_store %arg7[%parallel_loop3A_321, %parallel_loop3A_322], %parallel_loop3A_320 {strides = array<i32>} : memref<448x128xf32, #tpu.memory_space<vmem>>, vector<16xf32>,
        %parallel_loop3A_324 = arith.select %parallel_loop3A_293, %get3A_86, %broadcast_in_dim3A_27 : vector<16xi1>, vector<16xf32>
        %parallel_loop3A_325 = arith.select %parallel_loop3A_290, %get3A_54, %parallel_loop3A_324 : vector<16xi1>, vector<16xf32>
        %parallel_loop3A_326 = arith.index_cast %parallel_loop3A_283 : i32 to index
        %parallel_loop3A_327 = arith.constant 96 : index
        %parallel_loop3A_328 = tpu.vector_load %arg7[%parallel_loop3A_326, %parallel_loop3A_327] {strides = array<i32>} : memref<448x128xf32, #tpu.memory_space<vmem>>, vector<16xf32>,
        tpu.vector_store %arg7[%parallel_loop3A_326, %parallel_loop3A_327], %parallel_loop3A_325 {strides = array<i32>} : memref<448x128xf32, #tpu.memory_space<vmem>>, vector<16xf32>,
        %parallel_loop3A_329 = arith.select %parallel_loop3A_293, %get3A_90, %broadcast_in_dim3A_27 : vector<16xi1>, vector<16xf32>
        %parallel_loop3A_330 = arith.select %parallel_loop3A_290, %get3A_58, %parallel_loop3A_329 : vector<16xi1>, vector<16xf32>
        %parallel_loop3A_331 = arith.index_cast %parallel_loop3A_283 : i32 to index
        %parallel_loop3A_332 = arith.constant 112 : index
        %parallel_loop3A_333 = tpu.vector_load %arg7[%parallel_loop3A_331, %parallel_loop3A_332] {strides = array<i32>} : memref<448x128xf32, #tpu.memory_space<vmem>>, vector<16xf32>,
        tpu.vector_store %arg7[%parallel_loop3A_331, %parallel_loop3A_332], %parallel_loop3A_330 {strides = array<i32>} : memref<448x128xf32, #tpu.memory_space<vmem>>, vector<16xf32>,
      } {sc.loop_unroll_factor = 8 : i64, sc.parallel_access}
      %add3A_271 = arith.constant 2688 : i32
      %add3A_272 = arith.addi %mul3A_2, %add3A_271 : i32
      %dma_start3A_273 = arith.constant 0 : i32
      %dma_start3A_274 = arith.constant 0 : i32
      %dma_start3A_275 = tpu.memref_slice %arg7[%dma_start3A_273, %dma_start3A_274] : memref<448x128xf32, #tpu.memory_space<vmem>> -> memref<96x128xf32, #tpu.memory_space<vmem>>
      %dma_start3A_276 = arith.constant 0 : i32
      %dma_start3A_277 = tpu.memref_slice %arg4[%add3A_272, %dma_start3A_276] : memref<100000x128xf32, #tpu.memory_space<hbm>> -> memref<96x128xf32, #tpu.memory_space<hbm>>
      %dma_start3A_278 = arith.constant 0 : i32
      %dma_start3A_279 = tpu.memref_slice %arg4[%add3A_272, %dma_start3A_278] : memref<100000x128xf32, #tpu.memory_space<hbm>> -> memref<96x128xf32, #tpu.memory_space<hbm>>
      %dma_start3A_280 = arith.constant 0 : i32
      %dma_start3A_281 = arith.constant 0 : i32
      %dma_start3A_282 = tpu.memref_slice %arg7[%dma_start3A_280, %dma_start3A_281] : memref<448x128xf32, #tpu.memory_space<vmem>> -> memref<96x128xf32, #tpu.memory_space<vmem>>
      tpu.enqueue_dma source(%dma_start3A_282 : memref<96x128xf32, #tpu.memory_space<vmem>>) target(%dma_start3A_279 : memref<96x128xf32, #tpu.memory_space<hbm>>) target_semaphore(%arg9 : memref<!tpu.dma_semaphore, #tpu.memory_space<semaphore_mem>>)
    } else {
    }
    %add3A_248 = arith.constant 2240 : i32
    %add3A_249 = arith.addi %mul3A_2, %add3A_248 : i32
    %dma_wait3A_250 = arith.constant 0 : i32
    %dma_wait3A_251 = arith.constant 0 : i32
    %dma_wait3A_252 = tpu.memref_slice %arg8[%dma_wait3A_250, %dma_wait3A_251] : memref<448x128xf32, #tpu.memory_space<vmem>> -> memref<448x128xf32, #tpu.memory_space<vmem>>
    %dma_wait3A_253 = arith.constant 0 : i32
    %dma_wait3A_254 = tpu.memref_slice %arg4[%add3A_249, %dma_wait3A_253] : memref<100000x128xf32, #tpu.memory_space<hbm>> -> memref<448x128xf32, #tpu.memory_space<hbm>>
    %dma_wait3A_255 = arith.constant 0 : i32
    %dma_wait3A_256 = tpu.memref_slice %arg4[%add3A_249, %dma_wait3A_255] : memref<100000x128xf32, #tpu.memory_space<hbm>> -> memref<448x128xf32, #tpu.memory_space<hbm>>
    %dma_wait3A_257 = arith.constant 0 : i32
    %dma_wait3A_258 = arith.constant 0 : i32
    %dma_wait3A_259 = tpu.memref_slice %arg8[%dma_wait3A_257, %dma_wait3A_258] : memref<448x128xf32, #tpu.memory_space<vmem>> -> memref<448x128xf32, #tpu.memory_space<vmem>>
    tpu.wait_dma2 semaphore(%arg9 : memref<!tpu.dma_semaphore, #tpu.memory_space<semaphore_mem>>) src(%dma_wait3A_259 : memref<448x128xf32, #tpu.memory_space<vmem>>) dst(%dma_wait3A_256 : memref<448x128xf32, #tpu.memory_space<hbm>>)
    %not3A_260 = arith.constant true
    %not3A_261 = arith.xori %eq3A_3, %not3A_260 : i1
    %convert_element_type3A_262 = arith.extui %not3A_261 : i1 to i32
    %cond3A_263 = arith.constant 0 : i32
    %cond3A_264 = arith.cmpi ne, %convert_element_type3A_262, %cond3A_263 : i32
    scf.if %cond3A_264 {
      %add3A_268 = arith.constant 2688 : i32
      %add3A_269 = arith.addi %mul3A_2, %add3A_268 : i32
      %dma_wait3A_270 = arith.constant 0 : i32
      %dma_wait3A_271 = arith.constant 0 : i32
      %dma_wait3A_272 = tpu.memref_slice %arg7[%dma_wait3A_270, %dma_wait3A_271] : memref<448x128xf32, #tpu.memory_space<vmem>> -> memref<448x128xf32, #tpu.memory_space<vmem>>
      %dma_wait3A_273 = arith.constant 0 : i32
      %dma_wait3A_274 = tpu.memref_slice %arg4[%add3A_269, %dma_wait3A_273] : memref<100000x128xf32, #tpu.memory_space<hbm>> -> memref<448x128xf32, #tpu.memory_space<hbm>>
      %dma_wait3A_275 = arith.constant 0 : i32
      %dma_wait3A_276 = tpu.memref_slice %arg4[%add3A_269, %dma_wait3A_275] : memref<100000x128xf32, #tpu.memory_space<hbm>> -> memref<448x128xf32, #tpu.memory_space<hbm>>
      %dma_wait3A_277 = arith.constant 0 : i32
      %dma_wait3A_278 = arith.constant 0 : i32
      %dma_wait3A_279 = tpu.memref_slice %arg7[%dma_wait3A_277, %dma_wait3A_278] : memref<448x128xf32, #tpu.memory_space<vmem>> -> memref<448x128xf32, #tpu.memory_space<vmem>>
      tpu.wait_dma2 semaphore(%arg9 : memref<!tpu.dma_semaphore, #tpu.memory_space<semaphore_mem>>) src(%dma_wait3A_279 : memref<448x128xf32, #tpu.memory_space<vmem>>) dst(%dma_wait3A_276 : memref<448x128xf32, #tpu.memory_space<hbm>>)
    } else {
    }
    %convert_element_type3A_265 = arith.extui %eq3A_3 : i1 to i32
    %cond3A_266 = arith.constant 0 : i32
    %cond3A_267 = arith.cmpi ne, %convert_element_type3A_265, %cond3A_266 : i32
    scf.if %cond3A_267 {
      %add3A_268 = arith.constant 2688 : i32
      %add3A_269 = arith.addi %mul3A_2, %add3A_268 : i32
      %dma_wait3A_270 = arith.constant 0 : i32
      %dma_wait3A_271 = arith.constant 0 : i32
      %dma_wait3A_272 = tpu.memref_slice %arg7[%dma_wait3A_270, %dma_wait3A_271] : memref<448x128xf32, #tpu.memory_space<vmem>> -> memref<96x128xf32, #tpu.memory_space<vmem>>
      %dma_wait3A_273 = arith.constant 0 : i32
      %dma_wait3A_274 = tpu.memref_slice %arg4[%add3A_269, %dma_wait3A_273] : memref<100000x128xf32, #tpu.memory_space<hbm>> -> memref<96x128xf32, #tpu.memory_space<hbm>>
      %dma_wait3A_275 = arith.constant 0 : i32
      %dma_wait3A_276 = tpu.memref_slice %arg4[%add3A_269, %dma_wait3A_275] : memref<100000x128xf32, #tpu.memory_space<hbm>> -> memref<96x128xf32, #tpu.memory_space<hbm>>
      %dma_wait3A_277 = arith.constant 0 : i32
      %dma_wait3A_278 = arith.constant 0 : i32
      %dma_wait3A_279 = tpu.memref_slice %arg7[%dma_wait3A_277, %dma_wait3A_278] : memref<448x128xf32, #tpu.memory_space<vmem>> -> memref<96x128xf32, #tpu.memory_space<vmem>>
      tpu.wait_dma2 semaphore(%arg9 : memref<!tpu.dma_semaphore, #tpu.memory_space<semaphore_mem>>) src(%dma_wait3A_279 : memref<96x128xf32, #tpu.memory_space<vmem>>) dst(%dma_wait3A_276 : memref<96x128xf32, #tpu.memory_space<hbm>>)
    } else {
    }
    return
  }
}

</mosaic_0001>

<sc_bundles>
// kernel: kernel.3.cloned.1.call-start
scs
__scs_entry_jumppad:
0x0: {  	(pc) =	sbr.rel $0x88, $3  }
0x1: {  	(tag) =	ssettag $0x0;
	lr =	simm.s32 $0x1  }
0x2: {  	[smem:$0x3F9F] =	sst lr;
	_ =	strace $0xD0000000  }
0x3: {  	_ = 	snop  }
0x4: {  	_ = 	snop  }
0x5: {  	_ = 	snop  }
0x6: {  	_ = 	snop  }
0x7: {  	_ = 	snop  }
__scs_overlays_trampoline_lowered:
0x8: {  	[smem:$0x3FAE] =	sst s0  }
0x9: {  	[smem:$0x3FAF] =	sst s1  }
0xa: {  	[smem:$0x3FB0] =	sst s2  }
0xb: {  	[smem:$0x3FB1] =	sst s3  }
0xc: {  	[smem:$0x3FB2] =	sst s4  }
0xd: {  	[smem:$0x3FB3] =	sst s5  }
0xe: {  	[smem:$0x3FB4] =	sst s6  }
0xf: {  	[smem:$0x3FB5] =	sst s7  }
0x10: {  	[smem:$0x3FB6] =	sst s8  }
0x11: {  	[smem:$0x3FB7] =	sst s9;
	s0 =	simm.s32 @!p0 $0x0  }
0x12: {  	s1 =	sld [smem:$0x3F9D];
	s0 =	simm.s32 @p0 $0x1  }
0x13: {  	[smem:$0x3FB8] =	sst s0;
	s0 =	simm.s32 @!p1 $0x0  }
0x14: {  	s2 =	sld [smem:$0x3F9C];
	s0 =	simm.s32 @p1 $0x1  }
0x15: {  	[smem:$0x3FB9] =	sst s0;
	s0 =	simm.s32 @!p2 $0x0  }
0x16: {  	s3 =	sld [smem:$0x3FDB];
	s0 =	simm.s32 @p2 $0x1  }
0x17: {  	s4 =	simm.s32 $0x1BF5;
	[smem:$0x3FBB] =	sst s0  }
0x18: {  	s0 =	sld [smem:$0x3F9E];
	_ =	swait.ge [sflag:s4], $0x0  }
0x19: {  	s7 =	sld [smem:$0x3F9F]  }
0x1a: {  	s8 =	sadd.s32 $0xFFFFE003, lr  }
0x1b: {  	s9 =	sadd.s32 $0xFFFFFEF7, lr;
	s5 =	simm.s32 $0xFFFFFFFF;
	p2 =	slt.u32 s8, $0xFFFFF086  }
0x1c: {  	p1 =	slt.u32 s9, $0xF7A;
	s5 =	simm.s32 @!p2 $0x0  }
0x1d: {  	s5 =	simm.s32 @p1 $0x1;
	p0 =	seq.s32 s7, s2  }
0x1e: {  	s7 =	smul.u32 @!p0 $0xF7A, s2;
	p2 =	seq.s32 @!p0 s5, $0x0  }
0x1f: {  	s9 =	smul.u32 $0xF7A, s1;
	s8 =	simm.s32 @!p0 $0x1BF5;
	p2 =	por !p2, p0  }
0x20: {  	[sflag:s8] =	ssyncset.s32 @!p0 $0xFFFFF086;
	s6 =	sadd.s32 @!p0 s3, s7;
	s7 =	simm.s32 @!p0 $0x108  }
0x21: {  	s3 =	sadd.s32 s3, s9;
	s6 =	sadd.s32 @!p0 $0x88, s6;
	s7 =	simm.s32 @p2 $0x1082  }
0x22: {  	[simem:s7], [sflag:s8] =	dma.local @!p0 [hbm:s6], $0xF7A  }
0x23: {  	s9 =	sor.u32 $0xD0000000, s2;
	s6 =	simm.s32 $0x108;
	_ =	swait.ge @!p0 [sflag:s8], $0x0  }
0x24: {  	s3 =	sadd.s32 $0x88, s3;
	s6 =	simm.s32 @!p1 $0x1082;
	[sflag:s4] =	ssyncset.s32 $0xFFFFF086  }
0x25: {  	[simem:s6], [sflag:s4] =	dma.local [hbm:s3], $0xF7A  }
0x26: {  	[smem:$0x3F9F] =	sst s1;
	(tag) =	ssettag s2;
	_ =	strace s9  }
0x27: {  	s1 =	sld [smem:$0x3FAF]  }
0x28: {  	s2 =	sld [smem:$0x3FB0]  }
0x29: {  	s4 =	sld [smem:$0x3FB2]  }
0x2a: {  	p0 =	seq.s32 s5, $0x0;
	s5 =	sld [smem:$0x3FB3]  }
0x2b: {  	s6 =	sld [smem:$0x3FB4]  }
0x2c: {  	s7 =	sld [smem:$0x3FB5]  }
0x2d: {  	s3 =	simm.s32 $0x108;
	s8 =	sld [smem:$0x3FB6]  }
0x2e: {  	s3 =	simm.s32 @!p0 $0x1082;
	s9 =	sld [smem:$0x3FB7]  }
0x2f: {  	lr =	sadd.s32 s0, s3;
	s0 =	sld [smem:$0x3FAE]  }
0x30: {  	s3 =	sld [smem:$0x3FB1]  }
0x31: {  	[smem:$0x3FBA] =	sst s10  }
0x32: {  	s10 =	sld [smem:$0x3FB8];
	_ =	sdelay $0x3  }
0x33: {  	p0 =	seq.s32 s10, $0x1;
	s10 =	sld [smem:$0x3FBA];
	_ =	sdelay $0x3  }
0x34: {  	[smem:$0x3FBA] =	sst s10  }
0x35: {  	s10 =	sld [smem:$0x3FB9];
	_ =	sdelay $0x3  }
0x36: {  	p1 =	seq.s32 s10, $0x1;
	s10 =	sld [smem:$0x3FBA];
	_ =	sdelay $0x3  }
0x37: {  	[smem:$0x3FBA] =	sst s10  }
0x38: {  	s10 =	sld [smem:$0x3FBB]  }
0x39: {  	_ = 	snop;
	(pc) =	sbr.ind lr, $3  }
0x3a: {  	_ = 	snop  }
0x3b: {  	_ = 	snop  }
0x3c: {  	p2 =	seq.s32 s10, $0x1;
	s10 =	sld [smem:$0x3FBA]  }
0x3d: {  	_ =	shalt  }
0x3e: {  	_ =	shalt  }
0x3f: {  	_ =	shalt  }
0x40: {  	_ =	shalt  }
0x41: {  	_ =	shalt  }
0x42: {  	_ =	shalt  }
0x43: {  	_ =	shalt  }
0x44: {  	_ =	shalt  }
0x45: {  	_ =	shalt  }
0x46: {  	_ =	shalt  }
0x47: {  	_ =	shalt  }
0x48: {  	_ =	shalt  }
0x49: {  	_ =	shalt  }
0x4a: {  	_ =	shalt  }
0x4b: {  	_ =	shalt  }
0x4c: {  	_ =	shalt  }
0x4d: {  	_ =	shalt  }
0x4e: {  	_ =	shalt  }
0x4f: {  	_ =	shalt  }
0x50: {  	_ =	shalt  }
0x51: {  	_ =	shalt  }
0x52: {  	_ =	shalt  }
0x53: {  	_ =	shalt  }
0x54: {  	_ =	shalt  }
0x55: {  	_ =	shalt  }
0x56: {  	_ =	shalt  }
0x57: {  	_ =	shalt  }
0x58: {  	_ =	shalt  }
0x59: {  	_ =	shalt  }
0x5a: {  	_ =	shalt  }
0x5b: {  	_ =	shalt  }
0x5c: {  	_ =	shalt  }
0x5d: {  	_ =	shalt  }
0x5e: {  	_ =	shalt  }
0x5f: {  	_ =	shalt  }
0x60: {  	_ =	shalt  }
0x61: {  	_ =	shalt  }
0x62: {  	_ =	shalt  }
0x63: {  	_ =	shalt  }
0x64: {  	_ =	shalt  }
0x65: {  	_ =	shalt  }
0x66: {  	_ =	shalt  }
0x67: {  	_ =	shalt  }
0x68: {  	_ =	shalt  }
0x69: {  	_ =	shalt  }
0x6a: {  	_ =	shalt  }
0x6b: {  	_ =	shalt  }
0x6c: {  	_ =	shalt  }
0x6d: {  	_ =	shalt  }
0x6e: {  	_ =	shalt  }
0x6f: {  	_ =	shalt  }
0x70: {  	_ =	shalt  }
0x71: {  	_ =	shalt  }
0x72: {  	_ =	shalt  }
0x73: {  	_ =	shalt  }
0x74: {  	_ =	shalt  }
0x75: {  	_ =	shalt  }
0x76: {  	_ =	shalt  }
0x77: {  	_ =	shalt  }
0x78: {  	_ =	shalt  }
0x79: {  	_ =	shalt  }
0x7a: {  	_ =	shalt  }
0x7b: {  	_ =	shalt  }
0x7c: {  	_ =	shalt  }
0x7d: {  	_ =	shalt  }
0x7e: {  	_ =	shalt  }
0x7f: {  	_ =	shalt  }
0x80: {  	_ =	shalt  }
0x81: {  	_ =	shalt  }
0x82: {  	_ =	shalt  }
0x83: {  	_ =	shalt  }
0x84: {  	_ =	shalt  }
0x85: {  	_ =	shalt  }
0x86: {  	_ =	shalt  }
0x87: {  	_ =	shalt  }
.Lfunc_end0:
.L_simem_size_0:
called_computation_lowered:
.L_overlay_start_0:
0x88: {  	s2 =	sld [smem:$0x3FD9]  }
0x89: {  	s3 =	sld [smem:$0x3FFE];
	_ =	sdelay $0x1  }
0x8a: {  	s1 =	srdreg.scid  }
0x8b: {  	s0 =	sand.u32 $0x1, s1  }
0x8c: {  	s18 =	sshll.u32 s0, $0xA;
	s2 =	sadd.s32 s3, s2  }
0x8d: {  	s2 =	sadd.s32 s2, s18  }
0x8e: {  	[smem:$0x3FC6] =	sst s2  }
0x8f: {  	_ = 	snop  }
0x90: {  	s2 =	sld [smem:$0x3FC9]  }
0x91: {  	s19 =	sld [smem:$0x3FC8]  }
0x92: {  	s4 =	sld [smem:$0x3FD0];
	(tm) =	ssettm $0x1  }
0x93: {  	s5 =	sld [smem:$0x3FFB];
	_ =	sdelay $0x3  }
0x94: {  	_ =	strace s5  }
0x95: {  	s5 =	sld [smem:$0x3FFC];
	_ =	sdelay $0x3  }
0x96: {  	_ =	strace s5  }
0x97: {  	s5 =	sld [smem:$0x3FFD];
	_ =	sdelay $0x3  }
0x98: {  	_ =	strace s5  }
0x99: {  	_ =	strace $0x8FFFFFFF  }
0x9a: {  	s20 =	sld [smem:$0x3FDB];
	_ =	sdelay $0x1  }
0x9b: {  	s6 =	simm.s32 $_scs_section_size  }
0x9c: {  	s7 =	simm.s32 $_size__tile_overlayer_lowered;
	s8 =	simm.s32 $_tile_overlayer_lowered  }
0x9d: {  	s23 =	simm.s32 $0x1BFF;
	s22 =	sshll.u32 s8, $0x1;
	s5 =	sadd.s32 s6, s20  }
0x9e: {  	s9 =	simm.s32 $0x0;
	s21 =	sshll.u32 s7, $0x1;
	s7 =	sadd.s32 s22, s5  }
0x9f: {  	[timem:s9], [sflag:s23] =	dma.local [hbm:s7], s21  }
0xa0: {  	_ =	swait.ge [sflag:s23], s21  }
0xa1: {  	s6 =	ssub.s32 $0x0, s21;
	[sflag:s23] =	ssyncset.done $0x0  }
0xa2: {  	[sflag:s23] =	ssyncadd.s32 s6;
	_ =	sdelay $0x1  }
0xa3: {  	s24 =	simm.s32 $0x1B8B  }
0xa4: {  	_ =	swait.ge [sflag:s24], $0x1  }
0xa5: {  	[sflag:s24] =	ssyncset.done $0x0  }
0xa6: {  	s25 =	simm.s32 $0x1B8E;
	[sflag:s24] =	ssyncadd.s32 $0xFFFFFFFF  }
0xa7: {  	s26 =	simm.s32 $execute0_lowered;
	[smem:$0x3FD2] =	sst s25  }
0xa8: {  	s6 =	sshll.u32 s26, $0x1;
	_ =	strace $0x80000046;
	[dreg:$0x1] =	wrdreg $0xFFFFFFFF  }
0xa9: {  	s28 =	simm.s32 $_size_execute0_lowered;
	s5 =	sadd.s32 s5, s6;
	[dreg:$0x0] =	wrdreg $0x0  }
0xaa: {  	s6 =	sshll.u32 s28, $0x1;
	[dreg:$0x2] =	wrdreg s5  }
0xab: {  	[dreg:$0x3] =	wrdreg s6  }
0xac: {  	[dreg:$0x4] =	wrdreg $0xC0  }
0xad: {  	_ =	task [dreg:s9], $0x5FFFF  }
0xae: {  	[dreg:$0x1] =	wrdreg $0xFFFFFFFF  }
0xaf: {  	[dreg:$0x0] =	wrdreg $0x60  }
0xb0: {  	[dreg:$0x2] =	wrdreg s2  }
0xb1: {  	[dreg:$0x3] =	wrdreg s19  }
0xb2: {  	[dreg:$0x4] =	wrdreg s4  }
0xb3: {  	[dreg:$0x5] =	wrdreg $0x9  }
0xb4: {  	_ =	task.clear_ibuf [dreg:s9], $0x6FFFF;
	_ =	strace $0x90000046  }
0xb5: {  	s29 =	simm.s32 $0x9;
	_ =	strace $0x80000048  }
0xb6: {  	_ =	swait.ge [sflag:s29], $0x1  }
0xb7: {  	[sflag:s29] =	ssyncadd.s32 $0xFFFFFFFF  }
0xb8: {  	_ =	strace $0x90000048  }
0xb9: {  	_ =	sfence  }
0xba: {  	s30 =	sld [smem:$0x0];
	_ =	sdelay $0x2  }
0xbb: {  	s31 =	sshll.u32 s1, $0xD;
	s1 =	sshrl.u32 s1, $0x2  }
0xbc: {  	s3 =	sand.u32 $0x4000, s31;
	s1 =	sadd.s32 s1, s30  }
0xbd: {  	s0 =	sor.u32 s3, s0;
	s1 =	sshll.u32 s1, $0x11  }
0xbe: {  	s0 =	sor.u32 s1, s0  }
0xbf: {  	s0 =	sadd.s32 $0x8F2B, s0  }
0xc0: {  	[sflag:s0] =	ssyncadd.remote.s32 $0x1  }
0xc1: {  	_ =	sfence.sel $0xFFFF  }
0xc2: {  	[dreg:$0x0] =	wrdreg $0xFFFFFFFF;
	(pc) =	sbr.abs _section_cstart, $3  }
0xc3: {  	[dreg:$0x1] =	wrdreg $0xFFFFFFFF  }
0xc4: {  	_ =	task.clear_ibuf [dreg:s9], $0x2FFFF;
	_ =	strace $0x9FFFFFFF  }
0xc5: {  	(tm) =	ssettm $0x7FFFFFFF  }
tec
execute0_lowered:
.L_overlay_start_1:
0x0: {  	(tag) =	ssettag $0x1  }
0x1: {  	s6 =	rddreg [dreg:$0x0]  }
0x2: {  	s2 =	rddreg [dreg:$0x1];
	s1 =	srdreg.scid  }
0x3: {  	s0 =	stileid.u32;
	s14 =	rddreg [dreg:$0x2]  }
0x4: {  	s3 =	simm.s32 $0x0;
	s17 =	simm.s32 $0x2;
	s18 =	simm.s32 $0xE80  }
0x5: {  	s19 =	simm.s32 $0xEE80;
	s4 =	sand.u32 $0x1, s1;
	s5 =	sshll.u32 s0, $0x1  }
0x6: {  	s20 =	simm.s32 $0x1;
	s1 =	rddreg [dreg:$0x3];
	s16 =	sor.u32 s4, s5  }
0x7: {  	s21 =	simm.s32 $0x0;
	[smem:$0x7FF] =	sst s3;
	s5 =	smul.u32 $0xC40, s16  }
0x8: {  	_ =	strace $0x80000047;
	s7 =	ssub.s32 $0x2, s4;
	s8 =	smul.u32 $0x62000, s16  }
0x9: {  	s31 =	sshrl.u32 s7, $0x1;
	s9 =	smul.u32 $0xC400, s16;
	p0 =	seq.s32 s16, $0x1F  }
0xa: {  	s16 =	simm.s32 $0xC80;
	s15 =	ssub.s32 s7, s31;
	s30 =	sshrl.u32 s5, $0x3  }
.Ltmp0:
0xb: {  	s8 =	sshrl.u32 s8, $0x3;
	s7 =	sadd.s32 s14, s9;
	(pc) =	sbr.rel .LBB2_1-.Ltmp0, $4  }
0xc: {  	s15 =	smax.u32 s15, $0x1;
	s4 =	sadd.s32 s6, s30;
	s6 =	sadd.s32 $0x30C8, s6  }
0xd: {  	s13 =	sadd.s32 s14, s8;
	s14 =	sadd.s32 $0x186400, s14;
	s5 =	sadd.s32 $0x150, s4  }
0xe: {  	s8 =	sadd.s32 $0x1C00, s13;
	s9 =	sadd.s32 $0x3800, s13;
	s10 =	sadd.s32 $0x5400, s13  }
0xf: {  	s11 =	sadd.s32 $0x7000, s13;
	s12 =	sadd.s32 $0x8C00, s13;
	s13 =	sadd.s32 $0xA800, s13  }
.LBB2_16:
0x10: {  	[tilespmem:s22+$0xA0] =	vst v24  }
0x11: {  	[tilespmem:s22+$0x100] =	vst v16  }
0x12: {  	[tilespmem:s22+$0x110] =	vst v17  }
0x13: {  	[tilespmem:s22+$0x120] =	vst v19  }
0x14: {  	[tilespmem:s22+$0x130] =	vst v20  }
0x15: {  	v23 =	vld.idx.msk [tilespmem:v23+s3+$0x0], $0xffff;
	[tilespmem:s22+$0x140] =	vst v18  }
0x16: {  	[tilespmem:s22+$0x150] =	vst v22  }
0x17: {  	v45 =	vsel vm1, v5, v25;
	v46 =	vnsel vm2, $0x0, v11;
	[tilespmem:s22+$0x160] =	vst v21  }
0x18: {  	v48 =	vnsel vm2, $0x0, v10;
	[tilespmem:s22+$0xB0] =	vst v45;
	v47 =	vsel vm1, v4, v46  }
0x19: {  	v50 =	vnsel vm2, $0x0, v9;
	v49 =	vsel vm1, v2, v48;
	[tilespmem:s22+$0xC0] =	vst v47  }
0x1a: {  	v52 =	vnsel vm2, $0x0, v3;
	v51 =	vsel vm1, v1, v50;
	[tilespmem:s22+$0xD0] =	vst v49;
	vm0 =	veq.s32 v23, $0x2  }
0x1b: {  	v53 =	vsel vm1, v0, v52;
	[tilespmem:s22+$0xE0] =	vst v51;
	vm15 =	veq.s32 v23, $0x1;
	v14 =	vnsel vm0, $0x0, v14  }
0x1c: {  	[tilespmem:s22+$0xF0] =	vst v53;
	v15 =	vnsel vm0, $0x0, v15;
	v8 =	vsel vm15, v8, v14  }
0x1d: {  	v13 =	vnsel vm0, $0x0, v13;
	v7 =	vsel vm15, v7, v15;
	[tilespmem:s22+$0x180] =	vst v8  }
0x1e: {  	v54 =	vnsel vm0, $0x0, v12;
	v6 =	vsel vm15, v6, v13;
	[tilespmem:s22+$0x190] =	vst v7  }
0x1f: {  	v55 =	vnsel vm0, $0x0, v11;
	v56 =	vsel vm15, v5, v54;
	[tilespmem:s22+$0x1A0] =	vst v6  }
0x20: {  	v57 =	vnsel vm0, $0x0, v10;
	v58 =	vsel vm15, v4, v55;
	[tilespmem:s22+$0x1B0] =	vst v56  }
0x21: {  	v59 =	vnsel vm0, $0x0, v9;
	v60 =	vsel vm15, v2, v57;
	[tilespmem:s22+$0x1C0] =	vst v58  }
0x22: {  	v61 =	vnsel vm0, $0x0, v3;
	v62 =	vsel vm15, v1, v59;
	[tilespmem:s22+$0x1D0] =	vst v60  }
0x23: {  	v63 =	vsel vm15, v0, v61;
	[tilespmem:s22+$0x1E0] =	vst v62  }
0x24: {  	[tilespmem:s22+$0x1F0] =	vst v63  }
0x25: {  	[hbm4b:s13+s3] =	stream.linear.scatter [tilespmem:s18], [sflag:$0x1], $0xE000, $0x38;
	[tilespmem:$0x1CE80] =	vst v63  }
0x26: {  	_ =	swait.ge [sflag:s20], $0xE000  }
0x27: {  	[sflag:s20] =	ssyncset.done $0x0  }
0x28: {  	[sflag:s20] =	ssyncadd.s32 $0xFFFF2000  }
0x29: {  	_ =	swait.ge [sflag:s20], $0xE000  }
0x2a: {  	[sflag:s20] =	ssyncset.done $0x0  }
0x2b: {  	[sflag:s20] =	ssyncadd.s32 $0xFFFF2000  }
.LBB2_20:
0x2c: {  	s21 =	sadd.s32 $0x1, s21  }
0x2d: {  	p1 =	sne.s32 s21, s15  }
.Ltmp1:
0x2e: {  	_ = 	snop;
	(pc) =	sbr.rel @!p1 .LBB2_21-.Ltmp1, $1  }
0x2f: {  	_ =	sdelay $0x3  }
.LBB2_1:
0x30: {  	[tilespmem:s16], [sflag:$0x2] =	stream.linear.gather [hbm4b:s2+s3], $0x180, $0x38;
	[tilespmem:$0x1CE80] =	vst v63  }
0x31: {  	_ = 	snop  }
0x32: {  	[tilespmem:s3], [sflag:$0x2] =	stream.linear.gather [hbm4b:s4+s3], $0xA80, $0x38;
	[tilespmem:$0x1CE80] =	vst v63  }
0x33: {  	s22 =	simm.s32 @p0 $0x0;
	s23 =	simm.s32 @p0 $0xA80  }
0x34: {  	[tilespmem:s23], [sflag:$0x2] =	stream.linear.gather @p0 [hbm4b:s6+s22], $0x60, $0x38;
	[tilespmem:$0x1CE80] =	vst v63  }
0x35: {  	s22 =	simm.s32 @!p0 $0x0;
	s23 =	simm.s32 @!p0 $0xA80  }
0x36: {  	[tilespmem:s23], [sflag:$0x2] =	stream.linear.gather @!p0 [hbm4b:s5+s22], $0x1C0, $0x38;
	[tilespmem:$0x1CE80] =	vst v63  }
0x37: {  	_ =	swait.ge [sflag:s17], $0x180  }
0x38: {  	[sflag:s17] =	ssyncset.done $0x0  }
0x39: {  	[sflag:s17] =	ssyncadd.s32 $0xFFFFFE80  }
0x3a: {  	_ =	swait.ge [sflag:s17], $0xA80  }
0x3b: {  	[sflag:s17] =	ssyncset.done $0x0  }
0x3c: {  	s22 =	simm.s32 @p0 $0x2;
	[sflag:s17] =	ssyncadd.s32 $0xFFFFF580  }
0x3d: {  	_ =	swait.ge @p0 [sflag:s22], $0x60  }
0x3e: {  	[sflag:s22] =	ssyncset.done @p0 $0x0  }
0x3f: {  	[sflag:s22] =	ssyncadd.s32 @p0 $0xFFFFFFA0;
	s22 =	simm.s32 @!p0 $0x2  }
0x40: {  	_ =	swait.ge @!p0 [sflag:s22], $0x1C0  }
0x41: {  	[sflag:s22] =	ssyncset.done @!p0 $0x0  }
0x42: {  	[sflag:s22] =	ssyncadd.s32 @!p0 $0xFFFFFE40  }
0x43: {  	s30 =	simm.s32 $0x6;
	v8 =	vld [tilespmem:$0xD00]  }
0x44: {  	s31 =	simm.s32 $0x1;
	v0 =	vmov s30;
	v7 =	vld [tilespmem:$0xD10]  }
0x45: {  	v1 =	vmov s31;
	v0 =	vand.u32 $0xFFFFFFFE, v0;
	v6 =	vld [tilespmem:$0xD20]  }
0x46: {  	v1 =	vand.u32 $0xFFFFFFF9, v1;
	v9 =	vbroadcast v0, $0x0;
	v5 =	vld [tilespmem:$0xD30]  }
0x47: {  	v10 =	vbroadcast v1, $0x0;
	v4 =	vld [tilespmem:$0xD40]  }
0x48: {  	v2 =	vld [tilespmem:$0xD50]  }
0x49: {  	v1 =	vld [tilespmem:$0xD60]  }
0x4a: {  	v0 =	vld [tilespmem:$0xD70]  }
0x4b: {  	v3 =	vld [tilespmem:$0xDF0]  }
0x4c: {  	v9 =	vld.idx.msk [tilespmem:v9+s3+$0x0], $0xffff  }
0x4d: {  	v16 =	vld.idx.msk [tilespmem:v10+s3+$0x0], $0xffff  }
0x4e: {  	s24 =	simm.s32 $0x2;
	v14 =	vld [tilespmem:$0xD80]  }
0x4f: {  	v11 =	vmov s24;
	v15 =	vld [tilespmem:$0xD90]  }
0x50: {  	v10 =	vand.u32 $0xFFFFFFFA, v11;
	v13 =	vld [tilespmem:$0xDA0]  }
0x51: {  	v12 =	vld [tilespmem:$0xDB0];
	v17 =	vbroadcast v10, $0x0;
	vm1 =	veq.s32 v9, $0x2  }
0x52: {  	v11 =	vld [tilespmem:$0xDC0];
	vm2 =	veq.s32 v16, $0x2;
	vm0 =	veq.s32 v9, $0x1;
	v18 =	vnsel vm1, $0x0, v3  }
0x53: {  	s22 =	simm.s32 $0x1080;
	v10 =	vld [tilespmem:$0xDD0];
	vm3 =	veq.s32 v16, $0x1;
	v16 =	vnsel vm2, $0x0, v14;
	v18 =	vsel vm0, v0, v18  }
0x54: {  	v9 =	vld [tilespmem:$0xDE0];
	v19 =	vnsel vm2, $0x0, v15;
	v16 =	vsel vm3, v8, v16;
	[tilespmem:s22+$0x170] =	vst v18  }
0x55: {  	v20 =	vnsel vm2, $0x0, v13;
	v19 =	vsel vm3, v7, v19;
	[tilespmem:s22+$0xFFFFFE80] =	vst v16  }
0x56: {  	v21 =	vnsel vm1, $0x0, v15;
	v20 =	vsel vm3, v6, v20;
	[tilespmem:s22+$0xFFFFFE90] =	vst v19  }
0x57: {  	s25 =	simm.s32 $0x3;
	v22 =	vnsel vm1, $0x0, v13;
	v21 =	vsel vm0, v7, v21;
	[tilespmem:s22+$0xFFFFFEA0] =	vst v20  }
0x58: {  	v25 =	vnsel vm1, $0x0, v10;
	v17 =	vld.idx.msk [tilespmem:v17+s3+$0x0], $0xffff;
	v22 =	vsel vm0, v6, v22;
	v18 =	vmov s25;
	[tilespmem:s22+$0x110] =	vst v21  }
0x59: {  	v61 =	vsel vm0, v2, v25;
	[tilespmem:s22+$0x120] =	vst v22;
	v16 =	vand.u32 $0xFFFFFFFB, v18;
	v18 =	vnsel vm2, $0x0, v12  }
0x5a: {  	v19 =	vnsel vm2, $0x0, v11;
	[tilespmem:s22+$0x150] =	vst v61;
	v16 =	vbroadcast v16, $0x0;
	v18 =	vsel vm3, v5, v18  }
0x5b: {  	[tilespmem:s22+$0xFFFFFEB0] =	vst v18;
	v18 =	vsel vm3, v4, v19;
	v19 =	vnsel vm2, $0x0, v10  }
0x5c: {  	[tilespmem:s22+$0xFFFFFEC0] =	vst v18;
	v18 =	vsel vm3, v2, v19;
	v19 =	vnsel vm2, $0x0, v9  }
0x5d: {  	[tilespmem:s22+$0xFFFFFED0] =	vst v18;
	v18 =	vsel vm3, v1, v19;
	v19 =	vnsel vm2, $0x0, v3;
	vm2 =	veq.s32 v17, $0x2  }
0x5e: {  	s26 =	simm.s32 $0x4;
	[tilespmem:s22+$0xFFFFFEE0] =	vst v18;
	v18 =	vsel vm3, v0, v19;
	vm3 =	veq.s32 v17, $0x1;
	v17 =	vnsel vm2, $0x0, v14  }
0x5f: {  	v19 =	vmov s26;
	[tilespmem:s22+$0xFFFFFEF0] =	vst v18;
	v17 =	vsel vm3, v8, v17;
	v18 =	vnsel vm2, $0x0, v15  }
0x60: {  	v19 =	vand.u32 $0xFFFFFFFC, v19;
	v16 =	vld.idx.msk [tilespmem:v16+s3+$0x0], $0xffff;
	[tilespmem:s22+$0xFFFFFF00] =	vst v17;
	v17 =	vsel vm3, v7, v18;
	v18 =	vnsel vm2, $0x0, v13  }
0x61: {  	v19 =	vbroadcast v19, $0x0;
	[tilespmem:s22+$0xFFFFFF10] =	vst v17;
	v17 =	vsel vm3, v6, v18;
	v18 =	vnsel vm2, $0x0, v12  }
0x62: {  	[tilespmem:s22+$0xFFFFFF20] =	vst v17;
	v17 =	vsel vm3, v5, v18;
	v18 =	vnsel vm2, $0x0, v11  }
0x63: {  	[tilespmem:s22+$0xFFFFFF30] =	vst v17;
	v17 =	vsel vm3, v4, v18;
	v18 =	vnsel vm2, $0x0, v10  }
0x64: {  	[tilespmem:s22+$0xFFFFFF40] =	vst v17;
	v17 =	vsel vm3, v2, v18;
	v18 =	vnsel vm2, $0x0, v9  }
0x65: {  	[tilespmem:s22+$0xFFFFFF50] =	vst v17;
	v17 =	vsel vm3, v1, v18;
	v18 =	vnsel vm2, $0x0, v3;
	vm2 =	veq.s32 v16, $0x2  }
0x66: {  	s28 =	simm.s32 $0x5;
	[tilespmem:s22+$0xFFFFFF60] =	vst v17;
	v17 =	vsel vm3, v0, v18;
	vm3 =	veq.s32 v16, $0x1;
	v16 =	vnsel vm2, $0x0, v14  }
0x67: {  	v18 =	vld.idx.msk [tilespmem:v19+s3+$0x0], $0xffff;
	v19 =	vmov s28;
	[tilespmem:s22+$0xFFFFFF70] =	vst v17;
	v16 =	vsel vm3, v8, v16;
	v17 =	vnsel vm2, $0x0, v15  }
0x68: {  	v19 =	vand.u32 $0xFFFFFFFD, v19;
	[tilespmem:s22+$0xFFFFFF80] =	vst v16;
	v16 =	vsel vm3, v7, v17;
	v17 =	vnsel vm2, $0x0, v13  }
0x69: {  	v19 =	vbroadcast v19, $0x0;
	[tilespmem:s22+$0xFFFFFF90] =	vst v16;
	v16 =	vsel vm3, v6, v17;
	v17 =	vnsel vm2, $0x0, v12  }
0x6a: {  	[tilespmem:s22+$0xFFFFFFA0] =	vst v16;
	v16 =	vsel vm3, v5, v17;
	v17 =	vnsel vm2, $0x0, v11  }
0x6b: {  	[tilespmem:s22+$0xFFFFFFB0] =	vst v16;
	v16 =	vsel vm3, v4, v17;
	v17 =	vnsel vm2, $0x0, v10  }
0x6c: {  	[tilespmem:s22+$0xFFFFFFC0] =	vst v16;
	v16 =	vsel vm3, v2, v17;
	v17 =	vnsel vm2, $0x0, v9  }
0x6d: {  	[tilespmem:s22+$0xFFFFFFD0] =	vst v16;
	v16 =	vsel vm3, v1, v17;
	v17 =	vnsel vm2, $0x0, v3;
	vm2 =	veq.s32 v18, $0x2  }
0x6e: {  	vm4 =	veq.s32 v18, $0x1;
	[tilespmem:s22+$0xFFFFFFE0] =	vst v16;
	v16 =	vsel vm3, v0, v17;
	v17 =	vnsel vm2, $0x0, v14  }
0x6f: {  	s24 =	simm.s32 $0xA;
	v18 =	vld.idx.msk [tilespmem:v19+s3+$0x0], $0xffff;
	v19 =	vnsel vm1, $0x0, v14;
	[tilespmem:s22+$0xFFFFFFF0] =	vst v16;
	v16 =	vsel vm4, v8, v17  }
0x70: {  	s31 =	simm.s32 $0xB;
	v62 =	vmov s24;
	v17 =	vnsel vm2, $0x0, v15;
	v19 =	vsel vm0, v8, v19;
	[tilespmem:s22+$0x0] =	vst v16  }
0x71: {  	v63 =	vmov s31;
	v16 =	vsel vm4, v7, v17;
	v17 =	vnsel vm2, $0x0, v13;
	[tilespmem:s22+$0x100] =	vst v19  }
0x72: {  	v20 =	vmov s3;
	[tilespmem:s22+$0x10] =	vst v16;
	v16 =	vsel vm4, v6, v17;
	v17 =	vnsel vm2, $0x0, v12  }
0x73: {  	v20 =	vand.u32 $0xFFFFFFF8, v20;
	[tilespmem:s22+$0x20] =	vst v16;
	v16 =	vsel vm4, v5, v17;
	v17 =	vnsel vm2, $0x0, v11  }
0x74: {  	v20 =	vbroadcast v20, $0x0;
	[tilespmem:s22+$0x30] =	vst v16;
	v16 =	vsel vm4, v4, v17;
	v17 =	vnsel vm2, $0x0, v10  }
0x75: {  	vm3 =	veq.s32 v18, $0x2;
	[tilespmem:s22+$0x40] =	vst v16;
	v16 =	vsel vm4, v2, v17;
	v17 =	vnsel vm2, $0x0, v9  }
0x76: {  	s29 =	simm.s32 $0x7;
	[tilespmem:s22+$0x50] =	vst v16;
	v16 =	vsel vm4, v1, v17;
	v17 =	vnsel vm2, $0x0, v3;
	vm2 =	veq.s32 v18, $0x1  }
0x77: {  	v18 =	vmov s29;
	[tilespmem:s22+$0x60] =	vst v16;
	v16 =	vsel vm4, v0, v17;
	v17 =	vnsel vm3, $0x0, v14  }
0x78: {  	v23 =	vnsel vm1, $0x0, v12;
	[tilespmem:s22+$0x70] =	vst v16;
	v16 =	vsel vm2, v8, v17;
	v17 =	vnsel vm3, $0x0, v15  }
0x79: {  	v24 =	vnsel vm1, $0x0, v11;
	[tilespmem:s22+$0x80] =	vst v16;
	v16 =	vsel vm2, v7, v17;
	v17 =	vnsel vm3, $0x0, v13  }
0x7a: {  	v21 =	vand.u32 $0xFFFFFFFA, v62;
	v20 =	vld.idx.msk [tilespmem:v20+s3+$0x0], $0xffff;
	[tilespmem:s22+$0x90] =	vst v16;
	v16 =	vsel vm2, v6, v17;
	v17 =	vnsel vm3, $0x0, v12  }
0x7b: {  	s30 =	simm.s32 $0x9;
	v21 =	vbroadcast v21, $0x0;
	[tilespmem:s22+$0xA0] =	vst v16;
	v16 =	vsel vm2, v5, v17;
	v17 =	vnsel vm3, $0x0, v11  }
0x7c: {  	v19 =	vmov s30;
	v18 =	vld.idx.msk [tilespmem:v18+s3+$0x0], $0xffff;
	[tilespmem:s22+$0xB0] =	vst v16;
	v16 =	vsel vm2, v4, v17;
	v17 =	vnsel vm3, $0x0, v10  }
0x7d: {  	v19 =	vand.u32 $0xFFFFFFF9, v19;
	[tilespmem:s22+$0xC0] =	vst v16;
	v16 =	vsel vm2, v2, v17;
	v17 =	vnsel vm3, $0x0, v9  }
0x7e: {  	v22 =	vbroadcast v19, $0x0;
	[tilespmem:s22+$0xD0] =	vst v16;
	v16 =	vsel vm2, v1, v17;
	v17 =	vnsel vm3, $0x0, v3  }
0x7f: {  	v19 =	vand.u32 $0xFFFFFFFB, v63;
	vm3 =	veq.s32 v20, $0x1;
	[tilespmem:s22+$0xE0] =	vst v16;
	v16 =	vsel vm2, v0, v17  }
0x80: {  	v17 =	vnsel vm1, $0x0, v9;
	vm2 =	veq.s32 v20, $0x2;
	[tilespmem:s22+$0xF0] =	vst v16;
	v16 =	vsel vm0, v5, v23  }
0x81: {  	v23 =	vsel vm0, v4, v24;
	v17 =	vsel vm0, v1, v17;
	vm0 =	veq.s32 v18, $0x1;
	[tilespmem:s22+$0x130] =	vst v16  }
0x82: {  	s24 =	simm.s32 $0x10;
	s23 =	simm.s32 $0x8;
	s25 =	simm.s32 $0xE;
	vm1 =	veq.s32 v18, $0x2;
	v16 =	vbroadcast v19, $0x0;
	[tilespmem:s22+$0x140] =	vst v23;
	v19 =	vnsel vm2, $0x0, v14  }
.LBB2_2:
0x83: {  	p1 =	slt.u32 s24, $0x1B8;
	v18 =	vmov s25;
	v19 =	vsel vm3, v8, v19;
	v20 =	vnsel vm2, $0x0, v15;
	[tilespmem:s22+$0x160] =	vst v17  }
0x84: {  	v17 =	vand.u32 $0xFFFFFFFE, v18;
	[tilespmem:s22+$0xFFFFFE00] =	vst v19;
	v18 =	vsel vm3, v7, v20;
	v19 =	vnsel vm2, $0x0, v13  }
0x85: {  	v17 =	vbroadcast v17, $0x0;
	[tilespmem:s22+$0xFFFFFE10] =	vst v18;
	v18 =	vsel vm3, v6, v19;
	v19 =	vnsel vm2, $0x0, v12  }
0x86: {  	v20 =	vnsel vm1, $0x0, v14;
	[tilespmem:s22+$0xFFFFFE20] =	vst v18;
	v18 =	vsel vm3, v5, v19;
	v19 =	vnsel vm2, $0x0, v11  }
0x87: {  	v23 =	vnsel vm1, $0x0, v15;
	[tilespmem:s22+$0xFFFFFE30] =	vst v18;
	v18 =	vsel vm3, v4, v19;
	v19 =	vnsel vm2, $0x0, v10  }
0x88: {  	v24 =	vnsel vm1, $0x0, v13;
	v22 =	vld.idx.msk [tilespmem:v22+s3+$0x0], $0xffff;
	[tilespmem:s22+$0xFFFFFE40] =	vst v18;
	v18 =	vsel vm3, v2, v19;
	v19 =	vnsel vm2, $0x0, v9  }
0x89: {  	v25 =	vnsel vm1, $0x0, v12;
	[tilespmem:s22+$0xFFFFFE50] =	vst v18;
	v18 =	vsel vm3, v1, v19;
	v19 =	vnsel vm2, $0x0, v3  }
0x8a: {  	v26 =	vnsel vm1, $0x0, v10;
	[tilespmem:s22+$0xFFFFFE60] =	vst v18;
	v18 =	vsel vm3, v0, v19;
	v19 =	vnsel vm1, $0x0, v11  }
0x8b: {  	v27 =	vnsel vm1, $0x0, v3;
	v17 =	vld.idx.msk [tilespmem:v17+s3+$0x0], $0xffff;
	[tilespmem:s22+$0xFFFFFE70] =	vst v18;
	v18 =	vsel vm0, v8, v20;
	v20 =	vnsel vm1, $0x0, v9  }
0x8c: {  	[tilespmem:s22+$0x180] =	vst v18;
	v18 =	vsel vm0, v7, v23;
	v23 =	vsel vm0, v6, v24;
	v24 =	vsel vm0, v5, v25  }
0x8d: {  	v20 =	vsel vm0, v1, v20;
	[tilespmem:s22+$0x190] =	vst v18;
	v18 =	vsel vm0, v4, v19;
	v19 =	vsel vm0, v2, v26  }
0x8e: {  	vm1 =	veq.s32 v22, $0x1;
	vm2 =	veq.s32 v22, $0x2;
	v22 =	vsel vm0, v0, v27;
	[tilespmem:s22+$0x1A0] =	vst v23  }
0x8f: {  	v23 =	vnsel vm2, $0x0, v14;
	v25 =	vnsel vm2, $0x0, v15;
	v26 =	vnsel vm2, $0x0, v13;
	[tilespmem:s22+$0x1B0] =	vst v24  }
0x90: {  	v27 =	vnsel vm2, $0x0, v11;
	v23 =	vsel vm1, v8, v23;
	v24 =	vnsel vm2, $0x0, v12;
	[tilespmem:s22+$0x1C0] =	vst v18  }
0x91: {  	v18 =	vsel vm1, v7, v25;
	v25 =	vsel vm1, v6, v26;
	vm0 =	veq.s32 v17, $0x2;
	[tilespmem:s22+$0x1D0] =	vst v19  }
0x92: {  	vm3 =	veq.s32 v17, $0x1;
	v17 =	vnsel vm0, $0x0, v14;
	v19 =	vnsel vm0, $0x0, v3;
	[tilespmem:s22+$0x1E0] =	vst v20  }
0x93: {  	v26 =	vnsel vm0, $0x0, v13;
	v20 =	vnsel vm0, $0x0, v15;
	v19 =	vsel vm3, v0, v19;
	[tilespmem:s22+$0x1F0] =	vst v22;
	s22 =	sadd.s32 $0x400, s22  }
0x94: {  	v29 =	vnsel vm0, $0x0, v12;
	v30 =	vnsel vm0, $0x0, v11;
	v31 =	vnsel vm0, $0x0, v10;
	v28 =	vld.idx.msk [tilespmem:v21+s3+$0x0], $0xffff;
	[tilespmem:s22+$0x170] =	vst v19  }
0x95: {  	v22 =	vsel vm3, v7, v20;
	[tilespmem:s22+$0xFFFFFE80] =	vst v23;
	v23 =	vsel vm3, v8, v17;
	v17 =	vnsel vm0, $0x0, v9  }
0x96: {  	v20 =	vsel vm3, v5, v29;
	v21 =	vsel vm3, v6, v26;
	v19 =	vsel vm3, v4, v30;
	[tilespmem:s22+$0xFFFFFE90] =	vst v18  }
0x97: {  	v24 =	vsel vm1, v5, v24;
	v18 =	vsel vm3, v2, v31;
	v17 =	vsel vm3, v1, v17;
	[tilespmem:s22+$0xFFFFFEA0] =	vst v25  }
0x98: {  	v25 =	vnsel vm2, $0x0, v10;
	[tilespmem:s22+$0xFFFFFEB0] =	vst v24;
	v24 =	vsel vm1, v4, v27  }
0x99: {  	[tilespmem:s22+$0xFFFFFEC0] =	vst v24;
	v24 =	vsel vm1, v2, v25;
	v25 =	vnsel vm2, $0x0, v9  }
0x9a: {  	[tilespmem:s22+$0xFFFFFED0] =	vst v24;
	v24 =	vsel vm1, v1, v25;
	v25 =	vnsel vm2, $0x0, v3;
	vm2 =	veq.s32 v28, $0x2  }
0x9b: {  	s25 =	sadd.s32 $0x4, s23;
	vm0 =	veq.s32 v28, $0x1;
	[tilespmem:s22+$0xFFFFFEE0] =	vst v24;
	v24 =	vsel vm1, v0, v25;
	v25 =	vnsel vm2, $0x0, v14  }
0x9c: {  	v26 =	vmov s25;
	[tilespmem:s22+$0xFFFFFEF0] =	vst v24;
	v24 =	vsel vm0, v8, v25;
	v25 =	vnsel vm2, $0x0, v15;
	v16 =	vld.idx.msk [tilespmem:v16+s3+$0x0], $0xffff  }
0x9d: {  	v26 =	vand.u32 $0xFFFFFFFC, v26;
	[tilespmem:s22+$0xFFFFFF00] =	vst v24;
	v24 =	vsel vm0, v7, v25;
	v25 =	vnsel vm2, $0x0, v13  }
0x9e: {  	v26 =	vbroadcast v26, $0x0;
	[tilespmem:s22+$0xFFFFFF10] =	vst v24;
	v24 =	vsel vm0, v6, v25;
	v25 =	vnsel vm2, $0x0, v12  }
0x9f: {  	[tilespmem:s22+$0xFFFFFF20] =	vst v24;
	v24 =	vsel vm0, v5, v25;
	v25 =	vnsel vm2, $0x0, v11  }
0xa0: {  	[tilespmem:s22+$0xFFFFFF30] =	vst v24;
	v24 =	vsel vm0, v4, v25;
	v25 =	vnsel vm2, $0x0, v10  }
0xa1: {  	[tilespmem:s22+$0xFFFFFF40] =	vst v24;
	v24 =	vsel vm0, v2, v25;
	v25 =	vnsel vm2, $0x0, v9  }
0xa2: {  	vm1 =	veq.s32 v16, $0x2;
	[tilespmem:s22+$0xFFFFFF50] =	vst v24;
	v24 =	vsel vm0, v1, v25;
	v25 =	vnsel vm2, $0x0, v3  }
0xa3: {  	s25 =	sadd.s32 $0x5, s23;
	[tilespmem:s22+$0xFFFFFF60] =	vst v24;
	v24 =	vsel vm0, v0, v25;
	vm0 =	veq.s32 v16, $0x1;
	v16 =	vnsel vm1, $0x0, v14  }
0xa4: {  	[tilespmem:s22+$0xFFFFFF70] =	vst v24;
	v16 =	vsel vm0, v8, v16;
	v24 =	vnsel vm1, $0x0, v15;
	v25 =	vld.idx.msk [tilespmem:v26+s3+$0x0], $0xffff;
	v26 =	vmov s25  }
0xa5: {  	[tilespmem:s22+$0xFFFFFF80] =	vst v16;
	v16 =	vsel vm0, v7, v24;
	v24 =	vnsel vm1, $0x0, v13;
	v26 =	vand.u32 $0xFFFFFFFD, v26  }
0xa6: {  	[tilespmem:s22+$0xFFFFFF90] =	vst v16;
	v16 =	vsel vm0, v6, v24;
	v24 =	vnsel vm1, $0x0, v12;
	v26 =	vbroadcast v26, $0x0  }
0xa7: {  	[tilespmem:s22+$0xFFFFFFA0] =	vst v16;
	v16 =	vsel vm0, v5, v24;
	v24 =	vnsel vm1, $0x0, v11  }
0xa8: {  	[tilespmem:s22+$0xFFFFFFB0] =	vst v16;
	v16 =	vsel vm0, v4, v24;
	v24 =	vnsel vm1, $0x0, v10  }
0xa9: {  	[tilespmem:s22+$0xFFFFFFC0] =	vst v16;
	v16 =	vsel vm0, v2, v24;
	v24 =	vnsel vm1, $0x0, v9  }
0xaa: {  	[tilespmem:s22+$0xFFFFFFD0] =	vst v16;
	v16 =	vsel vm0, v1, v24;
	v24 =	vnsel vm1, $0x0, v3;
	vm1 =	veq.s32 v25, $0x2  }
0xab: {  	[tilespmem:s22+$0xFFFFFFE0] =	vst v16;
	v16 =	vsel vm0, v0, v24;
	vm0 =	veq.s32 v25, $0x1;
	v24 =	vnsel vm1, $0x0, v14  }
0xac: {  	[tilespmem:s22+$0xFFFFFFF0] =	vst v16;
	v16 =	vsel vm0, v8, v24;
	v24 =	vnsel vm1, $0x0, v15;
	v25 =	vld.idx.msk [tilespmem:v26+s3+$0x0], $0xffff  }
0xad: {  	[tilespmem:s22+$0x0] =	vst v16;
	v16 =	vsel vm0, v7, v24;
	v24 =	vnsel vm1, $0x0, v13  }
0xae: {  	[tilespmem:s22+$0x10] =	vst v16;
	v16 =	vsel vm0, v6, v24;
	v24 =	vnsel vm1, $0x0, v12  }
0xaf: {  	[tilespmem:s22+$0x20] =	vst v16;
	v16 =	vsel vm0, v5, v24;
	v24 =	vnsel vm1, $0x0, v11  }
0xb0: {  	s25 =	sadd.s32 $0x7, s23;
	v26 =	vmov s23;
	s23 =	smov.u32 s24;
	[tilespmem:s22+$0x30] =	vst v16;
	v16 =	vsel vm0, v4, v24;
	v24 =	vnsel vm1, $0x0, v10  }
0xb1: {  	v27 =	vmov s25;
	[tilespmem:s22+$0x40] =	vst v16;
	v16 =	vsel vm0, v2, v24;
	v24 =	vnsel vm1, $0x0, v9  }
0xb2: {  	[tilespmem:s22+$0x50] =	vst v16;
	v16 =	vsel vm0, v1, v24;
	v24 =	vnsel vm1, $0x0, v3;
	vm1 =	veq.s32 v25, $0x2  }
0xb3: {  	[tilespmem:s22+$0x60] =	vst v16;
	v16 =	vsel vm0, v0, v24;
	vm0 =	veq.s32 v25, $0x1;
	v24 =	vnsel vm1, $0x0, v14  }
0xb4: {  	v25 =	vand.u32 $0xFFFFFFF8, v26;
	[tilespmem:s22+$0x70] =	vst v16;
	v16 =	vsel vm0, v8, v24;
	v24 =	vnsel vm1, $0x0, v15  }
0xb5: {  	v25 =	vbroadcast v25, $0x0;
	[tilespmem:s22+$0x80] =	vst v16;
	v16 =	vsel vm0, v7, v24;
	v24 =	vnsel vm1, $0x0, v13  }
0xb6: {  	[tilespmem:s22+$0x90] =	vst v16;
	v16 =	vsel vm0, v6, v24;
	v24 =	vnsel vm1, $0x0, v12  }
0xb7: {  	[tilespmem:s22+$0xA0] =	vst v16;
	v16 =	vsel vm0, v5, v24;
	v24 =	vnsel vm1, $0x0, v11  }
0xb8: {  	[tilespmem:s22+$0xB0] =	vst v16;
	v16 =	vsel vm0, v4, v24;
	v24 =	vnsel vm1, $0x0, v10  }
0xb9: {  	[tilespmem:s22+$0xC0] =	vst v16;
	v16 =	vsel vm0, v2, v24;
	v24 =	vnsel vm1, $0x0, v9  }
0xba: {  	[tilespmem:s22+$0xD0] =	vst v16;
	v16 =	vsel vm0, v1, v24;
	v24 =	vnsel vm1, $0x0, v3;
	v26 =	vld.idx.msk [tilespmem:v27+s3+$0x0], $0xffff  }
0xbb: {  	v25 =	vld.idx.msk [tilespmem:v25+s3+$0x0], $0xffff;
	[tilespmem:s22+$0xE0] =	vst v16;
	v16 =	vsel vm0, v0, v24  }
0xbc: {  	[tilespmem:s22+$0xF0] =	vst v16  }
0xbd: {  	s26 =	sadd.s32 $0x2, s24;
	s25 =	sadd.s32 $0x1, s24;
	[tilespmem:s22+$0x100] =	vst v23  }
.Ltmp2:
0xbe: {  	v16 =	vmov s25;
	s25 =	sadd.s32 $0x3, s24;
	v23 =	vmov s26;
	[tilespmem:s22+$0x110] =	vst v22;
	(pc) =	sbr.rel @p1 .LBB2_2-.Ltmp2, $4  }
0xbf: {  	v16 =	vand.u32 $0xFFFFFFF9, v16;
	v24 =	vmov s25;
	v23 =	vand.u32 $0xFFFFFFFA, v23;
	[tilespmem:s22+$0x120] =	vst v21  }
0xc0: {  	v22 =	vbroadcast v16, $0x0;
	v16 =	vand.u32 $0xFFFFFFFB, v24;
	v21 =	vbroadcast v23, $0x0;
	[tilespmem:s22+$0x130] =	vst v20  }
0xc1: {  	v16 =	vbroadcast v16, $0x0;
	vm0 =	veq.s32 v26, $0x1;
	vm2 =	veq.s32 v25, $0x2;
	[tilespmem:s22+$0x140] =	vst v19  }
0xc2: {  	s24 =	sadd.s32 $0x8, s24;
	s25 =	sadd.s32 $0x6, s23;
	vm1 =	veq.s32 v26, $0x2;
	vm3 =	veq.s32 v25, $0x1;
	v19 =	vnsel vm2, $0x0, v14;
	[tilespmem:s22+$0x150] =	vst v18  }
0xc3: {  	v18 =	vsel vm3, v8, v19;
	v19 =	vnsel vm2, $0x0, v15;
	[tilespmem:s22+$0x160] =	vst v17  }
0xc4: {  	[tilespmem:s22+$0xFFFFFE00] =	vst v18;
	v18 =	vsel vm3, v7, v19;
	v19 =	vnsel vm2, $0x0, v13  }
0xc5: {  	v17 =	vmov s25;
	[tilespmem:s22+$0xFFFFFE10] =	vst v18;
	v18 =	vsel vm3, v6, v19;
	v19 =	vnsel vm2, $0x0, v12  }
0xc6: {  	v17 =	vand.u32 $0xFFFFFFFE, v17;
	[tilespmem:s22+$0xFFFFFE20] =	vst v18;
	v18 =	vsel vm3, v5, v19;
	v19 =	vnsel vm2, $0x0, v11  }
0xc7: {  	v17 =	vbroadcast v17, $0x0;
	[tilespmem:s22+$0xFFFFFE30] =	vst v18;
	v18 =	vsel vm3, v4, v19;
	v19 =	vnsel vm2, $0x0, v10  }
0xc8: {  	[tilespmem:s22+$0xFFFFFE40] =	vst v18;
	v18 =	vsel vm3, v2, v19;
	v19 =	vnsel vm2, $0x0, v9  }
0xc9: {  	[tilespmem:s22+$0xFFFFFE50] =	vst v18;
	v18 =	vsel vm3, v1, v19;
	v19 =	vnsel vm2, $0x0, v3  }
0xca: {  	v20 =	vnsel vm1, $0x0, v14;
	[tilespmem:s22+$0xFFFFFE60] =	vst v18;
	v18 =	vsel vm3, v0, v19  }
0xcb: {  	v19 =	vnsel vm1, $0x0, v15;
	[tilespmem:s22+$0xFFFFFE70] =	vst v18;
	v18 =	vsel vm0, v8, v20  }
0xcc: {  	v22 =	vld.idx.msk [tilespmem:v22+s3+$0x0], $0xffff;
	v20 =	vnsel vm1, $0x0, v13;
	[tilespmem:s22+$0x180] =	vst v18;
	v18 =	vsel vm0, v7, v19  }
0xcd: {  	v17 =	vld.idx.msk [tilespmem:v17+s3+$0x0], $0xffff;
	v19 =	vnsel vm1, $0x0, v12;
	v20 =	vsel vm0, v6, v20;
	[tilespmem:s22+$0x190] =	vst v18  }
0xce: {  	v18 =	vnsel vm1, $0x0, v11;
	v19 =	vsel vm0, v5, v19;
	[tilespmem:s22+$0x1A0] =	vst v20  }
0xcf: {  	v20 =	vnsel vm1, $0x0, v10;
	v18 =	vsel vm0, v4, v18;
	[tilespmem:s22+$0x1B0] =	vst v19  }
0xd0: {  	v23 =	vnsel vm1, $0x0, v3;
	v19 =	vnsel vm1, $0x0, v9;
	v20 =	vsel vm0, v2, v20;
	[tilespmem:s22+$0x1C0] =	vst v18  }
0xd1: {  	vm2 =	veq.s32 v22, $0x2;
	vm3 =	veq.s32 v22, $0x1;
	v18 =	vsel vm0, v1, v19;
	[tilespmem:s22+$0x1D0] =	vst v20  }
0xd2: {  	v19 =	vsel vm0, v0, v23;
	vm1 =	veq.s32 v17, $0x2;
	[tilespmem:s22+$0x1E0] =	vst v18;
	v18 =	vnsel vm2, $0x0, v14  }
0xd3: {  	s26 =	sadd.s32 $0x400, s22;
	vm0 =	veq.s32 v17, $0x1;
	[tilespmem:s22+$0x1F0] =	vst v19;
	v17 =	vnsel vm1, $0x0, v3;
	v18 =	vsel vm3, v8, v18  }
0xd4: {  	v19 =	vnsel vm2, $0x0, v15;
	v17 =	vsel vm0, v0, v17;
	[tilespmem:s26+$0xFFFFFE80] =	vst v18  }
0xd5: {  	v20 =	vld.idx.msk [tilespmem:v21+s3+$0x0], $0xffff;
	v19 =	vsel vm3, v7, v19;
	[tilespmem:s26+$0x170] =	vst v17;
	v17 =	vnsel vm2, $0x0, v13  }
0xd6: {  	v18 =	vnsel vm2, $0x0, v12;
	[tilespmem:s26+$0xFFFFFE90] =	vst v19;
	v17 =	vsel vm3, v6, v17  }
0xd7: {  	v19 =	vnsel vm2, $0x0, v11;
	[tilespmem:s26+$0xFFFFFEA0] =	vst v17;
	v17 =	vsel vm3, v5, v18  }
0xd8: {  	v18 =	vnsel vm2, $0x0, v10;
	[tilespmem:s26+$0xFFFFFEB0] =	vst v17;
	v17 =	vsel vm3, v4, v19  }
0xd9: {  	[tilespmem:s26+$0xFFFFFEC0] =	vst v17;
	v17 =	vsel vm3, v2, v18;
	v18 =	vnsel vm2, $0x0, v9  }
0xda: {  	[tilespmem:s26+$0xFFFFFED0] =	vst v17;
	v17 =	vsel vm3, v1, v18;
	v18 =	vnsel vm2, $0x0, v3;
	vm2 =	veq.s32 v20, $0x2  }
0xdb: {  	s24 =	sadd.s32 $0x4, s23;
	[tilespmem:s26+$0xFFFFFEE0] =	vst v17;
	v17 =	vsel vm3, v0, v18;
	vm3 =	veq.s32 v20, $0x1;
	v18 =	vnsel vm2, $0x0, v14  }
0xdc: {  	v19 =	vmov s24;
	[tilespmem:s26+$0xFFFFFEF0] =	vst v17;
	v17 =	vsel vm3, v8, v18;
	v18 =	vnsel vm2, $0x0, v15  }
0xdd: {  	v16 =	vld.idx.msk [tilespmem:v16+s3+$0x0], $0xffff;
	v19 =	vand.u32 $0xFFFFFFFC, v19;
	[tilespmem:s26+$0xFFFFFF00] =	vst v17;
	v17 =	vsel vm3, v7, v18;
	v18 =	vnsel vm2, $0x0, v13  }
0xde: {  	v19 =	vbroadcast v19, $0x0;
	[tilespmem:s26+$0xFFFFFF10] =	vst v17;
	v17 =	vsel vm3, v6, v18;
	v18 =	vnsel vm2, $0x0, v12  }
0xdf: {  	[tilespmem:s26+$0xFFFFFF20] =	vst v17;
	v17 =	vsel vm3, v5, v18;
	v18 =	vnsel vm2, $0x0, v11  }
0xe0: {  	[tilespmem:s26+$0xFFFFFF30] =	vst v17;
	v17 =	vsel vm3, v4, v18;
	v18 =	vnsel vm2, $0x0, v10  }
0xe1: {  	[tilespmem:s26+$0xFFFFFF40] =	vst v17;
	v17 =	vsel vm3, v2, v18;
	v18 =	vnsel vm2, $0x0, v9  }
0xe2: {  	[tilespmem:s26+$0xFFFFFF50] =	vst v17;
	v17 =	vsel vm3, v1, v18;
	v18 =	vnsel vm2, $0x0, v3;
	vm2 =	veq.s32 v16, $0x2  }
0xe3: {  	s28 =	sadd.s32 $0x5, s23;
	[tilespmem:s26+$0xFFFFFF60] =	vst v17;
	v17 =	vsel vm3, v0, v18;
	vm3 =	veq.s32 v16, $0x1;
	v16 =	vnsel vm2, $0x0, v14  }
0xe4: {  	v18 =	vld.idx.msk [tilespmem:v19+s3+$0x0], $0xffff;
	v19 =	vmov s28;
	[tilespmem:s26+$0xFFFFFF70] =	vst v17;
	v16 =	vsel vm3, v8, v16;
	v17 =	vnsel vm2, $0x0, v15  }
0xe5: {  	v19 =	vand.u32 $0xFFFFFFFD, v19;
	[tilespmem:s26+$0xFFFFFF80] =	vst v16;
	v16 =	vsel vm3, v7, v17;
	v17 =	vnsel vm2, $0x0, v13  }
0xe6: {  	v19 =	vbroadcast v19, $0x0;
	[tilespmem:s26+$0xFFFFFF90] =	vst v16;
	v16 =	vsel vm3, v6, v17;
	v17 =	vnsel vm2, $0x0, v12  }
0xe7: {  	[tilespmem:s26+$0xFFFFFFA0] =	vst v16;
	v16 =	vsel vm3, v5, v17;
	v17 =	vnsel vm2, $0x0, v11  }
0xe8: {  	[tilespmem:s26+$0xFFFFFFB0] =	vst v16;
	v16 =	vsel vm3, v4, v17;
	v17 =	vnsel vm2, $0x0, v10  }
0xe9: {  	[tilespmem:s26+$0xFFFFFFC0] =	vst v16;
	v16 =	vsel vm3, v2, v17;
	v17 =	vnsel vm2, $0x0, v9  }
0xea: {  	[tilespmem:s26+$0xFFFFFFD0] =	vst v16;
	v16 =	vsel vm3, v1, v17;
	v17 =	vnsel vm2, $0x0, v3;
	vm2 =	veq.s32 v18, $0x2  }
0xeb: {  	[tilespmem:s26+$0xFFFFFFE0] =	vst v16;
	v16 =	vsel vm3, v0, v17;
	vm3 =	veq.s32 v18, $0x1;
	v17 =	vnsel vm2, $0x0, v14  }
0xec: {  	v18 =	vld.idx.msk [tilespmem:v19+s3+$0x0], $0xffff;
	v19 =	vnsel vm1, $0x0, v14;
	[tilespmem:s26+$0xFFFFFFF0] =	vst v16;
	v16 =	vsel vm3, v8, v17  }
0xed: {  	v17 =	vnsel vm2, $0x0, v15;
	v19 =	vsel vm0, v8, v19;
	[tilespmem:s26+$0x0] =	vst v16  }
0xee: {  	v16 =	vsel vm3, v7, v17;
	v17 =	vnsel vm2, $0x0, v13;
	[tilespmem:s26+$0x100] =	vst v19  }
0xef: {  	[tilespmem:s26+$0x10] =	vst v16;
	v16 =	vsel vm3, v6, v17;
	v17 =	vnsel vm2, $0x0, v12  }
0xf0: {  	[tilespmem:s26+$0x20] =	vst v16;
	v16 =	vsel vm3, v5, v17;
	v17 =	vnsel vm2, $0x0, v11  }
0xf1: {  	v19 =	vnsel vm1, $0x0, v12;
	[tilespmem:s26+$0x30] =	vst v16;
	v16 =	vsel vm3, v4, v17;
	v17 =	vnsel vm2, $0x0, v10  }
0xf2: {  	v19 =	vsel vm0, v5, v19;
	[tilespmem:s26+$0x40] =	vst v16;
	v16 =	vsel vm3, v2, v17;
	v17 =	vnsel vm2, $0x0, v9  }
0xf3: {  	[tilespmem:s26+$0x50] =	vst v16;
	v16 =	vsel vm3, v1, v17;
	v17 =	vnsel vm2, $0x0, v3;
	vm2 =	veq.s32 v18, $0x2  }
0xf4: {  	[tilespmem:s26+$0x60] =	vst v16;
	v16 =	vsel vm3, v0, v17;
	vm3 =	veq.s32 v18, $0x1;
	v18 =	vmov s23  }
0xf5: {  	[tilespmem:s26+$0x130] =	vst v19;
	v17 =	vnsel vm2, $0x0, v14;
	v18 =	vand.u32 $0xFFFFFFF8, v18  }
0xf6: {  	[tilespmem:s26+$0x70] =	vst v16;
	v16 =	vsel vm3, v8, v17;
	v17 =	vnsel vm2, $0x0, v15;
	v18 =	vbroadcast v18, $0x0  }
0xf7: {  	[tilespmem:s26+$0x80] =	vst v16;
	v16 =	vsel vm3, v7, v17;
	v17 =	vnsel vm2, $0x0, v13  }
0xf8: {  	[tilespmem:s26+$0x90] =	vst v16;
	v16 =	vsel vm3, v6, v17;
	v17 =	vnsel vm2, $0x0, v12  }
0xf9: {  	[tilespmem:s26+$0xA0] =	vst v16;
	v16 =	vsel vm3, v5, v17;
	v17 =	vnsel vm2, $0x0, v11  }
0xfa: {  	[tilespmem:s26+$0xB0] =	vst v16;
	v16 =	vsel vm3, v4, v17;
	v17 =	vnsel vm2, $0x0, v10  }
0xfb: {  	[tilespmem:s26+$0xC0] =	vst v16;
	v16 =	vsel vm3, v2, v17;
	v17 =	vnsel vm2, $0x0, v9  }
0xfc: {  	[tilespmem:s26+$0xD0] =	vst v16;
	v16 =	vsel vm3, v1, v17;
	v17 =	vnsel vm2, $0x0, v3;
	v18 =	vld.idx.msk [tilespmem:v18+s3+$0x0], $0xffff  }
0xfd: {  	[tilespmem:s26+$0xE0] =	vst v16;
	v16 =	vsel vm3, v0, v17;
	v17 =	vnsel vm1, $0x0, v15  }
0xfe: {  	s29 =	sadd.s32 $0x7, s23;
	[tilespmem:s26+$0xF0] =	vst v16;
	v16 =	vnsel vm1, $0x0, v13;
	v17 =	vsel vm0, v7, v17  }
0xff: {  	v20 =	vmov s29;
	v16 =	vsel vm0, v6, v16;
	[tilespmem:s26+$0x110] =	vst v17;
	v17 =	vnsel vm1, $0x0, v11  }
0x100: {  	[tilespmem:s26+$0x120] =	vst v16;
	v16 =	vnsel vm1, $0x0, v10;
	v17 =	vsel vm0, v4, v17  }
0x101: {  	v19 =	vnsel vm1, $0x0, v9;
	v16 =	vsel vm0, v2, v16;
	[tilespmem:s26+$0x140] =	vst v17;
	vm1 =	veq.s32 v18, $0x2  }
0x102: {  	v17 =	vsel vm0, v1, v19;
	vm2 =	veq.s32 v18, $0x1;
	[tilespmem:s26+$0x150] =	vst v16;
	v18 =	vnsel vm1, $0x0, v14  }
0x103: {  	[tilespmem:s26+$0x160] =	vst v17;
	v16 =	vsel vm2, v8, v18;
	v18 =	vnsel vm1, $0x0, v15  }
0x104: {  	v17 =	vld.idx.msk [tilespmem:v20+s3+$0x0], $0xffff;
	[tilespmem:s26+$0xFFFFFE00] =	vst v16;
	v16 =	vsel vm2, v7, v18;
	v18 =	vnsel vm1, $0x0, v13  }
0x105: {  	[tilespmem:s26+$0xFFFFFE10] =	vst v16;
	v16 =	vsel vm2, v6, v18;
	v18 =	vnsel vm1, $0x0, v12  }
0x106: {  	[tilespmem:s26+$0xFFFFFE20] =	vst v16;
	v16 =	vsel vm2, v5, v18;
	v18 =	vnsel vm1, $0x0, v11  }
0x107: {  	[tilespmem:s26+$0xFFFFFE30] =	vst v16;
	v16 =	vsel vm2, v4, v18;
	v18 =	vnsel vm1, $0x0, v10  }
0x108: {  	[tilespmem:s26+$0xFFFFFE40] =	vst v16;
	v16 =	vsel vm2, v2, v18;
	v18 =	vnsel vm1, $0x0, v9  }
0x109: {  	vm0 =	veq.s32 v17, $0x2;
	[tilespmem:s26+$0xFFFFFE50] =	vst v16;
	v16 =	vsel vm2, v1, v18;
	v18 =	vnsel vm1, $0x0, v3  }
0x10a: {  	v19 =	vnsel vm0, $0x0, v13;
	vm1 =	veq.s32 v17, $0x1;
	[tilespmem:s26+$0xFFFFFE60] =	vst v16;
	v16 =	vsel vm2, v0, v18  }
0x10b: {  	v17 =	vnsel vm0, $0x0, v14;
	v19 =	vsel vm1, v6, v19;
	[tilespmem:s26+$0xFFFFFE70] =	vst v16  }
0x10c: {  	v18 =	vnsel vm0, $0x0, v15;
	v16 =	vsel vm1, v8, v17;
	[tilespmem:s26+$0x1A0] =	vst v19  }
0x10d: {  	s31 =	simm.s32 $0x1C0;
	v17 =	vnsel vm0, $0x0, v12;
	[tilespmem:s26+$0x180] =	vst v16;
	v16 =	vsel vm1, v7, v18  }
0x10e: {  	s30 =	simm.s32 $0x1C6;
	v20 =	vnsel vm0, $0x0, v11;
	v19 =	vmov s31;
	v17 =	vsel vm1, v5, v17;
	[tilespmem:s26+$0x190] =	vst v16  }
0x10f: {  	v20 =	vsel vm1, v4, v20;
	v16 =	vmov s30;
	[tilespmem:s26+$0x1B0] =	vst v17;
	v17 =	vand.u32 $0xFFFFFFF8, v19  }
0x110: {  	v18 =	vnsel vm0, $0x0, v10;
	v16 =	vand.u32 $0xFFFFFFFE, v16;
	v17 =	vbroadcast v17, $0x0  }
0x111: {  	[tilespmem:s26+$0x1C0] =	vst v20;
	v19 =	vnsel vm0, $0x0, v9;
	v18 =	vsel vm1, v2, v18;
	v16 =	vbroadcast v16, $0x0  }
0x112: {  	v20 =	vnsel vm0, $0x0, v3;
	v19 =	vsel vm1, v1, v19;
	[tilespmem:s26+$0x1D0] =	vst v18  }
0x113: {  	v18 =	vsel vm1, v0, v20;
	[tilespmem:s26+$0x1E0] =	vst v19  }
0x114: {  	[tilespmem:s26+$0x1F0] =	vst v18  }
0x115: {  	[hbm4b:s7+s3] =	stream.linear.scatter [tilespmem:s18], [sflag:$0x1], $0xE000, $0x38;
	[tilespmem:$0x1CE80] =	vst v63  }
0x116: {  	s25 =	simm.s32 $0x1C1;
	v17 =	vld.idx.msk [tilespmem:v17+s3+$0x0], $0xffff  }
0x117: {  	v18 =	vmov s25;
	v16 =	vld.idx.msk [tilespmem:v16+s3+$0x0], $0xffff  }
0x118: {  	v18 =	vand.u32 $0xFFFFFFF9, v18  }
0x119: {  	v18 =	vbroadcast v18, $0x0;
	_ =	sdelay $0x1  }
0x11a: {  	vm2 =	veq.s32 v17, $0x2  }
0x11b: {  	vm3 =	veq.s32 v17, $0x1;
	vm1 =	veq.s32 v16, $0x2;
	v17 =	vnsel vm2, $0x0, v14  }
0x11c: {  	s22 =	simm.s32 $0xF080;
	vm0 =	veq.s32 v16, $0x1;
	v16 =	vnsel vm1, $0x0, v3;
	v17 =	vsel vm3, v8, v17  }
0x11d: {  	s26 =	simm.s32 $0x1C2;
	v19 =	vnsel vm2, $0x0, v15;
	v16 =	vsel vm0, v0, v16;
	[tilespmem:s22+$0xFFFFFE00] =	vst v17  }
0x11e: {  	v18 =	vld.idx.msk [tilespmem:v18+s3+$0x0], $0xffff;
	v20 =	vnsel vm2, $0x0, v13;
	v19 =	vsel vm3, v7, v19;
	[tilespmem:s22+$0x170] =	vst v16;
	v16 =	vmov s26  }
0x11f: {  	v20 =	vsel vm3, v6, v20;
	v17 =	vnsel vm2, $0x0, v12;
	[tilespmem:s22+$0xFFFFFE10] =	vst v19;
	v16 =	vand.u32 $0xFFFFFFFA, v16  }
0x120: {  	v19 =	vnsel vm2, $0x0, v11;
	[tilespmem:s22+$0xFFFFFE20] =	vst v20;
	v17 =	vsel vm3, v5, v17;
	v16 =	vbroadcast v16, $0x0  }
0x121: {  	[tilespmem:s22+$0xFFFFFE30] =	vst v17;
	v17 =	vsel vm3, v4, v19;
	v19 =	vnsel vm2, $0x0, v10  }
0x122: {  	[tilespmem:s22+$0xFFFFFE40] =	vst v17;
	v17 =	vsel vm3, v2, v19;
	v19 =	vnsel vm2, $0x0, v9  }
0x123: {  	[tilespmem:s22+$0xFFFFFE50] =	vst v17;
	v17 =	vsel vm3, v1, v19;
	v19 =	vnsel vm2, $0x0, v3;
	vm2 =	veq.s32 v18, $0x2  }
0x124: {  	[tilespmem:s22+$0xFFFFFE60] =	vst v17;
	v17 =	vsel vm3, v0, v19;
	vm3 =	veq.s32 v18, $0x1;
	v18 =	vnsel vm2, $0x0, v14  }
0x125: {  	s28 =	simm.s32 $0x1C3;
	[tilespmem:s22+$0xFFFFFE70] =	vst v17;
	v17 =	vsel vm3, v8, v18;
	v18 =	vnsel vm2, $0x0, v15  }
0x126: {  	v19 =	vmov s28;
	[tilespmem:s22+$0xFFFFFE80] =	vst v17;
	v17 =	vsel vm3, v7, v18;
	v18 =	vnsel vm2, $0x0, v13;
	v16 =	vld.idx.msk [tilespmem:v16+s3+$0x0], $0xffff  }
0x127: {  	v19 =	vand.u32 $0xFFFFFFFB, v19;
	[tilespmem:s22+$0xFFFFFE90] =	vst v17;
	v17 =	vsel vm3, v6, v18;
	v18 =	vnsel vm2, $0x0, v12  }
0x128: {  	v19 =	vbroadcast v19, $0x0;
	[tilespmem:s22+$0xFFFFFEA0] =	vst v17;
	v17 =	vsel vm3, v5, v18;
	v18 =	vnsel vm2, $0x0, v11  }
0x129: {  	[tilespmem:s22+$0xFFFFFEB0] =	vst v17;
	v17 =	vsel vm3, v4, v18;
	v18 =	vnsel vm2, $0x0, v10  }
0x12a: {  	[tilespmem:s22+$0xFFFFFEC0] =	vst v17;
	v17 =	vsel vm3, v2, v18;
	v18 =	vnsel vm2, $0x0, v9  }
0x12b: {  	[tilespmem:s22+$0xFFFFFED0] =	vst v17;
	v17 =	vsel vm3, v1, v18;
	v18 =	vnsel vm2, $0x0, v3;
	vm2 =	veq.s32 v16, $0x2  }
0x12c: {  	[tilespmem:s22+$0xFFFFFEE0] =	vst v17;
	v17 =	vsel vm3, v0, v18;
	vm3 =	veq.s32 v16, $0x1;
	v16 =	vnsel vm2, $0x0, v14  }
0x12d: {  	s29 =	simm.s32 $0x1C4;
	v21 =	vnsel vm1, $0x0, v15;
	[tilespmem:s22+$0xFFFFFEF0] =	vst v17;
	v17 =	vnsel vm2, $0x0, v15;
	v16 =	vsel vm3, v8, v16  }
0x12e: {  	v20 =	vmov s29;
	v19 =	vld.idx.msk [tilespmem:v19+s3+$0x0], $0xffff;
	[tilespmem:s22+$0xFFFFFF00] =	vst v16;
	v16 =	vsel vm3, v7, v17;
	v17 =	vnsel vm2, $0x0, v13  }
0x12f: {  	v20 =	vand.u32 $0xFFFFFFFC, v20;
	[tilespmem:s22+$0xFFFFFF10] =	vst v16;
	v16 =	vsel vm3, v6, v17;
	v17 =	vnsel vm2, $0x0, v12  }
0x130: {  	v20 =	vbroadcast v20, $0x0;
	[tilespmem:s22+$0xFFFFFF20] =	vst v16;
	v16 =	vsel vm3, v5, v17;
	v17 =	vnsel vm2, $0x0, v11  }
0x131: {  	v22 =	vnsel vm1, $0x0, v13;
	[tilespmem:s22+$0xFFFFFF30] =	vst v16;
	v16 =	vsel vm3, v4, v17;
	v17 =	vnsel vm2, $0x0, v10  }
0x132: {  	v23 =	vnsel vm1, $0x0, v12;
	[tilespmem:s22+$0xFFFFFF40] =	vst v16;
	v16 =	vsel vm3, v2, v17;
	v17 =	vnsel vm2, $0x0, v9  }
0x133: {  	[tilespmem:s22+$0xFFFFFF50] =	vst v16;
	v16 =	vsel vm3, v1, v17;
	v17 =	vnsel vm2, $0x0, v3;
	vm2 =	veq.s32 v19, $0x2  }
0x134: {  	[tilespmem:s22+$0xFFFFFF60] =	vst v16;
	v16 =	vsel vm3, v0, v17;
	vm3 =	veq.s32 v19, $0x1;
	v17 =	vnsel vm2, $0x0, v14  }
0x135: {  	s30 =	simm.s32 $0x1C5;
	v24 =	vnsel vm1, $0x0, v11;
	[tilespmem:s22+$0xFFFFFF70] =	vst v16;
	v16 =	vsel vm3, v8, v17;
	v17 =	vnsel vm2, $0x0, v15  }
0x136: {  	v19 =	vld.idx.msk [tilespmem:v20+s3+$0x0], $0xffff;
	v20 =	vmov s30;
	[tilespmem:s22+$0xFFFFFF80] =	vst v16;
	v16 =	vsel vm3, v7, v17;
	v17 =	vnsel vm2, $0x0, v13  }
0x137: {  	v20 =	vand.u32 $0xFFFFFFFD, v20;
	[tilespmem:s22+$0xFFFFFF90] =	vst v16;
	v16 =	vsel vm3, v6, v17;
	v17 =	vnsel vm2, $0x0, v12  }
0x138: {  	v20 =	vbroadcast v20, $0x0;
	[tilespmem:s22+$0xFFFFFFA0] =	vst v16;
	v16 =	vsel vm3, v5, v17;
	v17 =	vnsel vm2, $0x0, v11  }
0x139: {  	v25 =	vnsel vm1, $0x0, v10;
	[tilespmem:s22+$0xFFFFFFB0] =	vst v16;
	v16 =	vsel vm3, v4, v17;
	v17 =	vnsel vm2, $0x0, v10  }
0x13a: {  	v18 =	vnsel vm1, $0x0, v14;
	[tilespmem:s22+$0xFFFFFFC0] =	vst v16;
	v16 =	vsel vm3, v2, v17;
	v17 =	vnsel vm2, $0x0, v9  }
0x13b: {  	[tilespmem:s22+$0xFFFFFFD0] =	vst v16;
	v16 =	vsel vm3, v1, v17;
	v17 =	vnsel vm2, $0x0, v3;
	vm2 =	veq.s32 v19, $0x2  }
0x13c: {  	[tilespmem:s22+$0xFFFFFFE0] =	vst v16;
	v17 =	vsel vm3, v0, v17;
	vm3 =	veq.s32 v19, $0x1;
	v19 =	vnsel vm2, $0x0, v14  }
0x13d: {  	v16 =	vsel vm0, v8, v18;
	[tilespmem:s22+$0xFFFFFFF0] =	vst v17;
	v18 =	vsel vm3, v8, v19;
	v19 =	vnsel vm2, $0x0, v15  }
0x13e: {  	v17 =	vsel vm0, v7, v21;
	v21 =	vld.idx.msk [tilespmem:v20+s3+$0x0], $0xffff;
	[tilespmem:s22+$0x0] =	vst v18;
	v18 =	vsel vm3, v7, v19;
	v19 =	vnsel vm2, $0x0, v13  }
0x13f: {  	v26 =	vnsel vm1, $0x0, v9;
	v20 =	vnsel vm2, $0x0, v12;
	[tilespmem:s22+$0x10] =	vst v18;
	v18 =	vsel vm3, v6, v19  }
0x140: {  	v19 =	vsel vm0, v6, v22;
	v22 =	vnsel vm2, $0x0, v11;
	[tilespmem:s22+$0x20] =	vst v18;
	v18 =	vsel vm3, v5, v20  }
0x141: {  	v20 =	vsel vm0, v5, v23;
	v22 =	vsel vm3, v4, v22;
	v23 =	vnsel vm2, $0x0, v10;
	[tilespmem:s22+$0x30] =	vst v18  }
0x142: {  	v18 =	vsel vm0, v4, v24;
	[tilespmem:s22+$0x40] =	vst v22;
	v22 =	vsel vm3, v2, v23;
	v23 =	vnsel vm2, $0x0, v9  }
0x143: {  	[tilespmem:s22+$0x50] =	vst v22;
	v22 =	vsel vm3, v1, v23;
	v23 =	vnsel vm2, $0x0, v3;
	vm2 =	veq.s32 v21, $0x2  }
0x144: {  	vm1 =	veq.s32 v21, $0x1;
	[tilespmem:s22+$0x60] =	vst v22;
	v23 =	vsel vm3, v0, v23;
	v21 =	vnsel vm2, $0x0, v14  }
0x145: {  	s31 =	simm.s32 $0x1C7;
	v22 =	vsel vm0, v2, v25;
	v24 =	vnsel vm2, $0x0, v15;
	[tilespmem:s22+$0x70] =	vst v23;
	v23 =	vsel vm1, v8, v21  }
0x146: {  	v25 =	vnsel vm2, $0x0, v13;
	v24 =	vsel vm1, v7, v24;
	[tilespmem:s22+$0x80] =	vst v23;
	v23 =	vmov s31  }
0x147: {  	s23 =	simm.s32 $0x0;
	v21 =	vsel vm0, v1, v26;
	[tilespmem:s22+$0x90] =	vst v24;
	v24 =	vsel vm1, v6, v25;
	v25 =	vnsel vm2, $0x0, v12  }
.LBB2_4:
0x148: {  	s25 =	sadd.s32 $0x1C8, s23;
	[tilespmem:s22+$0xA0] =	vst v24;
	v24 =	vsel vm1, v5, v25;
	v25 =	vnsel vm2, $0x0, v11;
	s24 =	smov.u32 s23  }
0x149: {  	v26 =	vmov s25;
	[tilespmem:s22+$0xB0] =	vst v24;
	v24 =	vsel vm1, v4, v25;
	v25 =	vnsel vm2, $0x0, v10  }
0x14a: {  	v26 =	vand.u32 $0xFFFFFFF8, v26;
	[tilespmem:s22+$0xC0] =	vst v24;
	v24 =	vsel vm1, v2, v25;
	v25 =	vnsel vm2, $0x0, v9  }
0x14b: {  	s23 =	sadd.s32 $0x8, s23;
	s25 =	sadd.s32 $0x1CE, s24;
	v26 =	vbroadcast v26, $0x0;
	[tilespmem:s22+$0xD0] =	vst v24;
	v24 =	vsel vm1, v1, v25;
	v25 =	vnsel vm2, $0x0, v3;
	v23 =	vld.idx.msk [tilespmem:v23+s3+$0x0], $0xffff  }
0x14c: {  	p1 =	slt.u32 s23, $0x1B8;
	v27 =	vmov s25;
	[tilespmem:s22+$0xE0] =	vst v24;
	v24 =	vsel vm1, v0, v25  }
0x14d: {  	s25 =	sadd.s32 $0x1C9, s24;
	v25 =	vand.u32 $0xFFFFFFFE, v27;
	[tilespmem:s22+$0xF0] =	vst v24  }
0x14e: {  	v24 =	vmov s25;
	s25 =	sadd.s32 $0x1CA, s24;
	v25 =	vbroadcast v25, $0x0;
	[tilespmem:s22+$0x100] =	vst v16  }
0x14f: {  	v16 =	vand.u32 $0xFFFFFFF9, v24;
	v24 =	vmov s25;
	[tilespmem:s22+$0x110] =	vst v17  }
0x150: {  	v16 =	vbroadcast v16, $0x0;
	v17 =	vand.u32 $0xFFFFFFFA, v24;
	[tilespmem:s22+$0x120] =	vst v19  }
0x151: {  	v24 =	vbroadcast v17, $0x0;
	vm2 =	veq.s32 v23, $0x1;
	vm0 =	veq.s32 v23, $0x2;
	v19 =	vld.idx.msk [tilespmem:v26+s3+$0x0], $0xffff;
	[tilespmem:s22+$0x130] =	vst v20  }
0x152: {  	v17 =	vnsel vm0, $0x0, v14;
	v20 =	vnsel vm0, $0x0, v13;
	[tilespmem:s22+$0x140] =	vst v18;
	v18 =	vnsel vm0, $0x0, v15  }
0x153: {  	v23 =	vnsel vm0, $0x0, v11;
	v26 =	vnsel vm0, $0x0, v10;
	[tilespmem:s22+$0x150] =	vst v22;
	v22 =	vnsel vm0, $0x0, v12  }
0x154: {  	v27 =	vnsel vm0, $0x0, v3;
	v17 =	vsel vm2, v8, v17;
	v25 =	vld.idx.msk [tilespmem:v25+s3+$0x0], $0xffff;
	[tilespmem:s22+$0x160] =	vst v21;
	v21 =	vnsel vm0, $0x0, v9  }
0x155: {  	[tilespmem:s22+$0x180] =	vst v17;
	v17 =	vsel vm2, v7, v18;
	v18 =	vsel vm2, v6, v20;
	v20 =	vsel vm2, v5, v22  }
0x156: {  	v22 =	vsel vm2, v2, v26;
	v21 =	vsel vm2, v1, v21;
	[tilespmem:s22+$0x190] =	vst v17;
	v17 =	vsel vm2, v4, v23  }
0x157: {  	vm0 =	veq.s32 v19, $0x1;
	vm1 =	veq.s32 v19, $0x2;
	[tilespmem:s22+$0x1A0] =	vst v18;
	v18 =	vsel vm2, v0, v27  }
0x158: {  	v19 =	vnsel vm1, $0x0, v14;
	v23 =	vnsel vm1, $0x0, v15;
	v26 =	vnsel vm1, $0x0, v13;
	[tilespmem:s22+$0x1B0] =	vst v20  }
0x159: {  	v27 =	vnsel vm1, $0x0, v12;
	v28 =	vnsel vm1, $0x0, v11;
	v19 =	vsel vm0, v8, v19;
	[tilespmem:s22+$0x1C0] =	vst v17  }
0x15a: {  	v20 =	vsel vm0, v7, v23;
	v23 =	vsel vm0, v6, v26;
	vm2 =	veq.s32 v25, $0x2;
	[tilespmem:s22+$0x1D0] =	vst v22  }
0x15b: {  	vm3 =	veq.s32 v25, $0x1;
	v17 =	vnsel vm2, $0x0, v14;
	v22 =	vnsel vm2, $0x0, v3;
	[tilespmem:s22+$0x1E0] =	vst v21  }
0x15c: {  	v25 =	vnsel vm2, $0x0, v13;
	v21 =	vnsel vm2, $0x0, v15;
	v22 =	vsel vm3, v0, v22;
	[tilespmem:s22+$0x1F0] =	vst v18;
	s22 =	sadd.s32 $0x400, s22  }
0x15d: {  	v29 =	vnsel vm2, $0x0, v11;
	v30 =	vnsel vm2, $0x0, v10;
	v18 =	vnsel vm2, $0x0, v12;
	v26 =	vld.idx.msk [tilespmem:v16+s3+$0x0], $0xffff;
	[tilespmem:s22+$0x170] =	vst v22  }
0x15e: {  	v16 =	vsel vm3, v8, v17;
	v17 =	vsel vm3, v7, v21;
	v21 =	vnsel vm2, $0x0, v9;
	[tilespmem:s22+$0xFFFFFE00] =	vst v19  }
0x15f: {  	v19 =	vsel vm3, v6, v25;
	[tilespmem:s22+$0xFFFFFE10] =	vst v20;
	v20 =	vsel vm3, v5, v18;
	v18 =	vsel vm3, v4, v29  }
0x160: {  	v22 =	vsel vm3, v2, v30;
	v21 =	vsel vm3, v1, v21;
	[tilespmem:s22+$0xFFFFFE20] =	vst v23;
	v23 =	vsel vm0, v5, v27  }
0x161: {  	v25 =	vnsel vm1, $0x0, v10;
	[tilespmem:s22+$0xFFFFFE30] =	vst v23;
	v23 =	vsel vm0, v4, v28  }
0x162: {  	[tilespmem:s22+$0xFFFFFE40] =	vst v23;
	v23 =	vsel vm0, v2, v25;
	v25 =	vnsel vm1, $0x0, v9  }
0x163: {  	[tilespmem:s22+$0xFFFFFE50] =	vst v23;
	v23 =	vsel vm0, v1, v25;
	v25 =	vnsel vm1, $0x0, v3;
	vm1 =	veq.s32 v26, $0x2  }
0x164: {  	s25 =	sadd.s32 $0x1CB, s24;
	[tilespmem:s22+$0xFFFFFE60] =	vst v23;
	v23 =	vsel vm0, v0, v25;
	vm0 =	veq.s32 v26, $0x1;
	v25 =	vnsel vm1, $0x0, v14  }
0x165: {  	v26 =	vmov s25;
	[tilespmem:s22+$0xFFFFFE70] =	vst v23;
	v23 =	vsel vm0, v8, v25;
	v25 =	vnsel vm1, $0x0, v15;
	v24 =	vld.idx.msk [tilespmem:v24+s3+$0x0], $0xffff  }
0x166: {  	v26 =	vand.u32 $0xFFFFFFFB, v26;
	[tilespmem:s22+$0xFFFFFE80] =	vst v23;
	v23 =	vsel vm0, v7, v25;
	v25 =	vnsel vm1, $0x0, v13  }
0x167: {  	v26 =	vbroadcast v26, $0x0;
	[tilespmem:s22+$0xFFFFFE90] =	vst v23;
	v23 =	vsel vm0, v6, v25;
	v25 =	vnsel vm1, $0x0, v12  }
0x168: {  	[tilespmem:s22+$0xFFFFFEA0] =	vst v23;
	v23 =	vsel vm0, v5, v25;
	v25 =	vnsel vm1, $0x0, v11  }
0x169: {  	[tilespmem:s22+$0xFFFFFEB0] =	vst v23;
	v23 =	vsel vm0, v4, v25;
	v25 =	vnsel vm1, $0x0, v10  }
0x16a: {  	[tilespmem:s22+$0xFFFFFEC0] =	vst v23;
	v23 =	vsel vm0, v2, v25;
	v25 =	vnsel vm1, $0x0, v9  }
0x16b: {  	[tilespmem:s22+$0xFFFFFED0] =	vst v23;
	v23 =	vsel vm0, v1, v25;
	v25 =	vnsel vm1, $0x0, v3;
	vm1 =	veq.s32 v24, $0x2  }
0x16c: {  	s25 =	sadd.s32 $0x1CC, s24;
	[tilespmem:s22+$0xFFFFFEE0] =	vst v23;
	v23 =	vsel vm0, v0, v25;
	vm0 =	veq.s32 v24, $0x1;
	v24 =	vnsel vm1, $0x0, v14  }
0x16d: {  	[tilespmem:s22+$0xFFFFFEF0] =	vst v23;
	v23 =	vsel vm0, v8, v24;
	v24 =	vnsel vm1, $0x0, v15;
	v25 =	vld.idx.msk [tilespmem:v26+s3+$0x0], $0xffff;
	v26 =	vmov s25  }
0x16e: {  	[tilespmem:s22+$0xFFFFFF00] =	vst v23;
	v23 =	vsel vm0, v7, v24;
	v24 =	vnsel vm1, $0x0, v13;
	v26 =	vand.u32 $0xFFFFFFFC, v26  }
0x16f: {  	[tilespmem:s22+$0xFFFFFF10] =	vst v23;
	v23 =	vsel vm0, v6, v24;
	v24 =	vnsel vm1, $0x0, v12;
	v26 =	vbroadcast v26, $0x0  }
0x170: {  	[tilespmem:s22+$0xFFFFFF20] =	vst v23;
	v23 =	vsel vm0, v5, v24;
	v24 =	vnsel vm1, $0x0, v11  }
0x171: {  	[tilespmem:s22+$0xFFFFFF30] =	vst v23;
	v23 =	vsel vm0, v4, v24;
	v24 =	vnsel vm1, $0x0, v10  }
0x172: {  	[tilespmem:s22+$0xFFFFFF40] =	vst v23;
	v23 =	vsel vm0, v2, v24;
	v24 =	vnsel vm1, $0x0, v9  }
0x173: {  	[tilespmem:s22+$0xFFFFFF50] =	vst v23;
	v23 =	vsel vm0, v1, v24;
	v24 =	vnsel vm1, $0x0, v3;
	vm1 =	veq.s32 v25, $0x2  }
0x174: {  	s25 =	sadd.s32 $0x1CD, s24;
	[tilespmem:s22+$0xFFFFFF60] =	vst v23;
	v23 =	vsel vm0, v0, v24;
	vm0 =	veq.s32 v25, $0x1;
	v24 =	vnsel vm1, $0x0, v14  }
0x175: {  	[tilespmem:s22+$0xFFFFFF70] =	vst v23;
	v23 =	vsel vm0, v8, v24;
	v24 =	vnsel vm1, $0x0, v15;
	v25 =	vld.idx.msk [tilespmem:v26+s3+$0x0], $0xffff;
	v26 =	vmov s25  }
0x176: {  	[tilespmem:s22+$0xFFFFFF80] =	vst v23;
	v23 =	vsel vm0, v7, v24;
	v24 =	vnsel vm1, $0x0, v13;
	v26 =	vand.u32 $0xFFFFFFFD, v26  }
0x177: {  	[tilespmem:s22+$0xFFFFFF90] =	vst v23;
	v23 =	vsel vm0, v6, v24;
	v24 =	vnsel vm1, $0x0, v12;
	v26 =	vbroadcast v26, $0x0  }
0x178: {  	[tilespmem:s22+$0xFFFFFFA0] =	vst v23;
	v23 =	vsel vm0, v5, v24;
	v24 =	vnsel vm1, $0x0, v11  }
0x179: {  	[tilespmem:s22+$0xFFFFFFB0] =	vst v23;
	v23 =	vsel vm0, v4, v24;
	v24 =	vnsel vm1, $0x0, v10  }
0x17a: {  	[tilespmem:s22+$0xFFFFFFC0] =	vst v23;
	v23 =	vsel vm0, v2, v24;
	v24 =	vnsel vm1, $0x0, v9  }
0x17b: {  	[tilespmem:s22+$0xFFFFFFD0] =	vst v23;
	v23 =	vsel vm0, v1, v24;
	v24 =	vnsel vm1, $0x0, v3;
	vm1 =	veq.s32 v25, $0x2  }
0x17c: {  	[tilespmem:s22+$0xFFFFFFE0] =	vst v23;
	v23 =	vsel vm0, v0, v24;
	vm0 =	veq.s32 v25, $0x1;
	v24 =	vnsel vm1, $0x0, v14  }
0x17d: {  	[tilespmem:s22+$0xFFFFFFF0] =	vst v23;
	v23 =	vsel vm0, v8, v24;
	v24 =	vnsel vm1, $0x0, v15;
	v25 =	vld.idx.msk [tilespmem:v26+s3+$0x0], $0xffff  }
0x17e: {  	[tilespmem:s22+$0x0] =	vst v23;
	v23 =	vsel vm0, v7, v24;
	v24 =	vnsel vm1, $0x0, v13  }
0x17f: {  	[tilespmem:s22+$0x10] =	vst v23;
	v23 =	vsel vm0, v6, v24;
	v24 =	vnsel vm1, $0x0, v12  }
0x180: {  	[tilespmem:s22+$0x20] =	vst v23;
	v23 =	vsel vm0, v5, v24;
	v24 =	vnsel vm1, $0x0, v11  }
0x181: {  	[tilespmem:s22+$0x30] =	vst v23;
	v23 =	vsel vm0, v4, v24;
	v24 =	vnsel vm1, $0x0, v10  }
0x182: {  	[tilespmem:s22+$0x40] =	vst v23;
	v23 =	vsel vm0, v2, v24;
	v24 =	vnsel vm1, $0x0, v9  }
.Ltmp3:
0x183: {  	vm2 =	veq.s32 v25, $0x2;
	[tilespmem:s22+$0x50] =	vst v23;
	v23 =	vsel vm0, v1, v24;
	v24 =	vnsel vm1, $0x0, v3;
	(pc) =	sbr.rel @p1 .LBB2_4-.Ltmp3, $4  }
0x184: {  	vm1 =	veq.s32 v25, $0x1;
	[tilespmem:s22+$0x60] =	vst v23;
	v23 =	vsel vm0, v0, v24;
	v24 =	vnsel vm2, $0x0, v14  }
0x185: {  	s24 =	sadd.s32 $0x1CF, s24;
	[tilespmem:s22+$0x70] =	vst v23;
	v23 =	vsel vm1, v8, v24;
	v24 =	vnsel vm2, $0x0, v15  }
0x186: {  	v25 =	vnsel vm2, $0x0, v13;
	[tilespmem:s22+$0x80] =	vst v23;
	v24 =	vsel vm1, v7, v24;
	v23 =	vmov s24  }
0x187: {  	[tilespmem:s22+$0x90] =	vst v24;
	v24 =	vsel vm1, v6, v25;
	v25 =	vnsel vm2, $0x0, v12  }
0x188: {  	[tilespmem:s22+$0xA0] =	vst v24  }
0x189: {  	[tilespmem:s22+$0x100] =	vst v16  }
0x18a: {  	[tilespmem:s22+$0x110] =	vst v17  }
0x18b: {  	[tilespmem:s22+$0x120] =	vst v19  }
0x18c: {  	[tilespmem:s22+$0x130] =	vst v20  }
0x18d: {  	v23 =	vld.idx.msk [tilespmem:v23+s3+$0x0], $0xffff;
	[tilespmem:s22+$0x140] =	vst v18  }
0x18e: {  	[tilespmem:s22+$0x150] =	vst v22  }
0x18f: {  	v24 =	vsel vm1, v5, v25;
	v25 =	vnsel vm2, $0x0, v11;
	[tilespmem:s22+$0x160] =	vst v21  }
0x190: {  	[tilespmem:s22+$0xB0] =	vst v24;
	v24 =	vsel vm1, v4, v25;
	v25 =	vnsel vm2, $0x0, v10  }
0x191: {  	[tilespmem:s22+$0xC0] =	vst v24;
	v24 =	vsel vm1, v2, v25;
	v25 =	vnsel vm2, $0x0, v9  }
0x192: {  	[tilespmem:s22+$0xD0] =	vst v24;
	v24 =	vsel vm1, v1, v25;
	v25 =	vnsel vm2, $0x0, v3;
	vm0 =	veq.s32 v23, $0x2  }
0x193: {  	[tilespmem:s22+$0xE0] =	vst v24;
	v24 =	vsel vm1, v0, v25;
	vm1 =	veq.s32 v23, $0x1;
	v16 =	vnsel vm0, $0x0, v14  }
0x194: {  	[tilespmem:s22+$0xF0] =	vst v24;
	v18 =	vnsel vm0, $0x0, v13;
	v16 =	vsel vm1, v8, v16  }
0x195: {  	v17 =	vnsel vm0, $0x0, v15;
	v18 =	vsel vm1, v6, v18;
	[tilespmem:s22+$0x180] =	vst v16  }
0x196: {  	v16 =	vsel vm1, v7, v17;
	v17 =	vnsel vm0, $0x0, v12;
	[tilespmem:s22+$0x1A0] =	vst v18  }
0x197: {  	v18 =	vnsel vm0, $0x0, v10;
	[tilespmem:s22+$0x190] =	vst v16;
	v17 =	vsel vm1, v5, v17  }
0x198: {  	s24 =	simm.s32 $0x380;
	v19 =	vnsel vm0, $0x0, v9;
	v16 =	vnsel vm0, $0x0, v11;
	v18 =	vsel vm1, v2, v18;
	[tilespmem:s22+$0x1B0] =	vst v17  }
0x199: {  	s23 =	simm.s32 $0x386;
	v16 =	vsel vm1, v4, v16;
	v17 =	vnsel vm0, $0x0, v3;
	[tilespmem:s22+$0x1D0] =	vst v18;
	v18 =	vmov s24  }
0x19a: {  	[tilespmem:s22+$0x1C0] =	vst v16;
	v16 =	vmov s23;
	v17 =	vsel vm1, v0, v17;
	v18 =	vand.u32 $0xFFFFFFF8, v18  }
0x19b: {  	v19 =	vsel vm1, v1, v19;
	v16 =	vand.u32 $0xFFFFFFFE, v16;
	[tilespmem:s22+$0x1F0] =	vst v17;
	v17 =	vbroadcast v18, $0x0  }
0x19c: {  	[tilespmem:s22+$0x1E0] =	vst v19;
	v16 =	vbroadcast v16, $0x0  }
0x19d: {  	[hbm4b:s8+s3] =	stream.linear.scatter [tilespmem:s19], [sflag:$0x1], $0xE000, $0x38;
	[tilespmem:$0x1CE80] =	vst v63  }
0x19e: {  	_ =	swait.ge [sflag:s20], $0xE000  }
0x19f: {  	[sflag:s20] =	ssyncset.done $0x0  }
0x1a0: {  	[sflag:s20] =	ssyncadd.s32 $0xFFFF2000  }
0x1a1: {  	s25 =	simm.s32 $0x381;
	v17 =	vld.idx.msk [tilespmem:v17+s3+$0x0], $0xffff  }
0x1a2: {  	v18 =	vmov s25;
	v16 =	vld.idx.msk [tilespmem:v16+s3+$0x0], $0xffff  }
0x1a3: {  	v18 =	vand.u32 $0xFFFFFFF9, v18  }
0x1a4: {  	v18 =	vbroadcast v18, $0x0;
	_ =	sdelay $0x1  }
0x1a5: {  	vm2 =	veq.s32 v17, $0x2  }
0x1a6: {  	vm3 =	veq.s32 v17, $0x1;
	vm1 =	veq.s32 v16, $0x2;
	v17 =	vnsel vm2, $0x0, v14  }
0x1a7: {  	s22 =	simm.s32 $0x1080;
	vm0 =	veq.s32 v16, $0x1;
	v16 =	vnsel vm1, $0x0, v3;
	v17 =	vsel vm3, v8, v17  }
0x1a8: {  	s26 =	simm.s32 $0x382;
	v19 =	vnsel vm2, $0x0, v15;
	v16 =	vsel vm0, v0, v16;
	[tilespmem:s22+$0xFFFFFE00] =	vst v17  }
0x1a9: {  	v18 =	vld.idx.msk [tilespmem:v18+s3+$0x0], $0xffff;
	v20 =	vnsel vm2, $0x0, v13;
	v19 =	vsel vm3, v7, v19;
	[tilespmem:s22+$0x170] =	vst v16;
	v16 =	vmov s26  }
0x1aa: {  	v20 =	vsel vm3, v6, v20;
	v17 =	vnsel vm2, $0x0, v12;
	[tilespmem:s22+$0xFFFFFE10] =	vst v19;
	v16 =	vand.u32 $0xFFFFFFFA, v16  }
0x1ab: {  	v19 =	vnsel vm2, $0x0, v11;
	[tilespmem:s22+$0xFFFFFE20] =	vst v20;
	v17 =	vsel vm3, v5, v17;
	v16 =	vbroadcast v16, $0x0  }
0x1ac: {  	[tilespmem:s22+$0xFFFFFE30] =	vst v17;
	v17 =	vsel vm3, v4, v19;
	v19 =	vnsel vm2, $0x0, v10  }
0x1ad: {  	[tilespmem:s22+$0xFFFFFE40] =	vst v17;
	v17 =	vsel vm3, v2, v19;
	v19 =	vnsel vm2, $0x0, v9  }
0x1ae: {  	[tilespmem:s22+$0xFFFFFE50] =	vst v17;
	v17 =	vsel vm3, v1, v19;
	v19 =	vnsel vm2, $0x0, v3;
	vm2 =	veq.s32 v18, $0x2  }
0x1af: {  	[tilespmem:s22+$0xFFFFFE60] =	vst v17;
	v17 =	vsel vm3, v0, v19;
	vm3 =	veq.s32 v18, $0x1;
	v18 =	vnsel vm2, $0x0, v14  }
0x1b0: {  	s28 =	simm.s32 $0x383;
	[tilespmem:s22+$0xFFFFFE70] =	vst v17;
	v17 =	vsel vm3, v8, v18;
	v18 =	vnsel vm2, $0x0, v15  }
0x1b1: {  	v19 =	vmov s28;
	[tilespmem:s22+$0xFFFFFE80] =	vst v17;
	v17 =	vsel vm3, v7, v18;
	v18 =	vnsel vm2, $0x0, v13;
	v16 =	vld.idx.msk [tilespmem:v16+s3+$0x0], $0xffff  }
0x1b2: {  	v19 =	vand.u32 $0xFFFFFFFB, v19;
	[tilespmem:s22+$0xFFFFFE90] =	vst v17;
	v17 =	vsel vm3, v6, v18;
	v18 =	vnsel vm2, $0x0, v12  }
0x1b3: {  	v19 =	vbroadcast v19, $0x0;
	[tilespmem:s22+$0xFFFFFEA0] =	vst v17;
	v17 =	vsel vm3, v5, v18;
	v18 =	vnsel vm2, $0x0, v11  }
0x1b4: {  	[tilespmem:s22+$0xFFFFFEB0] =	vst v17;
	v17 =	vsel vm3, v4, v18;
	v18 =	vnsel vm2, $0x0, v10  }
0x1b5: {  	[tilespmem:s22+$0xFFFFFEC0] =	vst v17;
	v17 =	vsel vm3, v2, v18;
	v18 =	vnsel vm2, $0x0, v9  }
0x1b6: {  	[tilespmem:s22+$0xFFFFFED0] =	vst v17;
	v17 =	vsel vm3, v1, v18;
	v18 =	vnsel vm2, $0x0, v3;
	vm2 =	veq.s32 v16, $0x2  }
0x1b7: {  	[tilespmem:s22+$0xFFFFFEE0] =	vst v17;
	v17 =	vsel vm3, v0, v18;
	vm3 =	veq.s32 v16, $0x1;
	v16 =	vnsel vm2, $0x0, v14  }
0x1b8: {  	s29 =	simm.s32 $0x384;
	v21 =	vnsel vm1, $0x0, v15;
	[tilespmem:s22+$0xFFFFFEF0] =	vst v17;
	v17 =	vnsel vm2, $0x0, v15;
	v16 =	vsel vm3, v8, v16  }
0x1b9: {  	v20 =	vmov s29;
	v19 =	vld.idx.msk [tilespmem:v19+s3+$0x0], $0xffff;
	[tilespmem:s22+$0xFFFFFF00] =	vst v16;
	v16 =	vsel vm3, v7, v17;
	v17 =	vnsel vm2, $0x0, v13  }
0x1ba: {  	v20 =	vand.u32 $0xFFFFFFFC, v20;
	[tilespmem:s22+$0xFFFFFF10] =	vst v16;
	v16 =	vsel vm3, v6, v17;
	v17 =	vnsel vm2, $0x0, v12  }
0x1bb: {  	v20 =	vbroadcast v20, $0x0;
	[tilespmem:s22+$0xFFFFFF20] =	vst v16;
	v16 =	vsel vm3, v5, v17;
	v17 =	vnsel vm2, $0x0, v11  }
0x1bc: {  	v22 =	vnsel vm1, $0x0, v13;
	[tilespmem:s22+$0xFFFFFF30] =	vst v16;
	v16 =	vsel vm3, v4, v17;
	v17 =	vnsel vm2, $0x0, v10  }
0x1bd: {  	v23 =	vnsel vm1, $0x0, v12;
	[tilespmem:s22+$0xFFFFFF40] =	vst v16;
	v16 =	vsel vm3, v2, v17;
	v17 =	vnsel vm2, $0x0, v9  }
0x1be: {  	[tilespmem:s22+$0xFFFFFF50] =	vst v16;
	v16 =	vsel vm3, v1, v17;
	v17 =	vnsel vm2, $0x0, v3;
	vm2 =	veq.s32 v19, $0x2  }
0x1bf: {  	[tilespmem:s22+$0xFFFFFF60] =	vst v16;
	v16 =	vsel vm3, v0, v17;
	vm3 =	veq.s32 v19, $0x1;
	v17 =	vnsel vm2, $0x0, v14  }
0x1c0: {  	s30 =	simm.s32 $0x385;
	v24 =	vnsel vm1, $0x0, v11;
	[tilespmem:s22+$0xFFFFFF70] =	vst v16;
	v16 =	vsel vm3, v8, v17;
	v17 =	vnsel vm2, $0x0, v15  }
0x1c1: {  	v19 =	vld.idx.msk [tilespmem:v20+s3+$0x0], $0xffff;
	v20 =	vmov s30;
	[tilespmem:s22+$0xFFFFFF80] =	vst v16;
	v16 =	vsel vm3, v7, v17;
	v17 =	vnsel vm2, $0x0, v13  }
0x1c2: {  	v20 =	vand.u32 $0xFFFFFFFD, v20;
	[tilespmem:s22+$0xFFFFFF90] =	vst v16;
	v16 =	vsel vm3, v6, v17;
	v17 =	vnsel vm2, $0x0, v12  }
0x1c3: {  	v20 =	vbroadcast v20, $0x0;
	[tilespmem:s22+$0xFFFFFFA0] =	vst v16;
	v16 =	vsel vm3, v5, v17;
	v17 =	vnsel vm2, $0x0, v11  }
0x1c4: {  	v25 =	vnsel vm1, $0x0, v10;
	[tilespmem:s22+$0xFFFFFFB0] =	vst v16;
	v16 =	vsel vm3, v4, v17;
	v17 =	vnsel vm2, $0x0, v10  }
0x1c5: {  	v18 =	vnsel vm1, $0x0, v14;
	[tilespmem:s22+$0xFFFFFFC0] =	vst v16;
	v16 =	vsel vm3, v2, v17;
	v17 =	vnsel vm2, $0x0, v9  }
0x1c6: {  	[tilespmem:s22+$0xFFFFFFD0] =	vst v16;
	v16 =	vsel vm3, v1, v17;
	v17 =	vnsel vm2, $0x0, v3;
	vm2 =	veq.s32 v19, $0x2  }
0x1c7: {  	[tilespmem:s22+$0xFFFFFFE0] =	vst v16;
	v17 =	vsel vm3, v0, v17;
	vm3 =	veq.s32 v19, $0x1;
	v19 =	vnsel vm2, $0x0, v14  }
0x1c8: {  	v16 =	vsel vm0, v8, v18;
	[tilespmem:s22+$0xFFFFFFF0] =	vst v17;
	v18 =	vsel vm3, v8, v19;
	v19 =	vnsel vm2, $0x0, v15  }
0x1c9: {  	v17 =	vsel vm0, v7, v21;
	v21 =	vld.idx.msk [tilespmem:v20+s3+$0x0], $0xffff;
	[tilespmem:s22+$0x0] =	vst v18;
	v18 =	vsel vm3, v7, v19;
	v19 =	vnsel vm2, $0x0, v13  }
0x1ca: {  	v26 =	vnsel vm1, $0x0, v9;
	v20 =	vnsel vm2, $0x0, v12;
	[tilespmem:s22+$0x10] =	vst v18;
	v18 =	vsel vm3, v6, v19  }
0x1cb: {  	v19 =	vsel vm0, v6, v22;
	v22 =	vnsel vm2, $0x0, v11;
	[tilespmem:s22+$0x20] =	vst v18;
	v18 =	vsel vm3, v5, v20  }
0x1cc: {  	v20 =	vsel vm0, v5, v23;
	v22 =	vsel vm3, v4, v22;
	v23 =	vnsel vm2, $0x0, v10;
	[tilespmem:s22+$0x30] =	vst v18  }
0x1cd: {  	v18 =	vsel vm0, v4, v24;
	[tilespmem:s22+$0x40] =	vst v22;
	v22 =	vsel vm3, v2, v23;
	v23 =	vnsel vm2, $0x0, v9  }
0x1ce: {  	[tilespmem:s22+$0x50] =	vst v22;
	v22 =	vsel vm3, v1, v23;
	v23 =	vnsel vm2, $0x0, v3;
	vm2 =	veq.s32 v21, $0x2  }
0x1cf: {  	vm1 =	veq.s32 v21, $0x1;
	[tilespmem:s22+$0x60] =	vst v22;
	v23 =	vsel vm3, v0, v23;
	v21 =	vnsel vm2, $0x0, v14  }
0x1d0: {  	s31 =	simm.s32 $0x387;
	v22 =	vsel vm0, v2, v25;
	v24 =	vnsel vm2, $0x0, v15;
	[tilespmem:s22+$0x70] =	vst v23;
	v23 =	vsel vm1, v8, v21  }
0x1d1: {  	v25 =	vnsel vm2, $0x0, v13;
	v24 =	vsel vm1, v7, v24;
	[tilespmem:s22+$0x80] =	vst v23;
	v23 =	vmov s31  }
0x1d2: {  	s23 =	simm.s32 $0x0;
	v21 =	vsel vm0, v1, v26;
	[tilespmem:s22+$0x90] =	vst v24;
	v24 =	vsel vm1, v6, v25;
	v25 =	vnsel vm2, $0x0, v12  }
.LBB2_6:
0x1d3: {  	s25 =	sadd.s32 $0x388, s23;
	[tilespmem:s22+$0xA0] =	vst v24;
	v24 =	vsel vm1, v5, v25;
	v25 =	vnsel vm2, $0x0, v11;
	s24 =	smov.u32 s23  }
0x1d4: {  	v26 =	vmov s25;
	[tilespmem:s22+$0xB0] =	vst v24;
	v24 =	vsel vm1, v4, v25;
	v25 =	vnsel vm2, $0x0, v10  }
0x1d5: {  	v26 =	vand.u32 $0xFFFFFFF8, v26;
	[tilespmem:s22+$0xC0] =	vst v24;
	v24 =	vsel vm1, v2, v25;
	v25 =	vnsel vm2, $0x0, v9  }
0x1d6: {  	s23 =	sadd.s32 $0x8, s23;
	s25 =	sadd.s32 $0x38E, s24;
	v26 =	vbroadcast v26, $0x0;
	[tilespmem:s22+$0xD0] =	vst v24;
	v24 =	vsel vm1, v1, v25;
	v25 =	vnsel vm2, $0x0, v3;
	v23 =	vld.idx.msk [tilespmem:v23+s3+$0x0], $0xffff  }
0x1d7: {  	p1 =	slt.u32 s23, $0x1B8;
	v27 =	vmov s25;
	[tilespmem:s22+$0xE0] =	vst v24;
	v24 =	vsel vm1, v0, v25  }
0x1d8: {  	s25 =	sadd.s32 $0x389, s24;
	v25 =	vand.u32 $0xFFFFFFFE, v27;
	[tilespmem:s22+$0xF0] =	vst v24  }
0x1d9: {  	v24 =	vmov s25;
	s25 =	sadd.s32 $0x38A, s24;
	v25 =	vbroadcast v25, $0x0;
	[tilespmem:s22+$0x100] =	vst v16  }
0x1da: {  	v16 =	vand.u32 $0xFFFFFFF9, v24;
	v24 =	vmov s25;
	[tilespmem:s22+$0x110] =	vst v17  }
0x1db: {  	v16 =	vbroadcast v16, $0x0;
	v17 =	vand.u32 $0xFFFFFFFA, v24;
	[tilespmem:s22+$0x120] =	vst v19  }
0x1dc: {  	v24 =	vbroadcast v17, $0x0;
	vm2 =	veq.s32 v23, $0x1;
	vm0 =	veq.s32 v23, $0x2;
	v19 =	vld.idx.msk [tilespmem:v26+s3+$0x0], $0xffff;
	[tilespmem:s22+$0x130] =	vst v20  }
0x1dd: {  	v17 =	vnsel vm0, $0x0, v14;
	v20 =	vnsel vm0, $0x0, v13;
	[tilespmem:s22+$0x140] =	vst v18;
	v18 =	vnsel vm0, $0x0, v15  }
0x1de: {  	v23 =	vnsel vm0, $0x0, v11;
	v26 =	vnsel vm0, $0x0, v10;
	[tilespmem:s22+$0x150] =	vst v22;
	v22 =	vnsel vm0, $0x0, v12  }
0x1df: {  	v27 =	vnsel vm0, $0x0, v3;
	v17 =	vsel vm2, v8, v17;
	v25 =	vld.idx.msk [tilespmem:v25+s3+$0x0], $0xffff;
	[tilespmem:s22+$0x160] =	vst v21;
	v21 =	vnsel vm0, $0x0, v9  }
0x1e0: {  	[tilespmem:s22+$0x180] =	vst v17;
	v17 =	vsel vm2, v7, v18;
	v18 =	vsel vm2, v6, v20;
	v20 =	vsel vm2, v5, v22  }
0x1e1: {  	v22 =	vsel vm2, v2, v26;
	v21 =	vsel vm2, v1, v21;
	[tilespmem:s22+$0x190] =	vst v17;
	v17 =	vsel vm2, v4, v23  }
0x1e2: {  	vm0 =	veq.s32 v19, $0x1;
	vm1 =	veq.s32 v19, $0x2;
	[tilespmem:s22+$0x1A0] =	vst v18;
	v18 =	vsel vm2, v0, v27  }
0x1e3: {  	v19 =	vnsel vm1, $0x0, v14;
	v23 =	vnsel vm1, $0x0, v15;
	v26 =	vnsel vm1, $0x0, v13;
	[tilespmem:s22+$0x1B0] =	vst v20  }
0x1e4: {  	v27 =	vnsel vm1, $0x0, v12;
	v28 =	vnsel vm1, $0x0, v11;
	v19 =	vsel vm0, v8, v19;
	[tilespmem:s22+$0x1C0] =	vst v17  }
0x1e5: {  	v20 =	vsel vm0, v7, v23;
	v23 =	vsel vm0, v6, v26;
	vm2 =	veq.s32 v25, $0x2;
	[tilespmem:s22+$0x1D0] =	vst v22  }
0x1e6: {  	vm3 =	veq.s32 v25, $0x1;
	v17 =	vnsel vm2, $0x0, v14;
	v22 =	vnsel vm2, $0x0, v3;
	[tilespmem:s22+$0x1E0] =	vst v21  }
0x1e7: {  	v25 =	vnsel vm2, $0x0, v13;
	v21 =	vnsel vm2, $0x0, v15;
	v22 =	vsel vm3, v0, v22;
	[tilespmem:s22+$0x1F0] =	vst v18;
	s22 =	sadd.s32 $0x400, s22  }
0x1e8: {  	v29 =	vnsel vm2, $0x0, v11;
	v30 =	vnsel vm2, $0x0, v10;
	v18 =	vnsel vm2, $0x0, v12;
	v26 =	vld.idx.msk [tilespmem:v16+s3+$0x0], $0xffff;
	[tilespmem:s22+$0x170] =	vst v22  }
0x1e9: {  	v16 =	vsel vm3, v8, v17;
	v17 =	vsel vm3, v7, v21;
	v21 =	vnsel vm2, $0x0, v9;
	[tilespmem:s22+$0xFFFFFE00] =	vst v19  }
0x1ea: {  	v19 =	vsel vm3, v6, v25;
	[tilespmem:s22+$0xFFFFFE10] =	vst v20;
	v20 =	vsel vm3, v5, v18;
	v18 =	vsel vm3, v4, v29  }
0x1eb: {  	v22 =	vsel vm3, v2, v30;
	v21 =	vsel vm3, v1, v21;
	[tilespmem:s22+$0xFFFFFE20] =	vst v23;
	v23 =	vsel vm0, v5, v27  }
0x1ec: {  	v25 =	vnsel vm1, $0x0, v10;
	[tilespmem:s22+$0xFFFFFE30] =	vst v23;
	v23 =	vsel vm0, v4, v28  }
0x1ed: {  	[tilespmem:s22+$0xFFFFFE40] =	vst v23;
	v23 =	vsel vm0, v2, v25;
	v25 =	vnsel vm1, $0x0, v9  }
0x1ee: {  	[tilespmem:s22+$0xFFFFFE50] =	vst v23;
	v23 =	vsel vm0, v1, v25;
	v25 =	vnsel vm1, $0x0, v3;
	vm1 =	veq.s32 v26, $0x2  }
0x1ef: {  	s25 =	sadd.s32 $0x38B, s24;
	[tilespmem:s22+$0xFFFFFE60] =	vst v23;
	v23 =	vsel vm0, v0, v25;
	vm0 =	veq.s32 v26, $0x1;
	v25 =	vnsel vm1, $0x0, v14  }
0x1f0: {  	v26 =	vmov s25;
	[tilespmem:s22+$0xFFFFFE70] =	vst v23;
	v23 =	vsel vm0, v8, v25;
	v25 =	vnsel vm1, $0x0, v15;
	v24 =	vld.idx.msk [tilespmem:v24+s3+$0x0], $0xffff  }
0x1f1: {  	v26 =	vand.u32 $0xFFFFFFFB, v26;
	[tilespmem:s22+$0xFFFFFE80] =	vst v23;
	v23 =	vsel vm0, v7, v25;
	v25 =	vnsel vm1, $0x0, v13  }
0x1f2: {  	v26 =	vbroadcast v26, $0x0;
	[tilespmem:s22+$0xFFFFFE90] =	vst v23;
	v23 =	vsel vm0, v6, v25;
	v25 =	vnsel vm1, $0x0, v12  }
0x1f3: {  	[tilespmem:s22+$0xFFFFFEA0] =	vst v23;
	v23 =	vsel vm0, v5, v25;
	v25 =	vnsel vm1, $0x0, v11  }
0x1f4: {  	[tilespmem:s22+$0xFFFFFEB0] =	vst v23;
	v23 =	vsel vm0, v4, v25;
	v25 =	vnsel vm1, $0x0, v10  }
0x1f5: {  	[tilespmem:s22+$0xFFFFFEC0] =	vst v23;
	v23 =	vsel vm0, v2, v25;
	v25 =	vnsel vm1, $0x0, v9  }
0x1f6: {  	[tilespmem:s22+$0xFFFFFED0] =	vst v23;
	v23 =	vsel vm0, v1, v25;
	v25 =	vnsel vm1, $0x0, v3;
	vm1 =	veq.s32 v24, $0x2  }
0x1f7: {  	s25 =	sadd.s32 $0x38C, s24;
	[tilespmem:s22+$0xFFFFFEE0] =	vst v23;
	v23 =	vsel vm0, v0, v25;
	vm0 =	veq.s32 v24, $0x1;
	v24 =	vnsel vm1, $0x0, v14  }
0x1f8: {  	[tilespmem:s22+$0xFFFFFEF0] =	vst v23;
	v23 =	vsel vm0, v8, v24;
	v24 =	vnsel vm1, $0x0, v15;
	v25 =	vld.idx.msk [tilespmem:v26+s3+$0x0], $0xffff;
	v26 =	vmov s25  }
0x1f9: {  	[tilespmem:s22+$0xFFFFFF00] =	vst v23;
	v23 =	vsel vm0, v7, v24;
	v24 =	vnsel vm1, $0x0, v13;
	v26 =	vand.u32 $0xFFFFFFFC, v26  }
0x1fa: {  	[tilespmem:s22+$0xFFFFFF10] =	vst v23;
	v23 =	vsel vm0, v6, v24;
	v24 =	vnsel vm1, $0x0, v12;
	v26 =	vbroadcast v26, $0x0  }
0x1fb: {  	[tilespmem:s22+$0xFFFFFF20] =	vst v23;
	v23 =	vsel vm0, v5, v24;
	v24 =	vnsel vm1, $0x0, v11  }
0x1fc: {  	[tilespmem:s22+$0xFFFFFF30] =	vst v23;
	v23 =	vsel vm0, v4, v24;
	v24 =	vnsel vm1, $0x0, v10  }
0x1fd: {  	[tilespmem:s22+$0xFFFFFF40] =	vst v23;
	v23 =	vsel vm0, v2, v24;
	v24 =	vnsel vm1, $0x0, v9  }
0x1fe: {  	[tilespmem:s22+$0xFFFFFF50] =	vst v23;
	v23 =	vsel vm0, v1, v24;
	v24 =	vnsel vm1, $0x0, v3;
	vm1 =	veq.s32 v25, $0x2  }
0x1ff: {  	s25 =	sadd.s32 $0x38D, s24;
	[tilespmem:s22+$0xFFFFFF60] =	vst v23;
	v23 =	vsel vm0, v0, v24;
	vm0 =	veq.s32 v25, $0x1;
	v24 =	vnsel vm1, $0x0, v14  }
0x200: {  	[tilespmem:s22+$0xFFFFFF70] =	vst v23;
	v23 =	vsel vm0, v8, v24;
	v24 =	vnsel vm1, $0x0, v15;
	v25 =	vld.idx.msk [tilespmem:v26+s3+$0x0], $0xffff;
	v26 =	vmov s25  }
0x201: {  	[tilespmem:s22+$0xFFFFFF80] =	vst v23;
	v23 =	vsel vm0, v7, v24;
	v24 =	vnsel vm1, $0x0, v13;
	v26 =	vand.u32 $0xFFFFFFFD, v26  }
0x202: {  	[tilespmem:s22+$0xFFFFFF90] =	vst v23;
	v23 =	vsel vm0, v6, v24;
	v24 =	vnsel vm1, $0x0, v12;
	v26 =	vbroadcast v26, $0x0  }
0x203: {  	[tilespmem:s22+$0xFFFFFFA0] =	vst v23;
	v23 =	vsel vm0, v5, v24;
	v24 =	vnsel vm1, $0x0, v11  }
0x204: {  	[tilespmem:s22+$0xFFFFFFB0] =	vst v23;
	v23 =	vsel vm0, v4, v24;
	v24 =	vnsel vm1, $0x0, v10  }
0x205: {  	[tilespmem:s22+$0xFFFFFFC0] =	vst v23;
	v23 =	vsel vm0, v2, v24;
	v24 =	vnsel vm1, $0x0, v9  }
0x206: {  	[tilespmem:s22+$0xFFFFFFD0] =	vst v23;
	v23 =	vsel vm0, v1, v24;
	v24 =	vnsel vm1, $0x0, v3;
	vm1 =	veq.s32 v25, $0x2  }
0x207: {  	[tilespmem:s22+$0xFFFFFFE0] =	vst v23;
	v23 =	vsel vm0, v0, v24;
	vm0 =	veq.s32 v25, $0x1;
	v24 =	vnsel vm1, $0x0, v14  }
0x208: {  	[tilespmem:s22+$0xFFFFFFF0] =	vst v23;
	v23 =	vsel vm0, v8, v24;
	v24 =	vnsel vm1, $0x0, v15;
	v25 =	vld.idx.msk [tilespmem:v26+s3+$0x0], $0xffff  }
0x209: {  	[tilespmem:s22+$0x0] =	vst v23;
	v23 =	vsel vm0, v7, v24;
	v24 =	vnsel vm1, $0x0, v13  }
0x20a: {  	[tilespmem:s22+$0x10] =	vst v23;
	v23 =	vsel vm0, v6, v24;
	v24 =	vnsel vm1, $0x0, v12  }
0x20b: {  	[tilespmem:s22+$0x20] =	vst v23;
	v23 =	vsel vm0, v5, v24;
	v24 =	vnsel vm1, $0x0, v11  }
0x20c: {  	[tilespmem:s22+$0x30] =	vst v23;
	v23 =	vsel vm0, v4, v24;
	v24 =	vnsel vm1, $0x0, v10  }
0x20d: {  	[tilespmem:s22+$0x40] =	vst v23;
	v23 =	vsel vm0, v2, v24;
	v24 =	vnsel vm1, $0x0, v9  }
.Ltmp4:
0x20e: {  	vm2 =	veq.s32 v25, $0x2;
	[tilespmem:s22+$0x50] =	vst v23;
	v23 =	vsel vm0, v1, v24;
	v24 =	vnsel vm1, $0x0, v3;
	(pc) =	sbr.rel @p1 .LBB2_6-.Ltmp4, $4  }
0x20f: {  	vm1 =	veq.s32 v25, $0x1;
	[tilespmem:s22+$0x60] =	vst v23;
	v23 =	vsel vm0, v0, v24;
	v24 =	vnsel vm2, $0x0, v14  }
0x210: {  	s24 =	sadd.s32 $0x38F, s24;
	[tilespmem:s22+$0x70] =	vst v23;
	v23 =	vsel vm1, v8, v24;
	v24 =	vnsel vm2, $0x0, v15  }
0x211: {  	v25 =	vnsel vm2, $0x0, v13;
	[tilespmem:s22+$0x80] =	vst v23;
	v24 =	vsel vm1, v7, v24;
	v23 =	vmov s24  }
0x212: {  	[tilespmem:s22+$0x90] =	vst v24;
	v24 =	vsel vm1, v6, v25;
	v25 =	vnsel vm2, $0x0, v12  }
0x213: {  	[tilespmem:s22+$0xA0] =	vst v24  }
0x214: {  	[tilespmem:s22+$0x100] =	vst v16  }
0x215: {  	[tilespmem:s22+$0x110] =	vst v17  }
0x216: {  	[tilespmem:s22+$0x120] =	vst v19  }
0x217: {  	[tilespmem:s22+$0x130] =	vst v20  }
0x218: {  	v23 =	vld.idx.msk [tilespmem:v23+s3+$0x0], $0xffff;
	[tilespmem:s22+$0x140] =	vst v18  }
0x219: {  	[tilespmem:s22+$0x150] =	vst v22  }
0x21a: {  	v24 =	vsel vm1, v5, v25;
	v25 =	vnsel vm2, $0x0, v11;
	[tilespmem:s22+$0x160] =	vst v21  }
0x21b: {  	[tilespmem:s22+$0xB0] =	vst v24;
	v24 =	vsel vm1, v4, v25;
	v25 =	vnsel vm2, $0x0, v10  }
0x21c: {  	[tilespmem:s22+$0xC0] =	vst v24;
	v24 =	vsel vm1, v2, v25;
	v25 =	vnsel vm2, $0x0, v9  }
0x21d: {  	[tilespmem:s22+$0xD0] =	vst v24;
	v24 =	vsel vm1, v1, v25;
	v25 =	vnsel vm2, $0x0, v3;
	vm0 =	veq.s32 v23, $0x2  }
0x21e: {  	[tilespmem:s22+$0xE0] =	vst v24;
	v24 =	vsel vm1, v0, v25;
	vm1 =	veq.s32 v23, $0x1;
	v16 =	vnsel vm0, $0x0, v14  }
0x21f: {  	[tilespmem:s22+$0xF0] =	vst v24;
	v18 =	vnsel vm0, $0x0, v13;
	v16 =	vsel vm1, v8, v16  }
0x220: {  	v17 =	vnsel vm0, $0x0, v15;
	v18 =	vsel vm1, v6, v18;
	[tilespmem:s22+$0x180] =	vst v16  }
0x221: {  	v16 =	vsel vm1, v7, v17;
	v17 =	vnsel vm0, $0x0, v12;
	[tilespmem:s22+$0x1A0] =	vst v18  }
0x222: {  	v18 =	vnsel vm0, $0x0, v10;
	[tilespmem:s22+$0x190] =	vst v16;
	v17 =	vsel vm1, v5, v17  }
0x223: {  	s24 =	simm.s32 $0x540;
	v19 =	vnsel vm0, $0x0, v9;
	v16 =	vnsel vm0, $0x0, v11;
	v18 =	vsel vm1, v2, v18;
	[tilespmem:s22+$0x1B0] =	vst v17  }
0x224: {  	s23 =	simm.s32 $0x546;
	v16 =	vsel vm1, v4, v16;
	v17 =	vnsel vm0, $0x0, v3;
	[tilespmem:s22+$0x1D0] =	vst v18;
	v18 =	vmov s24  }
0x225: {  	[tilespmem:s22+$0x1C0] =	vst v16;
	v16 =	vmov s23;
	v17 =	vsel vm1, v0, v17;
	v18 =	vand.u32 $0xFFFFFFF8, v18  }
0x226: {  	v19 =	vsel vm1, v1, v19;
	v16 =	vand.u32 $0xFFFFFFFE, v16;
	[tilespmem:s22+$0x1F0] =	vst v17;
	v17 =	vbroadcast v18, $0x0  }
0x227: {  	[tilespmem:s22+$0x1E0] =	vst v19;
	v16 =	vbroadcast v16, $0x0  }
0x228: {  	[hbm4b:s9+s3] =	stream.linear.scatter [tilespmem:s18], [sflag:$0x1], $0xE000, $0x38;
	[tilespmem:$0x1CE80] =	vst v63  }
0x229: {  	_ =	swait.ge [sflag:s20], $0xE000  }
0x22a: {  	[sflag:s20] =	ssyncset.done $0x0  }
0x22b: {  	[sflag:s20] =	ssyncadd.s32 $0xFFFF2000  }
0x22c: {  	s25 =	simm.s32 $0x541;
	v17 =	vld.idx.msk [tilespmem:v17+s3+$0x0], $0xffff  }
0x22d: {  	v18 =	vmov s25;
	v16 =	vld.idx.msk [tilespmem:v16+s3+$0x0], $0xffff  }
0x22e: {  	v18 =	vand.u32 $0xFFFFFFF9, v18  }
0x22f: {  	v18 =	vbroadcast v18, $0x0;
	_ =	sdelay $0x1  }
0x230: {  	vm2 =	veq.s32 v17, $0x2  }
0x231: {  	vm3 =	veq.s32 v17, $0x1;
	vm1 =	veq.s32 v16, $0x2;
	v17 =	vnsel vm2, $0x0, v14  }
0x232: {  	s22 =	simm.s32 $0xF080;
	vm0 =	veq.s32 v16, $0x1;
	v16 =	vnsel vm1, $0x0, v3;
	v17 =	vsel vm3, v8, v17  }
0x233: {  	s26 =	simm.s32 $0x542;
	v19 =	vnsel vm2, $0x0, v15;
	v16 =	vsel vm0, v0, v16;
	[tilespmem:s22+$0xFFFFFE00] =	vst v17  }
0x234: {  	v18 =	vld.idx.msk [tilespmem:v18+s3+$0x0], $0xffff;
	v20 =	vnsel vm2, $0x0, v13;
	v19 =	vsel vm3, v7, v19;
	[tilespmem:s22+$0x170] =	vst v16;
	v16 =	vmov s26  }
0x235: {  	v20 =	vsel vm3, v6, v20;
	v17 =	vnsel vm2, $0x0, v12;
	[tilespmem:s22+$0xFFFFFE10] =	vst v19;
	v16 =	vand.u32 $0xFFFFFFFA, v16  }
0x236: {  	v19 =	vnsel vm2, $0x0, v11;
	[tilespmem:s22+$0xFFFFFE20] =	vst v20;
	v17 =	vsel vm3, v5, v17;
	v16 =	vbroadcast v16, $0x0  }
0x237: {  	[tilespmem:s22+$0xFFFFFE30] =	vst v17;
	v17 =	vsel vm3, v4, v19;
	v19 =	vnsel vm2, $0x0, v10  }
0x238: {  	[tilespmem:s22+$0xFFFFFE40] =	vst v17;
	v17 =	vsel vm3, v2, v19;
	v19 =	vnsel vm2, $0x0, v9  }
0x239: {  	[tilespmem:s22+$0xFFFFFE50] =	vst v17;
	v17 =	vsel vm3, v1, v19;
	v19 =	vnsel vm2, $0x0, v3;
	vm2 =	veq.s32 v18, $0x2  }
0x23a: {  	[tilespmem:s22+$0xFFFFFE60] =	vst v17;
	v17 =	vsel vm3, v0, v19;
	vm3 =	veq.s32 v18, $0x1;
	v18 =	vnsel vm2, $0x0, v14  }
0x23b: {  	s28 =	simm.s32 $0x543;
	[tilespmem:s22+$0xFFFFFE70] =	vst v17;
	v17 =	vsel vm3, v8, v18;
	v18 =	vnsel vm2, $0x0, v15  }
0x23c: {  	v19 =	vmov s28;
	[tilespmem:s22+$0xFFFFFE80] =	vst v17;
	v17 =	vsel vm3, v7, v18;
	v18 =	vnsel vm2, $0x0, v13;
	v16 =	vld.idx.msk [tilespmem:v16+s3+$0x0], $0xffff  }
0x23d: {  	v19 =	vand.u32 $0xFFFFFFFB, v19;
	[tilespmem:s22+$0xFFFFFE90] =	vst v17;
	v17 =	vsel vm3, v6, v18;
	v18 =	vnsel vm2, $0x0, v12  }
0x23e: {  	v19 =	vbroadcast v19, $0x0;
	[tilespmem:s22+$0xFFFFFEA0] =	vst v17;
	v17 =	vsel vm3, v5, v18;
	v18 =	vnsel vm2, $0x0, v11  }
0x23f: {  	[tilespmem:s22+$0xFFFFFEB0] =	vst v17;
	v17 =	vsel vm3, v4, v18;
	v18 =	vnsel vm2, $0x0, v10  }
0x240: {  	[tilespmem:s22+$0xFFFFFEC0] =	vst v17;
	v17 =	vsel vm3, v2, v18;
	v18 =	vnsel vm2, $0x0, v9  }
0x241: {  	[tilespmem:s22+$0xFFFFFED0] =	vst v17;
	v17 =	vsel vm3, v1, v18;
	v18 =	vnsel vm2, $0x0, v3;
	vm2 =	veq.s32 v16, $0x2  }
0x242: {  	[tilespmem:s22+$0xFFFFFEE0] =	vst v17;
	v17 =	vsel vm3, v0, v18;
	vm3 =	veq.s32 v16, $0x1;
	v16 =	vnsel vm2, $0x0, v14  }
0x243: {  	s29 =	simm.s32 $0x544;
	v21 =	vnsel vm1, $0x0, v15;
	[tilespmem:s22+$0xFFFFFEF0] =	vst v17;
	v17 =	vnsel vm2, $0x0, v15;
	v16 =	vsel vm3, v8, v16  }
0x244: {  	v20 =	vmov s29;
	v19 =	vld.idx.msk [tilespmem:v19+s3+$0x0], $0xffff;
	[tilespmem:s22+$0xFFFFFF00] =	vst v16;
	v16 =	vsel vm3, v7, v17;
	v17 =	vnsel vm2, $0x0, v13  }
0x245: {  	v20 =	vand.u32 $0xFFFFFFFC, v20;
	[tilespmem:s22+$0xFFFFFF10] =	vst v16;
	v16 =	vsel vm3, v6, v17;
	v17 =	vnsel vm2, $0x0, v12  }
0x246: {  	v20 =	vbroadcast v20, $0x0;
	[tilespmem:s22+$0xFFFFFF20] =	vst v16;
	v16 =	vsel vm3, v5, v17;
	v17 =	vnsel vm2, $0x0, v11  }
0x247: {  	v22 =	vnsel vm1, $0x0, v13;
	[tilespmem:s22+$0xFFFFFF30] =	vst v16;
	v16 =	vsel vm3, v4, v17;
	v17 =	vnsel vm2, $0x0, v10  }
0x248: {  	v23 =	vnsel vm1, $0x0, v12;
	[tilespmem:s22+$0xFFFFFF40] =	vst v16;
	v16 =	vsel vm3, v2, v17;
	v17 =	vnsel vm2, $0x0, v9  }
0x249: {  	[tilespmem:s22+$0xFFFFFF50] =	vst v16;
	v16 =	vsel vm3, v1, v17;
	v17 =	vnsel vm2, $0x0, v3;
	vm2 =	veq.s32 v19, $0x2  }
0x24a: {  	[tilespmem:s22+$0xFFFFFF60] =	vst v16;
	v16 =	vsel vm3, v0, v17;
	vm3 =	veq.s32 v19, $0x1;
	v17 =	vnsel vm2, $0x0, v14  }
0x24b: {  	s30 =	simm.s32 $0x545;
	v24 =	vnsel vm1, $0x0, v11;
	[tilespmem:s22+$0xFFFFFF70] =	vst v16;
	v16 =	vsel vm3, v8, v17;
	v17 =	vnsel vm2, $0x0, v15  }
0x24c: {  	v19 =	vld.idx.msk [tilespmem:v20+s3+$0x0], $0xffff;
	v20 =	vmov s30;
	[tilespmem:s22+$0xFFFFFF80] =	vst v16;
	v16 =	vsel vm3, v7, v17;
	v17 =	vnsel vm2, $0x0, v13  }
0x24d: {  	v20 =	vand.u32 $0xFFFFFFFD, v20;
	[tilespmem:s22+$0xFFFFFF90] =	vst v16;
	v16 =	vsel vm3, v6, v17;
	v17 =	vnsel vm2, $0x0, v12  }
0x24e: {  	v20 =	vbroadcast v20, $0x0;
	[tilespmem:s22+$0xFFFFFFA0] =	vst v16;
	v16 =	vsel vm3, v5, v17;
	v17 =	vnsel vm2, $0x0, v11  }
0x24f: {  	v25 =	vnsel vm1, $0x0, v10;
	[tilespmem:s22+$0xFFFFFFB0] =	vst v16;
	v16 =	vsel vm3, v4, v17;
	v17 =	vnsel vm2, $0x0, v10  }
0x250: {  	v18 =	vnsel vm1, $0x0, v14;
	[tilespmem:s22+$0xFFFFFFC0] =	vst v16;
	v16 =	vsel vm3, v2, v17;
	v17 =	vnsel vm2, $0x0, v9  }
0x251: {  	[tilespmem:s22+$0xFFFFFFD0] =	vst v16;
	v16 =	vsel vm3, v1, v17;
	v17 =	vnsel vm2, $0x0, v3;
	vm2 =	veq.s32 v19, $0x2  }
0x252: {  	[tilespmem:s22+$0xFFFFFFE0] =	vst v16;
	v17 =	vsel vm3, v0, v17;
	vm3 =	veq.s32 v19, $0x1;
	v19 =	vnsel vm2, $0x0, v14  }
0x253: {  	v16 =	vsel vm0, v8, v18;
	[tilespmem:s22+$0xFFFFFFF0] =	vst v17;
	v18 =	vsel vm3, v8, v19;
	v19 =	vnsel vm2, $0x0, v15  }
0x254: {  	v17 =	vsel vm0, v7, v21;
	v21 =	vld.idx.msk [tilespmem:v20+s3+$0x0], $0xffff;
	[tilespmem:s22+$0x0] =	vst v18;
	v18 =	vsel vm3, v7, v19;
	v19 =	vnsel vm2, $0x0, v13  }
0x255: {  	v26 =	vnsel vm1, $0x0, v9;
	v20 =	vnsel vm2, $0x0, v12;
	[tilespmem:s22+$0x10] =	vst v18;
	v18 =	vsel vm3, v6, v19  }
0x256: {  	v19 =	vsel vm0, v6, v22;
	v22 =	vnsel vm2, $0x0, v11;
	[tilespmem:s22+$0x20] =	vst v18;
	v18 =	vsel vm3, v5, v20  }
0x257: {  	v20 =	vsel vm0, v5, v23;
	v22 =	vsel vm3, v4, v22;
	v23 =	vnsel vm2, $0x0, v10;
	[tilespmem:s22+$0x30] =	vst v18  }
0x258: {  	v18 =	vsel vm0, v4, v24;
	[tilespmem:s22+$0x40] =	vst v22;
	v22 =	vsel vm3, v2, v23;
	v23 =	vnsel vm2, $0x0, v9  }
0x259: {  	[tilespmem:s22+$0x50] =	vst v22;
	v22 =	vsel vm3, v1, v23;
	v23 =	vnsel vm2, $0x0, v3;
	vm2 =	veq.s32 v21, $0x2  }
0x25a: {  	vm1 =	veq.s32 v21, $0x1;
	[tilespmem:s22+$0x60] =	vst v22;
	v23 =	vsel vm3, v0, v23;
	v21 =	vnsel vm2, $0x0, v14  }
0x25b: {  	s31 =	simm.s32 $0x547;
	v22 =	vsel vm0, v2, v25;
	v24 =	vnsel vm2, $0x0, v15;
	[tilespmem:s22+$0x70] =	vst v23;
	v23 =	vsel vm1, v8, v21  }
0x25c: {  	v25 =	vnsel vm2, $0x0, v13;
	v24 =	vsel vm1, v7, v24;
	[tilespmem:s22+$0x80] =	vst v23;
	v23 =	vmov s31  }
0x25d: {  	s23 =	simm.s32 $0x0;
	v21 =	vsel vm0, v1, v26;
	[tilespmem:s22+$0x90] =	vst v24;
	v24 =	vsel vm1, v6, v25;
	v25 =	vnsel vm2, $0x0, v12  }
.LBB2_8:
0x25e: {  	s25 =	sadd.s32 $0x548, s23;
	[tilespmem:s22+$0xA0] =	vst v24;
	v24 =	vsel vm1, v5, v25;
	v25 =	vnsel vm2, $0x0, v11;
	s24 =	smov.u32 s23  }
0x25f: {  	v26 =	vmov s25;
	[tilespmem:s22+$0xB0] =	vst v24;
	v24 =	vsel vm1, v4, v25;
	v25 =	vnsel vm2, $0x0, v10  }
0x260: {  	v26 =	vand.u32 $0xFFFFFFF8, v26;
	[tilespmem:s22+$0xC0] =	vst v24;
	v24 =	vsel vm1, v2, v25;
	v25 =	vnsel vm2, $0x0, v9  }
0x261: {  	s23 =	sadd.s32 $0x8, s23;
	s25 =	sadd.s32 $0x54E, s24;
	v26 =	vbroadcast v26, $0x0;
	[tilespmem:s22+$0xD0] =	vst v24;
	v24 =	vsel vm1, v1, v25;
	v25 =	vnsel vm2, $0x0, v3;
	v23 =	vld.idx.msk [tilespmem:v23+s3+$0x0], $0xffff  }
0x262: {  	p1 =	slt.u32 s23, $0x1B8;
	v27 =	vmov s25;
	[tilespmem:s22+$0xE0] =	vst v24;
	v24 =	vsel vm1, v0, v25  }
0x263: {  	s25 =	sadd.s32 $0x549, s24;
	v25 =	vand.u32 $0xFFFFFFFE, v27;
	[tilespmem:s22+$0xF0] =	vst v24  }
0x264: {  	v24 =	vmov s25;
	s25 =	sadd.s32 $0x54A, s24;
	v25 =	vbroadcast v25, $0x0;
	[tilespmem:s22+$0x100] =	vst v16  }
0x265: {  	v16 =	vand.u32 $0xFFFFFFF9, v24;
	v24 =	vmov s25;
	[tilespmem:s22+$0x110] =	vst v17  }
0x266: {  	v16 =	vbroadcast v16, $0x0;
	v17 =	vand.u32 $0xFFFFFFFA, v24;
	[tilespmem:s22+$0x120] =	vst v19  }
0x267: {  	v24 =	vbroadcast v17, $0x0;
	vm2 =	veq.s32 v23, $0x1;
	vm0 =	veq.s32 v23, $0x2;
	v19 =	vld.idx.msk [tilespmem:v26+s3+$0x0], $0xffff;
	[tilespmem:s22+$0x130] =	vst v20  }
0x268: {  	v17 =	vnsel vm0, $0x0, v14;
	v20 =	vnsel vm0, $0x0, v13;
	[tilespmem:s22+$0x140] =	vst v18;
	v18 =	vnsel vm0, $0x0, v15  }
0x269: {  	v23 =	vnsel vm0, $0x0, v11;
	v26 =	vnsel vm0, $0x0, v10;
	[tilespmem:s22+$0x150] =	vst v22;
	v22 =	vnsel vm0, $0x0, v12  }
0x26a: {  	v27 =	vnsel vm0, $0x0, v3;
	v17 =	vsel vm2, v8, v17;
	v25 =	vld.idx.msk [tilespmem:v25+s3+$0x0], $0xffff;
	[tilespmem:s22+$0x160] =	vst v21;
	v21 =	vnsel vm0, $0x0, v9  }
0x26b: {  	[tilespmem:s22+$0x180] =	vst v17;
	v17 =	vsel vm2, v7, v18;
	v18 =	vsel vm2, v6, v20;
	v20 =	vsel vm2, v5, v22  }
0x26c: {  	v22 =	vsel vm2, v2, v26;
	v21 =	vsel vm2, v1, v21;
	[tilespmem:s22+$0x190] =	vst v17;
	v17 =	vsel vm2, v4, v23  }
0x26d: {  	vm0 =	veq.s32 v19, $0x1;
	vm1 =	veq.s32 v19, $0x2;
	[tilespmem:s22+$0x1A0] =	vst v18;
	v18 =	vsel vm2, v0, v27  }
0x26e: {  	v19 =	vnsel vm1, $0x0, v14;
	v23 =	vnsel vm1, $0x0, v15;
	v26 =	vnsel vm1, $0x0, v13;
	[tilespmem:s22+$0x1B0] =	vst v20  }
0x26f: {  	v27 =	vnsel vm1, $0x0, v12;
	v28 =	vnsel vm1, $0x0, v11;
	v19 =	vsel vm0, v8, v19;
	[tilespmem:s22+$0x1C0] =	vst v17  }
0x270: {  	v20 =	vsel vm0, v7, v23;
	v23 =	vsel vm0, v6, v26;
	vm2 =	veq.s32 v25, $0x2;
	[tilespmem:s22+$0x1D0] =	vst v22  }
0x271: {  	vm3 =	veq.s32 v25, $0x1;
	v17 =	vnsel vm2, $0x0, v14;
	v22 =	vnsel vm2, $0x0, v3;
	[tilespmem:s22+$0x1E0] =	vst v21  }
0x272: {  	v25 =	vnsel vm2, $0x0, v13;
	v21 =	vnsel vm2, $0x0, v15;
	v22 =	vsel vm3, v0, v22;
	[tilespmem:s22+$0x1F0] =	vst v18;
	s22 =	sadd.s32 $0x400, s22  }
0x273: {  	v29 =	vnsel vm2, $0x0, v11;
	v30 =	vnsel vm2, $0x0, v10;
	v18 =	vnsel vm2, $0x0, v12;
	v26 =	vld.idx.msk [tilespmem:v16+s3+$0x0], $0xffff;
	[tilespmem:s22+$0x170] =	vst v22  }
0x274: {  	v16 =	vsel vm3, v8, v17;
	v17 =	vsel vm3, v7, v21;
	v21 =	vnsel vm2, $0x0, v9;
	[tilespmem:s22+$0xFFFFFE00] =	vst v19  }
0x275: {  	v19 =	vsel vm3, v6, v25;
	[tilespmem:s22+$0xFFFFFE10] =	vst v20;
	v20 =	vsel vm3, v5, v18;
	v18 =	vsel vm3, v4, v29  }
0x276: {  	v22 =	vsel vm3, v2, v30;
	v21 =	vsel vm3, v1, v21;
	[tilespmem:s22+$0xFFFFFE20] =	vst v23;
	v23 =	vsel vm0, v5, v27  }
0x277: {  	v25 =	vnsel vm1, $0x0, v10;
	[tilespmem:s22+$0xFFFFFE30] =	vst v23;
	v23 =	vsel vm0, v4, v28  }
0x278: {  	[tilespmem:s22+$0xFFFFFE40] =	vst v23;
	v23 =	vsel vm0, v2, v25;
	v25 =	vnsel vm1, $0x0, v9  }
0x279: {  	[tilespmem:s22+$0xFFFFFE50] =	vst v23;
	v23 =	vsel vm0, v1, v25;
	v25 =	vnsel vm1, $0x0, v3;
	vm1 =	veq.s32 v26, $0x2  }
0x27a: {  	s25 =	sadd.s32 $0x54B, s24;
	[tilespmem:s22+$0xFFFFFE60] =	vst v23;
	v23 =	vsel vm0, v0, v25;
	vm0 =	veq.s32 v26, $0x1;
	v25 =	vnsel vm1, $0x0, v14  }
0x27b: {  	v26 =	vmov s25;
	[tilespmem:s22+$0xFFFFFE70] =	vst v23;
	v23 =	vsel vm0, v8, v25;
	v25 =	vnsel vm1, $0x0, v15;
	v24 =	vld.idx.msk [tilespmem:v24+s3+$0x0], $0xffff  }
0x27c: {  	v26 =	vand.u32 $0xFFFFFFFB, v26;
	[tilespmem:s22+$0xFFFFFE80] =	vst v23;
	v23 =	vsel vm0, v7, v25;
	v25 =	vnsel vm1, $0x0, v13  }
0x27d: {  	v26 =	vbroadcast v26, $0x0;
	[tilespmem:s22+$0xFFFFFE90] =	vst v23;
	v23 =	vsel vm0, v6, v25;
	v25 =	vnsel vm1, $0x0, v12  }
0x27e: {  	[tilespmem:s22+$0xFFFFFEA0] =	vst v23;
	v23 =	vsel vm0, v5, v25;
	v25 =	vnsel vm1, $0x0, v11  }
0x27f: {  	[tilespmem:s22+$0xFFFFFEB0] =	vst v23;
	v23 =	vsel vm0, v4, v25;
	v25 =	vnsel vm1, $0x0, v10  }
0x280: {  	[tilespmem:s22+$0xFFFFFEC0] =	vst v23;
	v23 =	vsel vm0, v2, v25;
	v25 =	vnsel vm1, $0x0, v9  }
0x281: {  	[tilespmem:s22+$0xFFFFFED0] =	vst v23;
	v23 =	vsel vm0, v1, v25;
	v25 =	vnsel vm1, $0x0, v3;
	vm1 =	veq.s32 v24, $0x2  }
0x282: {  	s25 =	sadd.s32 $0x54C, s24;
	[tilespmem:s22+$0xFFFFFEE0] =	vst v23;
	v23 =	vsel vm0, v0, v25;
	vm0 =	veq.s32 v24, $0x1;
	v24 =	vnsel vm1, $0x0, v14  }
0x283: {  	[tilespmem:s22+$0xFFFFFEF0] =	vst v23;
	v23 =	vsel vm0, v8, v24;
	v24 =	vnsel vm1, $0x0, v15;
	v25 =	vld.idx.msk [tilespmem:v26+s3+$0x0], $0xffff;
	v26 =	vmov s25  }
0x284: {  	[tilespmem:s22+$0xFFFFFF00] =	vst v23;
	v23 =	vsel vm0, v7, v24;
	v24 =	vnsel vm1, $0x0, v13;
	v26 =	vand.u32 $0xFFFFFFFC, v26  }
0x285: {  	[tilespmem:s22+$0xFFFFFF10] =	vst v23;
	v23 =	vsel vm0, v6, v24;
	v24 =	vnsel vm1, $0x0, v12;
	v26 =	vbroadcast v26, $0x0  }
0x286: {  	[tilespmem:s22+$0xFFFFFF20] =	vst v23;
	v23 =	vsel vm0, v5, v24;
	v24 =	vnsel vm1, $0x0, v11  }
0x287: {  	[tilespmem:s22+$0xFFFFFF30] =	vst v23;
	v23 =	vsel vm0, v4, v24;
	v24 =	vnsel vm1, $0x0, v10  }
0x288: {  	[tilespmem:s22+$0xFFFFFF40] =	vst v23;
	v23 =	vsel vm0, v2, v24;
	v24 =	vnsel vm1, $0x0, v9  }
0x289: {  	[tilespmem:s22+$0xFFFFFF50] =	vst v23;
	v23 =	vsel vm0, v1, v24;
	v24 =	vnsel vm1, $0x0, v3;
	vm1 =	veq.s32 v25, $0x2  }
0x28a: {  	s25 =	sadd.s32 $0x54D, s24;
	[tilespmem:s22+$0xFFFFFF60] =	vst v23;
	v23 =	vsel vm0, v0, v24;
	vm0 =	veq.s32 v25, $0x1;
	v24 =	vnsel vm1, $0x0, v14  }
0x28b: {  	[tilespmem:s22+$0xFFFFFF70] =	vst v23;
	v23 =	vsel vm0, v8, v24;
	v24 =	vnsel vm1, $0x0, v15;
	v25 =	vld.idx.msk [tilespmem:v26+s3+$0x0], $0xffff;
	v26 =	vmov s25  }
0x28c: {  	[tilespmem:s22+$0xFFFFFF80] =	vst v23;
	v23 =	vsel vm0, v7, v24;
	v24 =	vnsel vm1, $0x0, v13;
	v26 =	vand.u32 $0xFFFFFFFD, v26  }
0x28d: {  	[tilespmem:s22+$0xFFFFFF90] =	vst v23;
	v23 =	vsel vm0, v6, v24;
	v24 =	vnsel vm1, $0x0, v12;
	v26 =	vbroadcast v26, $0x0  }
0x28e: {  	[tilespmem:s22+$0xFFFFFFA0] =	vst v23;
	v23 =	vsel vm0, v5, v24;
	v24 =	vnsel vm1, $0x0, v11  }
0x28f: {  	[tilespmem:s22+$0xFFFFFFB0] =	vst v23;
	v23 =	vsel vm0, v4, v24;
	v24 =	vnsel vm1, $0x0, v10  }
0x290: {  	[tilespmem:s22+$0xFFFFFFC0] =	vst v23;
	v23 =	vsel vm0, v2, v24;
	v24 =	vnsel vm1, $0x0, v9  }
0x291: {  	[tilespmem:s22+$0xFFFFFFD0] =	vst v23;
	v23 =	vsel vm0, v1, v24;
	v24 =	vnsel vm1, $0x0, v3;
	vm1 =	veq.s32 v25, $0x2  }
0x292: {  	[tilespmem:s22+$0xFFFFFFE0] =	vst v23;
	v23 =	vsel vm0, v0, v24;
	vm0 =	veq.s32 v25, $0x1;
	v24 =	vnsel vm1, $0x0, v14  }
0x293: {  	[tilespmem:s22+$0xFFFFFFF0] =	vst v23;
	v23 =	vsel vm0, v8, v24;
	v24 =	vnsel vm1, $0x0, v15;
	v25 =	vld.idx.msk [tilespmem:v26+s3+$0x0], $0xffff  }
0x294: {  	[tilespmem:s22+$0x0] =	vst v23;
	v23 =	vsel vm0, v7, v24;
	v24 =	vnsel vm1, $0x0, v13  }
0x295: {  	[tilespmem:s22+$0x10] =	vst v23;
	v23 =	vsel vm0, v6, v24;
	v24 =	vnsel vm1, $0x0, v12  }
0x296: {  	[tilespmem:s22+$0x20] =	vst v23;
	v23 =	vsel vm0, v5, v24;
	v24 =	vnsel vm1, $0x0, v11  }
0x297: {  	[tilespmem:s22+$0x30] =	vst v23;
	v23 =	vsel vm0, v4, v24;
	v24 =	vnsel vm1, $0x0, v10  }
0x298: {  	[tilespmem:s22+$0x40] =	vst v23;
	v23 =	vsel vm0, v2, v24;
	v24 =	vnsel vm1, $0x0, v9  }
.Ltmp5:
0x299: {  	vm2 =	veq.s32 v25, $0x2;
	[tilespmem:s22+$0x50] =	vst v23;
	v23 =	vsel vm0, v1, v24;
	v24 =	vnsel vm1, $0x0, v3;
	(pc) =	sbr.rel @p1 .LBB2_8-.Ltmp5, $4  }
0x29a: {  	vm1 =	veq.s32 v25, $0x1;
	[tilespmem:s22+$0x60] =	vst v23;
	v23 =	vsel vm0, v0, v24;
	v24 =	vnsel vm2, $0x0, v14  }
0x29b: {  	s24 =	sadd.s32 $0x54F, s24;
	[tilespmem:s22+$0x70] =	vst v23;
	v23 =	vsel vm1, v8, v24;
	v24 =	vnsel vm2, $0x0, v15  }
0x29c: {  	v25 =	vnsel vm2, $0x0, v13;
	[tilespmem:s22+$0x80] =	vst v23;
	v24 =	vsel vm1, v7, v24;
	v23 =	vmov s24  }
0x29d: {  	[tilespmem:s22+$0x90] =	vst v24;
	v24 =	vsel vm1, v6, v25;
	v25 =	vnsel vm2, $0x0, v12  }
0x29e: {  	[tilespmem:s22+$0xA0] =	vst v24  }
0x29f: {  	[tilespmem:s22+$0x100] =	vst v16  }
0x2a0: {  	[tilespmem:s22+$0x110] =	vst v17  }
0x2a1: {  	[tilespmem:s22+$0x120] =	vst v19  }
0x2a2: {  	[tilespmem:s22+$0x130] =	vst v20  }
0x2a3: {  	v23 =	vld.idx.msk [tilespmem:v23+s3+$0x0], $0xffff;
	[tilespmem:s22+$0x140] =	vst v18  }
0x2a4: {  	[tilespmem:s22+$0x150] =	vst v22  }
0x2a5: {  	v24 =	vsel vm1, v5, v25;
	v25 =	vnsel vm2, $0x0, v11;
	[tilespmem:s22+$0x160] =	vst v21  }
0x2a6: {  	[tilespmem:s22+$0xB0] =	vst v24;
	v24 =	vsel vm1, v4, v25;
	v25 =	vnsel vm2, $0x0, v10  }
0x2a7: {  	[tilespmem:s22+$0xC0] =	vst v24;
	v24 =	vsel vm1, v2, v25;
	v25 =	vnsel vm2, $0x0, v9  }
0x2a8: {  	[tilespmem:s22+$0xD0] =	vst v24;
	v24 =	vsel vm1, v1, v25;
	v25 =	vnsel vm2, $0x0, v3;
	vm0 =	veq.s32 v23, $0x2  }
0x2a9: {  	[tilespmem:s22+$0xE0] =	vst v24;
	v24 =	vsel vm1, v0, v25;
	vm1 =	veq.s32 v23, $0x1;
	v16 =	vnsel vm0, $0x0, v14  }
0x2aa: {  	[tilespmem:s22+$0xF0] =	vst v24;
	v18 =	vnsel vm0, $0x0, v13;
	v16 =	vsel vm1, v8, v16  }
0x2ab: {  	v17 =	vnsel vm0, $0x0, v15;
	v18 =	vsel vm1, v6, v18;
	[tilespmem:s22+$0x180] =	vst v16  }
0x2ac: {  	v16 =	vsel vm1, v7, v17;
	v17 =	vnsel vm0, $0x0, v12;
	[tilespmem:s22+$0x1A0] =	vst v18  }
0x2ad: {  	v18 =	vnsel vm0, $0x0, v10;
	[tilespmem:s22+$0x190] =	vst v16;
	v17 =	vsel vm1, v5, v17  }
0x2ae: {  	s24 =	simm.s32 $0x700;
	v19 =	vnsel vm0, $0x0, v9;
	v16 =	vnsel vm0, $0x0, v11;
	v18 =	vsel vm1, v2, v18;
	[tilespmem:s22+$0x1B0] =	vst v17  }
0x2af: {  	s23 =	simm.s32 $0x706;
	v16 =	vsel vm1, v4, v16;
	v17 =	vnsel vm0, $0x0, v3;
	[tilespmem:s22+$0x1D0] =	vst v18;
	v18 =	vmov s24  }
0x2b0: {  	[tilespmem:s22+$0x1C0] =	vst v16;
	v16 =	vmov s23;
	v17 =	vsel vm1, v0, v17;
	v18 =	vand.u32 $0xFFFFFFF8, v18  }
0x2b1: {  	v19 =	vsel vm1, v1, v19;
	v16 =	vand.u32 $0xFFFFFFFE, v16;
	[tilespmem:s22+$0x1F0] =	vst v17;
	v17 =	vbroadcast v18, $0x0  }
0x2b2: {  	[tilespmem:s22+$0x1E0] =	vst v19;
	v16 =	vbroadcast v16, $0x0  }
0x2b3: {  	[hbm4b:s10+s3] =	stream.linear.scatter [tilespmem:s19], [sflag:$0x1], $0xE000, $0x38;
	[tilespmem:$0x1CE80] =	vst v63  }
0x2b4: {  	_ =	swait.ge [sflag:s20], $0xE000  }
0x2b5: {  	[sflag:s20] =	ssyncset.done $0x0  }
0x2b6: {  	[sflag:s20] =	ssyncadd.s32 $0xFFFF2000  }
0x2b7: {  	s25 =	simm.s32 $0x701;
	v17 =	vld.idx.msk [tilespmem:v17+s3+$0x0], $0xffff  }
0x2b8: {  	v18 =	vmov s25;
	v16 =	vld.idx.msk [tilespmem:v16+s3+$0x0], $0xffff  }
0x2b9: {  	v18 =	vand.u32 $0xFFFFFFF9, v18  }
0x2ba: {  	v18 =	vbroadcast v18, $0x0;
	_ =	sdelay $0x1  }
0x2bb: {  	vm2 =	veq.s32 v17, $0x2  }
0x2bc: {  	vm3 =	veq.s32 v17, $0x1;
	vm1 =	veq.s32 v16, $0x2;
	v17 =	vnsel vm2, $0x0, v14  }
0x2bd: {  	s22 =	simm.s32 $0x1080;
	vm0 =	veq.s32 v16, $0x1;
	v16 =	vnsel vm1, $0x0, v3;
	v17 =	vsel vm3, v8, v17  }
0x2be: {  	s26 =	simm.s32 $0x702;
	v19 =	vnsel vm2, $0x0, v15;
	v16 =	vsel vm0, v0, v16;
	[tilespmem:s22+$0xFFFFFE00] =	vst v17  }
0x2bf: {  	v18 =	vld.idx.msk [tilespmem:v18+s3+$0x0], $0xffff;
	v20 =	vnsel vm2, $0x0, v13;
	v19 =	vsel vm3, v7, v19;
	[tilespmem:s22+$0x170] =	vst v16;
	v16 =	vmov s26  }
0x2c0: {  	v20 =	vsel vm3, v6, v20;
	v17 =	vnsel vm2, $0x0, v12;
	[tilespmem:s22+$0xFFFFFE10] =	vst v19;
	v16 =	vand.u32 $0xFFFFFFFA, v16  }
0x2c1: {  	v19 =	vnsel vm2, $0x0, v11;
	[tilespmem:s22+$0xFFFFFE20] =	vst v20;
	v17 =	vsel vm3, v5, v17;
	v16 =	vbroadcast v16, $0x0  }
0x2c2: {  	[tilespmem:s22+$0xFFFFFE30] =	vst v17;
	v17 =	vsel vm3, v4, v19;
	v19 =	vnsel vm2, $0x0, v10  }
0x2c3: {  	[tilespmem:s22+$0xFFFFFE40] =	vst v17;
	v17 =	vsel vm3, v2, v19;
	v19 =	vnsel vm2, $0x0, v9  }
0x2c4: {  	[tilespmem:s22+$0xFFFFFE50] =	vst v17;
	v17 =	vsel vm3, v1, v19;
	v19 =	vnsel vm2, $0x0, v3;
	vm2 =	veq.s32 v18, $0x2  }
0x2c5: {  	[tilespmem:s22+$0xFFFFFE60] =	vst v17;
	v17 =	vsel vm3, v0, v19;
	vm3 =	veq.s32 v18, $0x1;
	v18 =	vnsel vm2, $0x0, v14  }
0x2c6: {  	s28 =	simm.s32 $0x703;
	[tilespmem:s22+$0xFFFFFE70] =	vst v17;
	v17 =	vsel vm3, v8, v18;
	v18 =	vnsel vm2, $0x0, v15  }
0x2c7: {  	v19 =	vmov s28;
	[tilespmem:s22+$0xFFFFFE80] =	vst v17;
	v17 =	vsel vm3, v7, v18;
	v18 =	vnsel vm2, $0x0, v13;
	v16 =	vld.idx.msk [tilespmem:v16+s3+$0x0], $0xffff  }
0x2c8: {  	v19 =	vand.u32 $0xFFFFFFFB, v19;
	[tilespmem:s22+$0xFFFFFE90] =	vst v17;
	v17 =	vsel vm3, v6, v18;
	v18 =	vnsel vm2, $0x0, v12  }
0x2c9: {  	v19 =	vbroadcast v19, $0x0;
	[tilespmem:s22+$0xFFFFFEA0] =	vst v17;
	v17 =	vsel vm3, v5, v18;
	v18 =	vnsel vm2, $0x0, v11  }
0x2ca: {  	[tilespmem:s22+$0xFFFFFEB0] =	vst v17;
	v17 =	vsel vm3, v4, v18;
	v18 =	vnsel vm2, $0x0, v10  }
0x2cb: {  	[tilespmem:s22+$0xFFFFFEC0] =	vst v17;
	v17 =	vsel vm3, v2, v18;
	v18 =	vnsel vm2, $0x0, v9  }
0x2cc: {  	[tilespmem:s22+$0xFFFFFED0] =	vst v17;
	v17 =	vsel vm3, v1, v18;
	v18 =	vnsel vm2, $0x0, v3;
	vm2 =	veq.s32 v16, $0x2  }
0x2cd: {  	[tilespmem:s22+$0xFFFFFEE0] =	vst v17;
	v17 =	vsel vm3, v0, v18;
	vm3 =	veq.s32 v16, $0x1;
	v16 =	vnsel vm2, $0x0, v14  }
0x2ce: {  	s29 =	simm.s32 $0x704;
	v21 =	vnsel vm1, $0x0, v15;
	[tilespmem:s22+$0xFFFFFEF0] =	vst v17;
	v17 =	vnsel vm2, $0x0, v15;
	v16 =	vsel vm3, v8, v16  }
0x2cf: {  	v20 =	vmov s29;
	v19 =	vld.idx.msk [tilespmem:v19+s3+$0x0], $0xffff;
	[tilespmem:s22+$0xFFFFFF00] =	vst v16;
	v16 =	vsel vm3, v7, v17;
	v17 =	vnsel vm2, $0x0, v13  }
0x2d0: {  	v20 =	vand.u32 $0xFFFFFFFC, v20;
	[tilespmem:s22+$0xFFFFFF10] =	vst v16;
	v16 =	vsel vm3, v6, v17;
	v17 =	vnsel vm2, $0x0, v12  }
0x2d1: {  	v20 =	vbroadcast v20, $0x0;
	[tilespmem:s22+$0xFFFFFF20] =	vst v16;
	v16 =	vsel vm3, v5, v17;
	v17 =	vnsel vm2, $0x0, v11  }
0x2d2: {  	v22 =	vnsel vm1, $0x0, v13;
	[tilespmem:s22+$0xFFFFFF30] =	vst v16;
	v16 =	vsel vm3, v4, v17;
	v17 =	vnsel vm2, $0x0, v10  }
0x2d3: {  	v23 =	vnsel vm1, $0x0, v12;
	[tilespmem:s22+$0xFFFFFF40] =	vst v16;
	v16 =	vsel vm3, v2, v17;
	v17 =	vnsel vm2, $0x0, v9  }
0x2d4: {  	[tilespmem:s22+$0xFFFFFF50] =	vst v16;
	v16 =	vsel vm3, v1, v17;
	v17 =	vnsel vm2, $0x0, v3;
	vm2 =	veq.s32 v19, $0x2  }
0x2d5: {  	[tilespmem:s22+$0xFFFFFF60] =	vst v16;
	v16 =	vsel vm3, v0, v17;
	vm3 =	veq.s32 v19, $0x1;
	v17 =	vnsel vm2, $0x0, v14  }
0x2d6: {  	s30 =	simm.s32 $0x705;
	v24 =	vnsel vm1, $0x0, v11;
	[tilespmem:s22+$0xFFFFFF70] =	vst v16;
	v16 =	vsel vm3, v8, v17;
	v17 =	vnsel vm2, $0x0, v15  }
0x2d7: {  	v19 =	vld.idx.msk [tilespmem:v20+s3+$0x0], $0xffff;
	v20 =	vmov s30;
	[tilespmem:s22+$0xFFFFFF80] =	vst v16;
	v16 =	vsel vm3, v7, v17;
	v17 =	vnsel vm2, $0x0, v13  }
0x2d8: {  	v20 =	vand.u32 $0xFFFFFFFD, v20;
	[tilespmem:s22+$0xFFFFFF90] =	vst v16;
	v16 =	vsel vm3, v6, v17;
	v17 =	vnsel vm2, $0x0, v12  }
0x2d9: {  	v20 =	vbroadcast v20, $0x0;
	[tilespmem:s22+$0xFFFFFFA0] =	vst v16;
	v16 =	vsel vm3, v5, v17;
	v17 =	vnsel vm2, $0x0, v11  }
0x2da: {  	v25 =	vnsel vm1, $0x0, v10;
	[tilespmem:s22+$0xFFFFFFB0] =	vst v16;
	v16 =	vsel vm3, v4, v17;
	v17 =	vnsel vm2, $0x0, v10  }
0x2db: {  	v18 =	vnsel vm1, $0x0, v14;
	[tilespmem:s22+$0xFFFFFFC0] =	vst v16;
	v16 =	vsel vm3, v2, v17;
	v17 =	vnsel vm2, $0x0, v9  }
0x2dc: {  	[tilespmem:s22+$0xFFFFFFD0] =	vst v16;
	v16 =	vsel vm3, v1, v17;
	v17 =	vnsel vm2, $0x0, v3;
	vm2 =	veq.s32 v19, $0x2  }
0x2dd: {  	[tilespmem:s22+$0xFFFFFFE0] =	vst v16;
	v17 =	vsel vm3, v0, v17;
	vm3 =	veq.s32 v19, $0x1;
	v19 =	vnsel vm2, $0x0, v14  }
0x2de: {  	v16 =	vsel vm0, v8, v18;
	[tilespmem:s22+$0xFFFFFFF0] =	vst v17;
	v18 =	vsel vm3, v8, v19;
	v19 =	vnsel vm2, $0x0, v15  }
0x2df: {  	v17 =	vsel vm0, v7, v21;
	v21 =	vld.idx.msk [tilespmem:v20+s3+$0x0], $0xffff;
	[tilespmem:s22+$0x0] =	vst v18;
	v18 =	vsel vm3, v7, v19;
	v19 =	vnsel vm2, $0x0, v13  }
0x2e0: {  	v26 =	vnsel vm1, $0x0, v9;
	v20 =	vnsel vm2, $0x0, v12;
	[tilespmem:s22+$0x10] =	vst v18;
	v18 =	vsel vm3, v6, v19  }
0x2e1: {  	v19 =	vsel vm0, v6, v22;
	v22 =	vnsel vm2, $0x0, v11;
	[tilespmem:s22+$0x20] =	vst v18;
	v18 =	vsel vm3, v5, v20  }
0x2e2: {  	v20 =	vsel vm0, v5, v23;
	v22 =	vsel vm3, v4, v22;
	v23 =	vnsel vm2, $0x0, v10;
	[tilespmem:s22+$0x30] =	vst v18  }
0x2e3: {  	v18 =	vsel vm0, v4, v24;
	[tilespmem:s22+$0x40] =	vst v22;
	v22 =	vsel vm3, v2, v23;
	v23 =	vnsel vm2, $0x0, v9  }
0x2e4: {  	[tilespmem:s22+$0x50] =	vst v22;
	v22 =	vsel vm3, v1, v23;
	v23 =	vnsel vm2, $0x0, v3;
	vm2 =	veq.s32 v21, $0x2  }
0x2e5: {  	vm1 =	veq.s32 v21, $0x1;
	[tilespmem:s22+$0x60] =	vst v22;
	v23 =	vsel vm3, v0, v23;
	v21 =	vnsel vm2, $0x0, v14  }
0x2e6: {  	s31 =	simm.s32 $0x707;
	v22 =	vsel vm0, v2, v25;
	v24 =	vnsel vm2, $0x0, v15;
	[tilespmem:s22+$0x70] =	vst v23;
	v23 =	vsel vm1, v8, v21  }
0x2e7: {  	v25 =	vnsel vm2, $0x0, v13;
	v24 =	vsel vm1, v7, v24;
	[tilespmem:s22+$0x80] =	vst v23;
	v23 =	vmov s31  }
0x2e8: {  	s23 =	simm.s32 $0x0;
	v21 =	vsel vm0, v1, v26;
	[tilespmem:s22+$0x90] =	vst v24;
	v24 =	vsel vm1, v6, v25;
	v25 =	vnsel vm2, $0x0, v12  }
.LBB2_10:
0x2e9: {  	s25 =	sadd.s32 $0x708, s23;
	[tilespmem:s22+$0xA0] =	vst v24;
	v24 =	vsel vm1, v5, v25;
	v25 =	vnsel vm2, $0x0, v11;
	s24 =	smov.u32 s23  }
0x2ea: {  	v26 =	vmov s25;
	[tilespmem:s22+$0xB0] =	vst v24;
	v24 =	vsel vm1, v4, v25;
	v25 =	vnsel vm2, $0x0, v10  }
0x2eb: {  	v26 =	vand.u32 $0xFFFFFFF8, v26;
	[tilespmem:s22+$0xC0] =	vst v24;
	v24 =	vsel vm1, v2, v25;
	v25 =	vnsel vm2, $0x0, v9  }
0x2ec: {  	s23 =	sadd.s32 $0x8, s23;
	s25 =	sadd.s32 $0x70E, s24;
	v26 =	vbroadcast v26, $0x0;
	[tilespmem:s22+$0xD0] =	vst v24;
	v24 =	vsel vm1, v1, v25;
	v25 =	vnsel vm2, $0x0, v3;
	v23 =	vld.idx.msk [tilespmem:v23+s3+$0x0], $0xffff  }
0x2ed: {  	p1 =	slt.u32 s23, $0x1B8;
	v27 =	vmov s25;
	[tilespmem:s22+$0xE0] =	vst v24;
	v24 =	vsel vm1, v0, v25  }
0x2ee: {  	s25 =	sadd.s32 $0x709, s24;
	v25 =	vand.u32 $0xFFFFFFFE, v27;
	[tilespmem:s22+$0xF0] =	vst v24  }
0x2ef: {  	v24 =	vmov s25;
	s25 =	sadd.s32 $0x70A, s24;
	v25 =	vbroadcast v25, $0x0;
	[tilespmem:s22+$0x100] =	vst v16  }
0x2f0: {  	v16 =	vand.u32 $0xFFFFFFF9, v24;
	v24 =	vmov s25;
	[tilespmem:s22+$0x110] =	vst v17  }
0x2f1: {  	v16 =	vbroadcast v16, $0x0;
	v17 =	vand.u32 $0xFFFFFFFA, v24;
	[tilespmem:s22+$0x120] =	vst v19  }
0x2f2: {  	v24 =	vbroadcast v17, $0x0;
	vm2 =	veq.s32 v23, $0x1;
	vm0 =	veq.s32 v23, $0x2;
	v19 =	vld.idx.msk [tilespmem:v26+s3+$0x0], $0xffff;
	[tilespmem:s22+$0x130] =	vst v20  }
0x2f3: {  	v17 =	vnsel vm0, $0x0, v14;
	v20 =	vnsel vm0, $0x0, v13;
	[tilespmem:s22+$0x140] =	vst v18;
	v18 =	vnsel vm0, $0x0, v15  }
0x2f4: {  	v23 =	vnsel vm0, $0x0, v11;
	v26 =	vnsel vm0, $0x0, v10;
	[tilespmem:s22+$0x150] =	vst v22;
	v22 =	vnsel vm0, $0x0, v12  }
0x2f5: {  	v27 =	vnsel vm0, $0x0, v3;
	v17 =	vsel vm2, v8, v17;
	v25 =	vld.idx.msk [tilespmem:v25+s3+$0x0], $0xffff;
	[tilespmem:s22+$0x160] =	vst v21;
	v21 =	vnsel vm0, $0x0, v9  }
0x2f6: {  	[tilespmem:s22+$0x180] =	vst v17;
	v17 =	vsel vm2, v7, v18;
	v18 =	vsel vm2, v6, v20;
	v20 =	vsel vm2, v5, v22  }
0x2f7: {  	v22 =	vsel vm2, v2, v26;
	v21 =	vsel vm2, v1, v21;
	[tilespmem:s22+$0x190] =	vst v17;
	v17 =	vsel vm2, v4, v23  }
0x2f8: {  	vm0 =	veq.s32 v19, $0x1;
	vm1 =	veq.s32 v19, $0x2;
	[tilespmem:s22+$0x1A0] =	vst v18;
	v18 =	vsel vm2, v0, v27  }
0x2f9: {  	v19 =	vnsel vm1, $0x0, v14;
	v23 =	vnsel vm1, $0x0, v15;
	v26 =	vnsel vm1, $0x0, v13;
	[tilespmem:s22+$0x1B0] =	vst v20  }
0x2fa: {  	v27 =	vnsel vm1, $0x0, v12;
	v28 =	vnsel vm1, $0x0, v11;
	v19 =	vsel vm0, v8, v19;
	[tilespmem:s22+$0x1C0] =	vst v17  }
0x2fb: {  	v20 =	vsel vm0, v7, v23;
	v23 =	vsel vm0, v6, v26;
	vm2 =	veq.s32 v25, $0x2;
	[tilespmem:s22+$0x1D0] =	vst v22  }
0x2fc: {  	vm3 =	veq.s32 v25, $0x1;
	v17 =	vnsel vm2, $0x0, v14;
	v22 =	vnsel vm2, $0x0, v3;
	[tilespmem:s22+$0x1E0] =	vst v21  }
0x2fd: {  	v25 =	vnsel vm2, $0x0, v13;
	v21 =	vnsel vm2, $0x0, v15;
	v22 =	vsel vm3, v0, v22;
	[tilespmem:s22+$0x1F0] =	vst v18;
	s22 =	sadd.s32 $0x400, s22  }
0x2fe: {  	v29 =	vnsel vm2, $0x0, v11;
	v30 =	vnsel vm2, $0x0, v10;
	v18 =	vnsel vm2, $0x0, v12;
	v26 =	vld.idx.msk [tilespmem:v16+s3+$0x0], $0xffff;
	[tilespmem:s22+$0x170] =	vst v22  }
0x2ff: {  	v16 =	vsel vm3, v8, v17;
	v17 =	vsel vm3, v7, v21;
	v21 =	vnsel vm2, $0x0, v9;
	[tilespmem:s22+$0xFFFFFE00] =	vst v19  }
0x300: {  	v19 =	vsel vm3, v6, v25;
	[tilespmem:s22+$0xFFFFFE10] =	vst v20;
	v20 =	vsel vm3, v5, v18;
	v18 =	vsel vm3, v4, v29  }
0x301: {  	v22 =	vsel vm3, v2, v30;
	v21 =	vsel vm3, v1, v21;
	[tilespmem:s22+$0xFFFFFE20] =	vst v23;
	v23 =	vsel vm0, v5, v27  }
0x302: {  	v25 =	vnsel vm1, $0x0, v10;
	[tilespmem:s22+$0xFFFFFE30] =	vst v23;
	v23 =	vsel vm0, v4, v28  }
0x303: {  	[tilespmem:s22+$0xFFFFFE40] =	vst v23;
	v23 =	vsel vm0, v2, v25;
	v25 =	vnsel vm1, $0x0, v9  }
0x304: {  	[tilespmem:s22+$0xFFFFFE50] =	vst v23;
	v23 =	vsel vm0, v1, v25;
	v25 =	vnsel vm1, $0x0, v3;
	vm1 =	veq.s32 v26, $0x2  }
0x305: {  	s25 =	sadd.s32 $0x70B, s24;
	[tilespmem:s22+$0xFFFFFE60] =	vst v23;
	v23 =	vsel vm0, v0, v25;
	vm0 =	veq.s32 v26, $0x1;
	v25 =	vnsel vm1, $0x0, v14  }
0x306: {  	v26 =	vmov s25;
	[tilespmem:s22+$0xFFFFFE70] =	vst v23;
	v23 =	vsel vm0, v8, v25;
	v25 =	vnsel vm1, $0x0, v15;
	v24 =	vld.idx.msk [tilespmem:v24+s3+$0x0], $0xffff  }
0x307: {  	v26 =	vand.u32 $0xFFFFFFFB, v26;
	[tilespmem:s22+$0xFFFFFE80] =	vst v23;
	v23 =	vsel vm0, v7, v25;
	v25 =	vnsel vm1, $0x0, v13  }
0x308: {  	v26 =	vbroadcast v26, $0x0;
	[tilespmem:s22+$0xFFFFFE90] =	vst v23;
	v23 =	vsel vm0, v6, v25;
	v25 =	vnsel vm1, $0x0, v12  }
0x309: {  	[tilespmem:s22+$0xFFFFFEA0] =	vst v23;
	v23 =	vsel vm0, v5, v25;
	v25 =	vnsel vm1, $0x0, v11  }
0x30a: {  	[tilespmem:s22+$0xFFFFFEB0] =	vst v23;
	v23 =	vsel vm0, v4, v25;
	v25 =	vnsel vm1, $0x0, v10  }
0x30b: {  	[tilespmem:s22+$0xFFFFFEC0] =	vst v23;
	v23 =	vsel vm0, v2, v25;
	v25 =	vnsel vm1, $0x0, v9  }
0x30c: {  	[tilespmem:s22+$0xFFFFFED0] =	vst v23;
	v23 =	vsel vm0, v1, v25;
	v25 =	vnsel vm1, $0x0, v3;
	vm1 =	veq.s32 v24, $0x2  }
0x30d: {  	s25 =	sadd.s32 $0x70C, s24;
	[tilespmem:s22+$0xFFFFFEE0] =	vst v23;
	v23 =	vsel vm0, v0, v25;
	vm0 =	veq.s32 v24, $0x1;
	v24 =	vnsel vm1, $0x0, v14  }
0x30e: {  	[tilespmem:s22+$0xFFFFFEF0] =	vst v23;
	v23 =	vsel vm0, v8, v24;
	v24 =	vnsel vm1, $0x0, v15;
	v25 =	vld.idx.msk [tilespmem:v26+s3+$0x0], $0xffff;
	v26 =	vmov s25  }
0x30f: {  	[tilespmem:s22+$0xFFFFFF00] =	vst v23;
	v23 =	vsel vm0, v7, v24;
	v24 =	vnsel vm1, $0x0, v13;
	v26 =	vand.u32 $0xFFFFFFFC, v26  }
0x310: {  	[tilespmem:s22+$0xFFFFFF10] =	vst v23;
	v23 =	vsel vm0, v6, v24;
	v24 =	vnsel vm1, $0x0, v12;
	v26 =	vbroadcast v26, $0x0  }
0x311: {  	[tilespmem:s22+$0xFFFFFF20] =	vst v23;
	v23 =	vsel vm0, v5, v24;
	v24 =	vnsel vm1, $0x0, v11  }
0x312: {  	[tilespmem:s22+$0xFFFFFF30] =	vst v23;
	v23 =	vsel vm0, v4, v24;
	v24 =	vnsel vm1, $0x0, v10  }
0x313: {  	[tilespmem:s22+$0xFFFFFF40] =	vst v23;
	v23 =	vsel vm0, v2, v24;
	v24 =	vnsel vm1, $0x0, v9  }
0x314: {  	[tilespmem:s22+$0xFFFFFF50] =	vst v23;
	v23 =	vsel vm0, v1, v24;
	v24 =	vnsel vm1, $0x0, v3;
	vm1 =	veq.s32 v25, $0x2  }
0x315: {  	s25 =	sadd.s32 $0x70D, s24;
	[tilespmem:s22+$0xFFFFFF60] =	vst v23;
	v23 =	vsel vm0, v0, v24;
	vm0 =	veq.s32 v25, $0x1;
	v24 =	vnsel vm1, $0x0, v14  }
0x316: {  	[tilespmem:s22+$0xFFFFFF70] =	vst v23;
	v23 =	vsel vm0, v8, v24;
	v24 =	vnsel vm1, $0x0, v15;
	v25 =	vld.idx.msk [tilespmem:v26+s3+$0x0], $0xffff;
	v26 =	vmov s25  }
0x317: {  	[tilespmem:s22+$0xFFFFFF80] =	vst v23;
	v23 =	vsel vm0, v7, v24;
	v24 =	vnsel vm1, $0x0, v13;
	v26 =	vand.u32 $0xFFFFFFFD, v26  }
0x318: {  	[tilespmem:s22+$0xFFFFFF90] =	vst v23;
	v23 =	vsel vm0, v6, v24;
	v24 =	vnsel vm1, $0x0, v12;
	v26 =	vbroadcast v26, $0x0  }
0x319: {  	[tilespmem:s22+$0xFFFFFFA0] =	vst v23;
	v23 =	vsel vm0, v5, v24;
	v24 =	vnsel vm1, $0x0, v11  }
0x31a: {  	[tilespmem:s22+$0xFFFFFFB0] =	vst v23;
	v23 =	vsel vm0, v4, v24;
	v24 =	vnsel vm1, $0x0, v10  }
0x31b: {  	[tilespmem:s22+$0xFFFFFFC0] =	vst v23;
	v23 =	vsel vm0, v2, v24;
	v24 =	vnsel vm1, $0x0, v9  }
0x31c: {  	[tilespmem:s22+$0xFFFFFFD0] =	vst v23;
	v23 =	vsel vm0, v1, v24;
	v24 =	vnsel vm1, $0x0, v3;
	vm1 =	veq.s32 v25, $0x2  }
0x31d: {  	[tilespmem:s22+$0xFFFFFFE0] =	vst v23;
	v23 =	vsel vm0, v0, v24;
	vm0 =	veq.s32 v25, $0x1;
	v24 =	vnsel vm1, $0x0, v14  }
0x31e: {  	[tilespmem:s22+$0xFFFFFFF0] =	vst v23;
	v23 =	vsel vm0, v8, v24;
	v24 =	vnsel vm1, $0x0, v15;
	v25 =	vld.idx.msk [tilespmem:v26+s3+$0x0], $0xffff  }
0x31f: {  	[tilespmem:s22+$0x0] =	vst v23;
	v23 =	vsel vm0, v7, v24;
	v24 =	vnsel vm1, $0x0, v13  }
0x320: {  	[tilespmem:s22+$0x10] =	vst v23;
	v23 =	vsel vm0, v6, v24;
	v24 =	vnsel vm1, $0x0, v12  }
0x321: {  	[tilespmem:s22+$0x20] =	vst v23;
	v23 =	vsel vm0, v5, v24;
	v24 =	vnsel vm1, $0x0, v11  }
0x322: {  	[tilespmem:s22+$0x30] =	vst v23;
	v23 =	vsel vm0, v4, v24;
	v24 =	vnsel vm1, $0x0, v10  }
0x323: {  	[tilespmem:s22+$0x40] =	vst v23;
	v23 =	vsel vm0, v2, v24;
	v24 =	vnsel vm1, $0x0, v9  }
.Ltmp6:
0x324: {  	vm2 =	veq.s32 v25, $0x2;
	[tilespmem:s22+$0x50] =	vst v23;
	v23 =	vsel vm0, v1, v24;
	v24 =	vnsel vm1, $0x0, v3;
	(pc) =	sbr.rel @p1 .LBB2_10-.Ltmp6, $4  }
0x325: {  	vm1 =	veq.s32 v25, $0x1;
	[tilespmem:s22+$0x60] =	vst v23;
	v23 =	vsel vm0, v0, v24;
	v24 =	vnsel vm2, $0x0, v14  }
0x326: {  	s24 =	sadd.s32 $0x70F, s24;
	[tilespmem:s22+$0x70] =	vst v23;
	v23 =	vsel vm1, v8, v24;
	v24 =	vnsel vm2, $0x0, v15  }
0x327: {  	v25 =	vnsel vm2, $0x0, v13;
	[tilespmem:s22+$0x80] =	vst v23;
	v24 =	vsel vm1, v7, v24;
	v23 =	vmov s24  }
0x328: {  	[tilespmem:s22+$0x90] =	vst v24;
	v24 =	vsel vm1, v6, v25;
	v25 =	vnsel vm2, $0x0, v12  }
0x329: {  	[tilespmem:s22+$0xA0] =	vst v24  }
0x32a: {  	[tilespmem:s22+$0x100] =	vst v16  }
0x32b: {  	[tilespmem:s22+$0x110] =	vst v17  }
0x32c: {  	[tilespmem:s22+$0x120] =	vst v19  }
0x32d: {  	[tilespmem:s22+$0x130] =	vst v20  }
0x32e: {  	v23 =	vld.idx.msk [tilespmem:v23+s3+$0x0], $0xffff;
	[tilespmem:s22+$0x140] =	vst v18  }
0x32f: {  	[tilespmem:s22+$0x150] =	vst v22  }
0x330: {  	v24 =	vsel vm1, v5, v25;
	v25 =	vnsel vm2, $0x0, v11;
	[tilespmem:s22+$0x160] =	vst v21  }
0x331: {  	[tilespmem:s22+$0xB0] =	vst v24;
	v24 =	vsel vm1, v4, v25;
	v25 =	vnsel vm2, $0x0, v10  }
0x332: {  	[tilespmem:s22+$0xC0] =	vst v24;
	v24 =	vsel vm1, v2, v25;
	v25 =	vnsel vm2, $0x0, v9  }
0x333: {  	[tilespmem:s22+$0xD0] =	vst v24;
	v24 =	vsel vm1, v1, v25;
	v25 =	vnsel vm2, $0x0, v3;
	vm0 =	veq.s32 v23, $0x2  }
0x334: {  	[tilespmem:s22+$0xE0] =	vst v24;
	v24 =	vsel vm1, v0, v25;
	vm1 =	veq.s32 v23, $0x1;
	v16 =	vnsel vm0, $0x0, v14  }
0x335: {  	[tilespmem:s22+$0xF0] =	vst v24;
	v18 =	vnsel vm0, $0x0, v13;
	v16 =	vsel vm1, v8, v16  }
0x336: {  	v17 =	vnsel vm0, $0x0, v15;
	v18 =	vsel vm1, v6, v18;
	[tilespmem:s22+$0x180] =	vst v16  }
0x337: {  	v16 =	vsel vm1, v7, v17;
	v17 =	vnsel vm0, $0x0, v12;
	[tilespmem:s22+$0x1A0] =	vst v18  }
0x338: {  	v18 =	vnsel vm0, $0x0, v10;
	[tilespmem:s22+$0x190] =	vst v16;
	v17 =	vsel vm1, v5, v17  }
0x339: {  	s24 =	simm.s32 $0x8C0;
	v19 =	vnsel vm0, $0x0, v9;
	v16 =	vnsel vm0, $0x0, v11;
	v18 =	vsel vm1, v2, v18;
	[tilespmem:s22+$0x1B0] =	vst v17  }
0x33a: {  	s23 =	simm.s32 $0x8C6;
	v16 =	vsel vm1, v4, v16;
	v17 =	vnsel vm0, $0x0, v3;
	[tilespmem:s22+$0x1D0] =	vst v18;
	v18 =	vmov s24  }
0x33b: {  	[tilespmem:s22+$0x1C0] =	vst v16;
	v16 =	vmov s23;
	v17 =	vsel vm1, v0, v17;
	v18 =	vand.u32 $0xFFFFFFF8, v18  }
0x33c: {  	v19 =	vsel vm1, v1, v19;
	v16 =	vand.u32 $0xFFFFFFFE, v16;
	[tilespmem:s22+$0x1F0] =	vst v17;
	v17 =	vbroadcast v18, $0x0  }
0x33d: {  	[tilespmem:s22+$0x1E0] =	vst v19;
	v16 =	vbroadcast v16, $0x0  }
0x33e: {  	[hbm4b:s11+s3] =	stream.linear.scatter [tilespmem:s18], [sflag:$0x1], $0xE000, $0x38;
	[tilespmem:$0x1CE80] =	vst v63  }
0x33f: {  	_ =	swait.ge [sflag:s20], $0xE000  }
0x340: {  	[sflag:s20] =	ssyncset.done $0x0  }
0x341: {  	[sflag:s20] =	ssyncadd.s32 $0xFFFF2000  }
0x342: {  	s25 =	simm.s32 $0x8C1;
	v17 =	vld.idx.msk [tilespmem:v17+s3+$0x0], $0xffff  }
0x343: {  	v18 =	vmov s25;
	v16 =	vld.idx.msk [tilespmem:v16+s3+$0x0], $0xffff  }
0x344: {  	v18 =	vand.u32 $0xFFFFFFF9, v18  }
0x345: {  	v18 =	vbroadcast v18, $0x0;
	_ =	sdelay $0x1  }
0x346: {  	vm2 =	veq.s32 v17, $0x2  }
0x347: {  	vm3 =	veq.s32 v17, $0x1;
	vm1 =	veq.s32 v16, $0x2;
	v17 =	vnsel vm2, $0x0, v14  }
0x348: {  	s22 =	simm.s32 $0xF080;
	vm0 =	veq.s32 v16, $0x1;
	v16 =	vnsel vm1, $0x0, v3;
	v17 =	vsel vm3, v8, v17  }
0x349: {  	s26 =	simm.s32 $0x8C2;
	v19 =	vnsel vm2, $0x0, v15;
	v16 =	vsel vm0, v0, v16;
	[tilespmem:s22+$0xFFFFFE00] =	vst v17  }
0x34a: {  	v18 =	vld.idx.msk [tilespmem:v18+s3+$0x0], $0xffff;
	v20 =	vnsel vm2, $0x0, v13;
	v19 =	vsel vm3, v7, v19;
	[tilespmem:s22+$0x170] =	vst v16;
	v16 =	vmov s26  }
0x34b: {  	v20 =	vsel vm3, v6, v20;
	v17 =	vnsel vm2, $0x0, v12;
	[tilespmem:s22+$0xFFFFFE10] =	vst v19;
	v16 =	vand.u32 $0xFFFFFFFA, v16  }
0x34c: {  	v19 =	vnsel vm2, $0x0, v11;
	[tilespmem:s22+$0xFFFFFE20] =	vst v20;
	v17 =	vsel vm3, v5, v17;
	v16 =	vbroadcast v16, $0x0  }
0x34d: {  	[tilespmem:s22+$0xFFFFFE30] =	vst v17;
	v17 =	vsel vm3, v4, v19;
	v19 =	vnsel vm2, $0x0, v10  }
0x34e: {  	[tilespmem:s22+$0xFFFFFE40] =	vst v17;
	v17 =	vsel vm3, v2, v19;
	v19 =	vnsel vm2, $0x0, v9  }
0x34f: {  	[tilespmem:s22+$0xFFFFFE50] =	vst v17;
	v17 =	vsel vm3, v1, v19;
	v19 =	vnsel vm2, $0x0, v3;
	vm2 =	veq.s32 v18, $0x2  }
0x350: {  	[tilespmem:s22+$0xFFFFFE60] =	vst v17;
	v17 =	vsel vm3, v0, v19;
	vm3 =	veq.s32 v18, $0x1;
	v18 =	vnsel vm2, $0x0, v14  }
0x351: {  	s28 =	simm.s32 $0x8C3;
	[tilespmem:s22+$0xFFFFFE70] =	vst v17;
	v17 =	vsel vm3, v8, v18;
	v18 =	vnsel vm2, $0x0, v15  }
0x352: {  	v19 =	vmov s28;
	[tilespmem:s22+$0xFFFFFE80] =	vst v17;
	v17 =	vsel vm3, v7, v18;
	v18 =	vnsel vm2, $0x0, v13;
	v16 =	vld.idx.msk [tilespmem:v16+s3+$0x0], $0xffff  }
0x353: {  	v19 =	vand.u32 $0xFFFFFFFB, v19;
	[tilespmem:s22+$0xFFFFFE90] =	vst v17;
	v17 =	vsel vm3, v6, v18;
	v18 =	vnsel vm2, $0x0, v12  }
0x354: {  	v19 =	vbroadcast v19, $0x0;
	[tilespmem:s22+$0xFFFFFEA0] =	vst v17;
	v17 =	vsel vm3, v5, v18;
	v18 =	vnsel vm2, $0x0, v11  }
0x355: {  	[tilespmem:s22+$0xFFFFFEB0] =	vst v17;
	v17 =	vsel vm3, v4, v18;
	v18 =	vnsel vm2, $0x0, v10  }
0x356: {  	[tilespmem:s22+$0xFFFFFEC0] =	vst v17;
	v17 =	vsel vm3, v2, v18;
	v18 =	vnsel vm2, $0x0, v9  }
0x357: {  	[tilespmem:s22+$0xFFFFFED0] =	vst v17;
	v17 =	vsel vm3, v1, v18;
	v18 =	vnsel vm2, $0x0, v3;
	vm2 =	veq.s32 v16, $0x2  }
0x358: {  	[tilespmem:s22+$0xFFFFFEE0] =	vst v17;
	v17 =	vsel vm3, v0, v18;
	vm3 =	veq.s32 v16, $0x1;
	v16 =	vnsel vm2, $0x0, v14  }
0x359: {  	s29 =	simm.s32 $0x8C4;
	v21 =	vnsel vm1, $0x0, v15;
	[tilespmem:s22+$0xFFFFFEF0] =	vst v17;
	v17 =	vnsel vm2, $0x0, v15;
	v16 =	vsel vm3, v8, v16  }
0x35a: {  	v20 =	vmov s29;
	v19 =	vld.idx.msk [tilespmem:v19+s3+$0x0], $0xffff;
	[tilespmem:s22+$0xFFFFFF00] =	vst v16;
	v16 =	vsel vm3, v7, v17;
	v17 =	vnsel vm2, $0x0, v13  }
0x35b: {  	v20 =	vand.u32 $0xFFFFFFFC, v20;
	[tilespmem:s22+$0xFFFFFF10] =	vst v16;
	v16 =	vsel vm3, v6, v17;
	v17 =	vnsel vm2, $0x0, v12  }
0x35c: {  	v20 =	vbroadcast v20, $0x0;
	[tilespmem:s22+$0xFFFFFF20] =	vst v16;
	v16 =	vsel vm3, v5, v17;
	v17 =	vnsel vm2, $0x0, v11  }
0x35d: {  	v22 =	vnsel vm1, $0x0, v13;
	[tilespmem:s22+$0xFFFFFF30] =	vst v16;
	v16 =	vsel vm3, v4, v17;
	v17 =	vnsel vm2, $0x0, v10  }
0x35e: {  	v23 =	vnsel vm1, $0x0, v12;
	[tilespmem:s22+$0xFFFFFF40] =	vst v16;
	v16 =	vsel vm3, v2, v17;
	v17 =	vnsel vm2, $0x0, v9  }
0x35f: {  	[tilespmem:s22+$0xFFFFFF50] =	vst v16;
	v16 =	vsel vm3, v1, v17;
	v17 =	vnsel vm2, $0x0, v3;
	vm2 =	veq.s32 v19, $0x2  }
0x360: {  	[tilespmem:s22+$0xFFFFFF60] =	vst v16;
	v16 =	vsel vm3, v0, v17;
	vm3 =	veq.s32 v19, $0x1;
	v17 =	vnsel vm2, $0x0, v14  }
0x361: {  	s30 =	simm.s32 $0x8C5;
	v24 =	vnsel vm1, $0x0, v11;
	[tilespmem:s22+$0xFFFFFF70] =	vst v16;
	v16 =	vsel vm3, v8, v17;
	v17 =	vnsel vm2, $0x0, v15  }
0x362: {  	v19 =	vld.idx.msk [tilespmem:v20+s3+$0x0], $0xffff;
	v20 =	vmov s30;
	[tilespmem:s22+$0xFFFFFF80] =	vst v16;
	v16 =	vsel vm3, v7, v17;
	v17 =	vnsel vm2, $0x0, v13  }
0x363: {  	v20 =	vand.u32 $0xFFFFFFFD, v20;
	[tilespmem:s22+$0xFFFFFF90] =	vst v16;
	v16 =	vsel vm3, v6, v17;
	v17 =	vnsel vm2, $0x0, v12  }
0x364: {  	v20 =	vbroadcast v20, $0x0;
	[tilespmem:s22+$0xFFFFFFA0] =	vst v16;
	v16 =	vsel vm3, v5, v17;
	v17 =	vnsel vm2, $0x0, v11  }
0x365: {  	v25 =	vnsel vm1, $0x0, v10;
	[tilespmem:s22+$0xFFFFFFB0] =	vst v16;
	v16 =	vsel vm3, v4, v17;
	v17 =	vnsel vm2, $0x0, v10  }
0x366: {  	v18 =	vnsel vm1, $0x0, v14;
	[tilespmem:s22+$0xFFFFFFC0] =	vst v16;
	v16 =	vsel vm3, v2, v17;
	v17 =	vnsel vm2, $0x0, v9  }
0x367: {  	[tilespmem:s22+$0xFFFFFFD0] =	vst v16;
	v16 =	vsel vm3, v1, v17;
	v17 =	vnsel vm2, $0x0, v3;
	vm2 =	veq.s32 v19, $0x2  }
0x368: {  	[tilespmem:s22+$0xFFFFFFE0] =	vst v16;
	v17 =	vsel vm3, v0, v17;
	vm3 =	veq.s32 v19, $0x1;
	v19 =	vnsel vm2, $0x0, v14  }
0x369: {  	v16 =	vsel vm0, v8, v18;
	[tilespmem:s22+$0xFFFFFFF0] =	vst v17;
	v18 =	vsel vm3, v8, v19;
	v19 =	vnsel vm2, $0x0, v15  }
0x36a: {  	v17 =	vsel vm0, v7, v21;
	v21 =	vld.idx.msk [tilespmem:v20+s3+$0x0], $0xffff;
	[tilespmem:s22+$0x0] =	vst v18;
	v18 =	vsel vm3, v7, v19;
	v19 =	vnsel vm2, $0x0, v13  }
0x36b: {  	v26 =	vnsel vm1, $0x0, v9;
	v20 =	vnsel vm2, $0x0, v12;
	[tilespmem:s22+$0x10] =	vst v18;
	v18 =	vsel vm3, v6, v19  }
0x36c: {  	v19 =	vsel vm0, v6, v22;
	v22 =	vnsel vm2, $0x0, v11;
	[tilespmem:s22+$0x20] =	vst v18;
	v18 =	vsel vm3, v5, v20  }
0x36d: {  	v20 =	vsel vm0, v5, v23;
	v22 =	vsel vm3, v4, v22;
	v23 =	vnsel vm2, $0x0, v10;
	[tilespmem:s22+$0x30] =	vst v18  }
0x36e: {  	v18 =	vsel vm0, v4, v24;
	[tilespmem:s22+$0x40] =	vst v22;
	v22 =	vsel vm3, v2, v23;
	v23 =	vnsel vm2, $0x0, v9  }
0x36f: {  	[tilespmem:s22+$0x50] =	vst v22;
	v22 =	vsel vm3, v1, v23;
	v23 =	vnsel vm2, $0x0, v3;
	vm2 =	veq.s32 v21, $0x2  }
0x370: {  	vm1 =	veq.s32 v21, $0x1;
	[tilespmem:s22+$0x60] =	vst v22;
	v23 =	vsel vm3, v0, v23;
	v21 =	vnsel vm2, $0x0, v14  }
0x371: {  	s31 =	simm.s32 $0x8C7;
	v22 =	vsel vm0, v2, v25;
	v24 =	vnsel vm2, $0x0, v15;
	[tilespmem:s22+$0x70] =	vst v23;
	v23 =	vsel vm1, v8, v21  }
0x372: {  	v25 =	vnsel vm2, $0x0, v13;
	v24 =	vsel vm1, v7, v24;
	[tilespmem:s22+$0x80] =	vst v23;
	v23 =	vmov s31  }
0x373: {  	s23 =	simm.s32 $0x0;
	v21 =	vsel vm0, v1, v26;
	[tilespmem:s22+$0x90] =	vst v24;
	v24 =	vsel vm1, v6, v25;
	v25 =	vnsel vm2, $0x0, v12  }
.LBB2_12:
0x374: {  	s25 =	sadd.s32 $0x8C8, s23;
	[tilespmem:s22+$0xA0] =	vst v24;
	v24 =	vsel vm1, v5, v25;
	v25 =	vnsel vm2, $0x0, v11;
	s24 =	smov.u32 s23  }
0x375: {  	v26 =	vmov s25;
	[tilespmem:s22+$0xB0] =	vst v24;
	v24 =	vsel vm1, v4, v25;
	v25 =	vnsel vm2, $0x0, v10  }
0x376: {  	v26 =	vand.u32 $0xFFFFFFF8, v26;
	[tilespmem:s22+$0xC0] =	vst v24;
	v24 =	vsel vm1, v2, v25;
	v25 =	vnsel vm2, $0x0, v9  }
0x377: {  	s23 =	sadd.s32 $0x8, s23;
	s25 =	sadd.s32 $0x8CE, s24;
	v26 =	vbroadcast v26, $0x0;
	[tilespmem:s22+$0xD0] =	vst v24;
	v24 =	vsel vm1, v1, v25;
	v25 =	vnsel vm2, $0x0, v3;
	v23 =	vld.idx.msk [tilespmem:v23+s3+$0x0], $0xffff  }
0x378: {  	p1 =	slt.u32 s23, $0x1B8;
	v27 =	vmov s25;
	[tilespmem:s22+$0xE0] =	vst v24;
	v24 =	vsel vm1, v0, v25  }
0x379: {  	s25 =	sadd.s32 $0x8C9, s24;
	v25 =	vand.u32 $0xFFFFFFFE, v27;
	[tilespmem:s22+$0xF0] =	vst v24  }
0x37a: {  	v24 =	vmov s25;
	s25 =	sadd.s32 $0x8CA, s24;
	v25 =	vbroadcast v25, $0x0;
	[tilespmem:s22+$0x100] =	vst v16  }
0x37b: {  	v16 =	vand.u32 $0xFFFFFFF9, v24;
	v24 =	vmov s25;
	[tilespmem:s22+$0x110] =	vst v17  }
0x37c: {  	v16 =	vbroadcast v16, $0x0;
	v17 =	vand.u32 $0xFFFFFFFA, v24;
	[tilespmem:s22+$0x120] =	vst v19  }
0x37d: {  	v24 =	vbroadcast v17, $0x0;
	vm2 =	veq.s32 v23, $0x1;
	vm0 =	veq.s32 v23, $0x2;
	v19 =	vld.idx.msk [tilespmem:v26+s3+$0x0], $0xffff;
	[tilespmem:s22+$0x130] =	vst v20  }
0x37e: {  	v17 =	vnsel vm0, $0x0, v14;
	v20 =	vnsel vm0, $0x0, v13;
	[tilespmem:s22+$0x140] =	vst v18;
	v18 =	vnsel vm0, $0x0, v15  }
0x37f: {  	v23 =	vnsel vm0, $0x0, v11;
	v26 =	vnsel vm0, $0x0, v10;
	[tilespmem:s22+$0x150] =	vst v22;
	v22 =	vnsel vm0, $0x0, v12  }
0x380: {  	v27 =	vnsel vm0, $0x0, v3;
	v17 =	vsel vm2, v8, v17;
	v25 =	vld.idx.msk [tilespmem:v25+s3+$0x0], $0xffff;
	[tilespmem:s22+$0x160] =	vst v21;
	v21 =	vnsel vm0, $0x0, v9  }
0x381: {  	[tilespmem:s22+$0x180] =	vst v17;
	v17 =	vsel vm2, v7, v18;
	v18 =	vsel vm2, v6, v20;
	v20 =	vsel vm2, v5, v22  }
0x382: {  	v22 =	vsel vm2, v2, v26;
	v21 =	vsel vm2, v1, v21;
	[tilespmem:s22+$0x190] =	vst v17;
	v17 =	vsel vm2, v4, v23  }
0x383: {  	vm0 =	veq.s32 v19, $0x1;
	vm1 =	veq.s32 v19, $0x2;
	[tilespmem:s22+$0x1A0] =	vst v18;
	v18 =	vsel vm2, v0, v27  }
0x384: {  	v19 =	vnsel vm1, $0x0, v14;
	v23 =	vnsel vm1, $0x0, v15;
	v26 =	vnsel vm1, $0x0, v13;
	[tilespmem:s22+$0x1B0] =	vst v20  }
0x385: {  	v27 =	vnsel vm1, $0x0, v12;
	v28 =	vnsel vm1, $0x0, v11;
	v19 =	vsel vm0, v8, v19;
	[tilespmem:s22+$0x1C0] =	vst v17  }
0x386: {  	v20 =	vsel vm0, v7, v23;
	v23 =	vsel vm0, v6, v26;
	vm2 =	veq.s32 v25, $0x2;
	[tilespmem:s22+$0x1D0] =	vst v22  }
0x387: {  	vm3 =	veq.s32 v25, $0x1;
	v17 =	vnsel vm2, $0x0, v14;
	v22 =	vnsel vm2, $0x0, v3;
	[tilespmem:s22+$0x1E0] =	vst v21  }
0x388: {  	v25 =	vnsel vm2, $0x0, v13;
	v21 =	vnsel vm2, $0x0, v15;
	v22 =	vsel vm3, v0, v22;
	[tilespmem:s22+$0x1F0] =	vst v18;
	s22 =	sadd.s32 $0x400, s22  }
0x389: {  	v29 =	vnsel vm2, $0x0, v11;
	v30 =	vnsel vm2, $0x0, v10;
	v18 =	vnsel vm2, $0x0, v12;
	v26 =	vld.idx.msk [tilespmem:v16+s3+$0x0], $0xffff;
	[tilespmem:s22+$0x170] =	vst v22  }
0x38a: {  	v16 =	vsel vm3, v8, v17;
	v17 =	vsel vm3, v7, v21;
	v21 =	vnsel vm2, $0x0, v9;
	[tilespmem:s22+$0xFFFFFE00] =	vst v19  }
0x38b: {  	v19 =	vsel vm3, v6, v25;
	[tilespmem:s22+$0xFFFFFE10] =	vst v20;
	v20 =	vsel vm3, v5, v18;
	v18 =	vsel vm3, v4, v29  }
0x38c: {  	v22 =	vsel vm3, v2, v30;
	v21 =	vsel vm3, v1, v21;
	[tilespmem:s22+$0xFFFFFE20] =	vst v23;
	v23 =	vsel vm0, v5, v27  }
0x38d: {  	v25 =	vnsel vm1, $0x0, v10;
	[tilespmem:s22+$0xFFFFFE30] =	vst v23;
	v23 =	vsel vm0, v4, v28  }
0x38e: {  	[tilespmem:s22+$0xFFFFFE40] =	vst v23;
	v23 =	vsel vm0, v2, v25;
	v25 =	vnsel vm1, $0x0, v9  }
0x38f: {  	[tilespmem:s22+$0xFFFFFE50] =	vst v23;
	v23 =	vsel vm0, v1, v25;
	v25 =	vnsel vm1, $0x0, v3;
	vm1 =	veq.s32 v26, $0x2  }
0x390: {  	s25 =	sadd.s32 $0x8CB, s24;
	[tilespmem:s22+$0xFFFFFE60] =	vst v23;
	v23 =	vsel vm0, v0, v25;
	vm0 =	veq.s32 v26, $0x1;
	v25 =	vnsel vm1, $0x0, v14  }
0x391: {  	v26 =	vmov s25;
	[tilespmem:s22+$0xFFFFFE70] =	vst v23;
	v23 =	vsel vm0, v8, v25;
	v25 =	vnsel vm1, $0x0, v15;
	v24 =	vld.idx.msk [tilespmem:v24+s3+$0x0], $0xffff  }
0x392: {  	v26 =	vand.u32 $0xFFFFFFFB, v26;
	[tilespmem:s22+$0xFFFFFE80] =	vst v23;
	v23 =	vsel vm0, v7, v25;
	v25 =	vnsel vm1, $0x0, v13  }
0x393: {  	v26 =	vbroadcast v26, $0x0;
	[tilespmem:s22+$0xFFFFFE90] =	vst v23;
	v23 =	vsel vm0, v6, v25;
	v25 =	vnsel vm1, $0x0, v12  }
0x394: {  	[tilespmem:s22+$0xFFFFFEA0] =	vst v23;
	v23 =	vsel vm0, v5, v25;
	v25 =	vnsel vm1, $0x0, v11  }
0x395: {  	[tilespmem:s22+$0xFFFFFEB0] =	vst v23;
	v23 =	vsel vm0, v4, v25;
	v25 =	vnsel vm1, $0x0, v10  }
0x396: {  	[tilespmem:s22+$0xFFFFFEC0] =	vst v23;
	v23 =	vsel vm0, v2, v25;
	v25 =	vnsel vm1, $0x0, v9  }
0x397: {  	[tilespmem:s22+$0xFFFFFED0] =	vst v23;
	v23 =	vsel vm0, v1, v25;
	v25 =	vnsel vm1, $0x0, v3;
	vm1 =	veq.s32 v24, $0x2  }
0x398: {  	s25 =	sadd.s32 $0x8CC, s24;
	[tilespmem:s22+$0xFFFFFEE0] =	vst v23;
	v23 =	vsel vm0, v0, v25;
	vm0 =	veq.s32 v24, $0x1;
	v24 =	vnsel vm1, $0x0, v14  }
0x399: {  	[tilespmem:s22+$0xFFFFFEF0] =	vst v23;
	v23 =	vsel vm0, v8, v24;
	v24 =	vnsel vm1, $0x0, v15;
	v25 =	vld.idx.msk [tilespmem:v26+s3+$0x0], $0xffff;
	v26 =	vmov s25  }
0x39a: {  	[tilespmem:s22+$0xFFFFFF00] =	vst v23;
	v23 =	vsel vm0, v7, v24;
	v24 =	vnsel vm1, $0x0, v13;
	v26 =	vand.u32 $0xFFFFFFFC, v26  }
0x39b: {  	[tilespmem:s22+$0xFFFFFF10] =	vst v23;
	v23 =	vsel vm0, v6, v24;
	v24 =	vnsel vm1, $0x0, v12;
	v26 =	vbroadcast v26, $0x0  }
0x39c: {  	[tilespmem:s22+$0xFFFFFF20] =	vst v23;
	v23 =	vsel vm0, v5, v24;
	v24 =	vnsel vm1, $0x0, v11  }
0x39d: {  	[tilespmem:s22+$0xFFFFFF30] =	vst v23;
	v23 =	vsel vm0, v4, v24;
	v24 =	vnsel vm1, $0x0, v10  }
0x39e: {  	[tilespmem:s22+$0xFFFFFF40] =	vst v23;
	v23 =	vsel vm0, v2, v24;
	v24 =	vnsel vm1, $0x0, v9  }
0x39f: {  	[tilespmem:s22+$0xFFFFFF50] =	vst v23;
	v23 =	vsel vm0, v1, v24;
	v24 =	vnsel vm1, $0x0, v3;
	vm1 =	veq.s32 v25, $0x2  }
0x3a0: {  	s25 =	sadd.s32 $0x8CD, s24;
	[tilespmem:s22+$0xFFFFFF60] =	vst v23;
	v23 =	vsel vm0, v0, v24;
	vm0 =	veq.s32 v25, $0x1;
	v24 =	vnsel vm1, $0x0, v14  }
0x3a1: {  	[tilespmem:s22+$0xFFFFFF70] =	vst v23;
	v23 =	vsel vm0, v8, v24;
	v24 =	vnsel vm1, $0x0, v15;
	v25 =	vld.idx.msk [tilespmem:v26+s3+$0x0], $0xffff;
	v26 =	vmov s25  }
0x3a2: {  	[tilespmem:s22+$0xFFFFFF80] =	vst v23;
	v23 =	vsel vm0, v7, v24;
	v24 =	vnsel vm1, $0x0, v13;
	v26 =	vand.u32 $0xFFFFFFFD, v26  }
0x3a3: {  	[tilespmem:s22+$0xFFFFFF90] =	vst v23;
	v23 =	vsel vm0, v6, v24;
	v24 =	vnsel vm1, $0x0, v12;
	v26 =	vbroadcast v26, $0x0  }
0x3a4: {  	[tilespmem:s22+$0xFFFFFFA0] =	vst v23;
	v23 =	vsel vm0, v5, v24;
	v24 =	vnsel vm1, $0x0, v11  }
0x3a5: {  	[tilespmem:s22+$0xFFFFFFB0] =	vst v23;
	v23 =	vsel vm0, v4, v24;
	v24 =	vnsel vm1, $0x0, v10  }
0x3a6: {  	[tilespmem:s22+$0xFFFFFFC0] =	vst v23;
	v23 =	vsel vm0, v2, v24;
	v24 =	vnsel vm1, $0x0, v9  }
0x3a7: {  	[tilespmem:s22+$0xFFFFFFD0] =	vst v23;
	v23 =	vsel vm0, v1, v24;
	v24 =	vnsel vm1, $0x0, v3;
	vm1 =	veq.s32 v25, $0x2  }
0x3a8: {  	[tilespmem:s22+$0xFFFFFFE0] =	vst v23;
	v23 =	vsel vm0, v0, v24;
	vm0 =	veq.s32 v25, $0x1;
	v24 =	vnsel vm1, $0x0, v14  }
0x3a9: {  	[tilespmem:s22+$0xFFFFFFF0] =	vst v23;
	v23 =	vsel vm0, v8, v24;
	v24 =	vnsel vm1, $0x0, v15;
	v25 =	vld.idx.msk [tilespmem:v26+s3+$0x0], $0xffff  }
0x3aa: {  	[tilespmem:s22+$0x0] =	vst v23;
	v23 =	vsel vm0, v7, v24;
	v24 =	vnsel vm1, $0x0, v13  }
0x3ab: {  	[tilespmem:s22+$0x10] =	vst v23;
	v23 =	vsel vm0, v6, v24;
	v24 =	vnsel vm1, $0x0, v12  }
0x3ac: {  	[tilespmem:s22+$0x20] =	vst v23;
	v23 =	vsel vm0, v5, v24;
	v24 =	vnsel vm1, $0x0, v11  }
0x3ad: {  	[tilespmem:s22+$0x30] =	vst v23;
	v23 =	vsel vm0, v4, v24;
	v24 =	vnsel vm1, $0x0, v10  }
0x3ae: {  	[tilespmem:s22+$0x40] =	vst v23;
	v23 =	vsel vm0, v2, v24;
	v24 =	vnsel vm1, $0x0, v9  }
.Ltmp7:
0x3af: {  	vm2 =	veq.s32 v25, $0x2;
	[tilespmem:s22+$0x50] =	vst v23;
	v23 =	vsel vm0, v1, v24;
	v24 =	vnsel vm1, $0x0, v3;
	(pc) =	sbr.rel @p1 .LBB2_12-.Ltmp7, $4  }
0x3b0: {  	vm1 =	veq.s32 v25, $0x1;
	[tilespmem:s22+$0x60] =	vst v23;
	v23 =	vsel vm0, v0, v24;
	v24 =	vnsel vm2, $0x0, v14  }
0x3b1: {  	s24 =	sadd.s32 $0x8CF, s24;
	[tilespmem:s22+$0x70] =	vst v23;
	v23 =	vsel vm1, v8, v24;
	v24 =	vnsel vm2, $0x0, v15  }
0x3b2: {  	v25 =	vnsel vm2, $0x0, v13;
	[tilespmem:s22+$0x80] =	vst v23;
	v24 =	vsel vm1, v7, v24;
	v23 =	vmov s24  }
0x3b3: {  	[tilespmem:s22+$0x90] =	vst v24;
	v24 =	vsel vm1, v6, v25;
	v25 =	vnsel vm2, $0x0, v12  }
0x3b4: {  	[tilespmem:s22+$0xA0] =	vst v24  }
0x3b5: {  	[tilespmem:s22+$0x100] =	vst v16  }
0x3b6: {  	[tilespmem:s22+$0x110] =	vst v17  }
0x3b7: {  	[tilespmem:s22+$0x120] =	vst v19  }
0x3b8: {  	[tilespmem:s22+$0x130] =	vst v20  }
0x3b9: {  	v23 =	vld.idx.msk [tilespmem:v23+s3+$0x0], $0xffff;
	[tilespmem:s22+$0x140] =	vst v18  }
0x3ba: {  	[tilespmem:s22+$0x150] =	vst v22  }
0x3bb: {  	v55 =	vsel vm1, v5, v25;
	v56 =	vnsel vm2, $0x0, v11;
	[tilespmem:s22+$0x160] =	vst v21  }
0x3bc: {  	v58 =	vnsel vm2, $0x0, v10;
	[tilespmem:s22+$0xB0] =	vst v55;
	v57 =	vsel vm1, v4, v56  }
0x3bd: {  	v60 =	vnsel vm2, $0x0, v9;
	v59 =	vsel vm1, v2, v58;
	[tilespmem:s22+$0xC0] =	vst v57  }
0x3be: {  	v62 =	vnsel vm2, $0x0, v3;
	v61 =	vsel vm1, v1, v60;
	[tilespmem:s22+$0xD0] =	vst v59;
	vm0 =	veq.s32 v23, $0x2  }
0x3bf: {  	v63 =	vsel vm1, v0, v62;
	[tilespmem:s22+$0xE0] =	vst v61;
	vm15 =	veq.s32 v23, $0x1;
	v16 =	vnsel vm0, $0x0, v14  }
0x3c0: {  	[tilespmem:s22+$0xF0] =	vst v63;
	v18 =	vnsel vm0, $0x0, v13;
	v16 =	vsel vm15, v8, v16  }
0x3c1: {  	v17 =	vnsel vm0, $0x0, v15;
	v18 =	vsel vm15, v6, v18;
	[tilespmem:s22+$0x180] =	vst v16  }
0x3c2: {  	v16 =	vsel vm15, v7, v17;
	v17 =	vnsel vm0, $0x0, v12;
	[tilespmem:s22+$0x1A0] =	vst v18  }
0x3c3: {  	v18 =	vnsel vm0, $0x0, v10;
	[tilespmem:s22+$0x190] =	vst v16;
	v17 =	vsel vm15, v5, v17  }
0x3c4: {  	v16 =	vnsel vm0, $0x0, v11;
	v18 =	vsel vm15, v2, v18;
	[tilespmem:s22+$0x1B0] =	vst v17  }
0x3c5: {  	v16 =	vsel vm15, v4, v16;
	v17 =	vnsel vm0, $0x0, v9;
	[tilespmem:s22+$0x1D0] =	vst v18  }
0x3c6: {  	[tilespmem:s22+$0x1C0] =	vst v16;
	v16 =	vnsel vm0, $0x0, v3;
	v17 =	vsel vm15, v1, v17  }
0x3c7: {  	v16 =	vsel vm15, v0, v16;
	[tilespmem:s22+$0x1E0] =	vst v17  }
.Ltmp8:
0x3c8: {  	s23 =	simm.s32 $0xA86;
	s24 =	simm.s32 $0xA80;
	[tilespmem:s22+$0x1F0] =	vst v16;
	(pc) =	sbr.rel @!p0 .LBB2_14-.Ltmp8, $4  }
0x3c9: {  	[hbm4b:s12+s3] =	stream.linear.scatter [tilespmem:s19], [sflag:$0x1], $0xE000, $0x38;
	[tilespmem:$0x1CE80] =	vst v63  }
0x3ca: {  	v17 =	vmov s24;
	v16 =	vmov s23;
	_ =	swait.ge [sflag:s20], $0xE000  }
0x3cb: {  	v17 =	vand.u32 $0xFFFFFFF8, v17;
	v16 =	vand.u32 $0xFFFFFFFE, v16;
	[sflag:s20] =	ssyncset.done $0x0  }
0x3cc: {  	s22 =	simm.s32 $0x1080;
	s23 =	simm.s32 $0xA81;
	v17 =	vbroadcast v17, $0x0;
	v16 =	vbroadcast v16, $0x0;
	[sflag:s20] =	ssyncadd.s32 $0xFFFF2000  }
0x3cd: {  	_ =	sdelay $0x4  }
0x3ce: {  	v16 =	vld.idx.msk [tilespmem:v16+s3+$0x0], $0xffff  }
0x3cf: {  	v18 =	vmov s23;
	v17 =	vld.idx.msk [tilespmem:v17+s3+$0x0], $0xffff  }
0x3d0: {  	v18 =	vand.u32 $0xFFFFFFF9, v18  }
0x3d1: {  	v18 =	vbroadcast v18, $0x0;
	_ =	sdelay $0x1  }
0x3d2: {  	vm1 =	veq.s32 v16, $0x2  }
0x3d3: {  	vm2 =	veq.s32 v17, $0x2;
	vm0 =	veq.s32 v16, $0x1;
	v16 =	vnsel vm1, $0x0, v3  }
0x3d4: {  	vm3 =	veq.s32 v17, $0x1;
	v17 =	vnsel vm2, $0x0, v14;
	v16 =	vsel vm0, v0, v16  }
0x3d5: {  	s28 =	simm.s32 $0xA82;
	v19 =	vnsel vm2, $0x0, v15;
	v17 =	vsel vm3, v8, v17;
	[tilespmem:s22+$0x170] =	vst v16  }
0x3d6: {  	v20 =	vnsel vm2, $0x0, v13;
	v19 =	vsel vm3, v7, v19;
	v18 =	vld.idx.msk [tilespmem:v18+s3+$0x0], $0xffff;
	v16 =	vmov s28;
	[tilespmem:s22+$0xFFFFFE00] =	vst v17  }
0x3d7: {  	v20 =	vsel vm3, v6, v20;
	v17 =	vnsel vm2, $0x0, v12;
	[tilespmem:s22+$0xFFFFFE10] =	vst v19;
	v16 =	vand.u32 $0xFFFFFFFA, v16  }
0x3d8: {  	v19 =	vnsel vm2, $0x0, v11;
	[tilespmem:s22+$0xFFFFFE20] =	vst v20;
	v17 =	vsel vm3, v5, v17;
	v16 =	vbroadcast v16, $0x0  }
0x3d9: {  	[tilespmem:s22+$0xFFFFFE30] =	vst v17;
	v17 =	vsel vm3, v4, v19;
	v19 =	vnsel vm2, $0x0, v10  }
0x3da: {  	[tilespmem:s22+$0xFFFFFE40] =	vst v17;
	v17 =	vsel vm3, v2, v19;
	v19 =	vnsel vm2, $0x0, v9  }
0x3db: {  	[tilespmem:s22+$0xFFFFFE50] =	vst v17;
	v17 =	vsel vm3, v1, v19;
	v19 =	vnsel vm2, $0x0, v3;
	vm2 =	veq.s32 v18, $0x2  }
0x3dc: {  	[tilespmem:s22+$0xFFFFFE60] =	vst v17;
	v17 =	vsel vm3, v0, v19;
	vm3 =	veq.s32 v18, $0x1;
	v18 =	vnsel vm2, $0x0, v14  }
0x3dd: {  	s29 =	simm.s32 $0xA83;
	[tilespmem:s22+$0xFFFFFE70] =	vst v17;
	v17 =	vsel vm3, v8, v18;
	v18 =	vnsel vm2, $0x0, v15  }
0x3de: {  	v19 =	vmov s29;
	[tilespmem:s22+$0xFFFFFE80] =	vst v17;
	v17 =	vsel vm3, v7, v18;
	v18 =	vnsel vm2, $0x0, v13;
	v16 =	vld.idx.msk [tilespmem:v16+s3+$0x0], $0xffff  }
0x3df: {  	v19 =	vand.u32 $0xFFFFFFFB, v19;
	[tilespmem:s22+$0xFFFFFE90] =	vst v17;
	v17 =	vsel vm3, v6, v18;
	v18 =	vnsel vm2, $0x0, v12  }
0x3e0: {  	v19 =	vbroadcast v19, $0x0;
	[tilespmem:s22+$0xFFFFFEA0] =	vst v17;
	v17 =	vsel vm3, v5, v18;
	v18 =	vnsel vm2, $0x0, v11  }
0x3e1: {  	[tilespmem:s22+$0xFFFFFEB0] =	vst v17;
	v17 =	vsel vm3, v4, v18;
	v18 =	vnsel vm2, $0x0, v10  }
0x3e2: {  	[tilespmem:s22+$0xFFFFFEC0] =	vst v17;
	v17 =	vsel vm3, v2, v18;
	v18 =	vnsel vm2, $0x0, v9  }
0x3e3: {  	[tilespmem:s22+$0xFFFFFED0] =	vst v17;
	v17 =	vsel vm3, v1, v18;
	v18 =	vnsel vm2, $0x0, v3;
	vm2 =	veq.s32 v16, $0x2  }
0x3e4: {  	[tilespmem:s22+$0xFFFFFEE0] =	vst v17;
	v17 =	vsel vm3, v0, v18;
	vm3 =	veq.s32 v16, $0x1;
	v16 =	vnsel vm2, $0x0, v14  }
0x3e5: {  	s30 =	simm.s32 $0xA84;
	v21 =	vnsel vm1, $0x0, v15;
	[tilespmem:s22+$0xFFFFFEF0] =	vst v17;
	v17 =	vnsel vm2, $0x0, v15;
	v16 =	vsel vm3, v8, v16  }
0x3e6: {  	v20 =	vmov s30;
	v19 =	vld.idx.msk [tilespmem:v19+s3+$0x0], $0xffff;
	[tilespmem:s22+$0xFFFFFF00] =	vst v16;
	v16 =	vsel vm3, v7, v17;
	v17 =	vnsel vm2, $0x0, v13  }
0x3e7: {  	v20 =	vand.u32 $0xFFFFFFFC, v20;
	[tilespmem:s22+$0xFFFFFF10] =	vst v16;
	v16 =	vsel vm3, v6, v17;
	v17 =	vnsel vm2, $0x0, v12  }
0x3e8: {  	v20 =	vbroadcast v20, $0x0;
	[tilespmem:s22+$0xFFFFFF20] =	vst v16;
	v16 =	vsel vm3, v5, v17;
	v17 =	vnsel vm2, $0x0, v11  }
0x3e9: {  	v22 =	vnsel vm1, $0x0, v13;
	[tilespmem:s22+$0xFFFFFF30] =	vst v16;
	v16 =	vsel vm3, v4, v17;
	v17 =	vnsel vm2, $0x0, v10  }
0x3ea: {  	v23 =	vnsel vm1, $0x0, v12;
	[tilespmem:s22+$0xFFFFFF40] =	vst v16;
	v16 =	vsel vm3, v2, v17;
	v17 =	vnsel vm2, $0x0, v9  }
0x3eb: {  	[tilespmem:s22+$0xFFFFFF50] =	vst v16;
	v16 =	vsel vm3, v1, v17;
	v17 =	vnsel vm2, $0x0, v3;
	vm2 =	veq.s32 v19, $0x2  }
0x3ec: {  	[tilespmem:s22+$0xFFFFFF60] =	vst v16;
	v16 =	vsel vm3, v0, v17;
	vm3 =	veq.s32 v19, $0x1;
	v17 =	vnsel vm2, $0x0, v14  }
0x3ed: {  	s31 =	simm.s32 $0xA85;
	v24 =	vnsel vm1, $0x0, v11;
	[tilespmem:s22+$0xFFFFFF70] =	vst v16;
	v16 =	vsel vm3, v8, v17;
	v17 =	vnsel vm2, $0x0, v15  }
0x3ee: {  	v19 =	vld.idx.msk [tilespmem:v20+s3+$0x0], $0xffff;
	v20 =	vmov s31;
	[tilespmem:s22+$0xFFFFFF80] =	vst v16;
	v16 =	vsel vm3, v7, v17;
	v17 =	vnsel vm2, $0x0, v13  }
0x3ef: {  	v20 =	vand.u32 $0xFFFFFFFD, v20;
	[tilespmem:s22+$0xFFFFFF90] =	vst v16;
	v16 =	vsel vm3, v6, v17;
	v17 =	vnsel vm2, $0x0, v12  }
0x3f0: {  	v20 =	vbroadcast v20, $0x0;
	[tilespmem:s22+$0xFFFFFFA0] =	vst v16;
	v16 =	vsel vm3, v5, v17;
	v17 =	vnsel vm2, $0x0, v11  }
0x3f1: {  	v25 =	vnsel vm1, $0x0, v10;
	[tilespmem:s22+$0xFFFFFFB0] =	vst v16;
	v16 =	vsel vm3, v4, v17;
	v17 =	vnsel vm2, $0x0, v10  }
0x3f2: {  	v18 =	vnsel vm1, $0x0, v14;
	[tilespmem:s22+$0xFFFFFFC0] =	vst v16;
	v16 =	vsel vm3, v2, v17;
	v17 =	vnsel vm2, $0x0, v9  }
0x3f3: {  	[tilespmem:s22+$0xFFFFFFD0] =	vst v16;
	v16 =	vsel vm3, v1, v17;
	v17 =	vnsel vm2, $0x0, v3;
	vm2 =	veq.s32 v19, $0x2  }
0x3f4: {  	[tilespmem:s22+$0xFFFFFFE0] =	vst v16;
	v17 =	vsel vm3, v0, v17;
	vm3 =	veq.s32 v19, $0x1;
	v19 =	vnsel vm2, $0x0, v14  }
0x3f5: {  	v16 =	vsel vm0, v8, v18;
	[tilespmem:s22+$0xFFFFFFF0] =	vst v17;
	v18 =	vsel vm3, v8, v19;
	v19 =	vnsel vm2, $0x0, v15  }
0x3f6: {  	v17 =	vsel vm0, v7, v21;
	v21 =	vld.idx.msk [tilespmem:v20+s3+$0x0], $0xffff;
	[tilespmem:s22+$0x0] =	vst v18;
	v18 =	vsel vm3, v7, v19;
	v19 =	vnsel vm2, $0x0, v13  }
0x3f7: {  	v26 =	vnsel vm1, $0x0, v9;
	v20 =	vnsel vm2, $0x0, v12;
	[tilespmem:s22+$0x10] =	vst v18;
	v18 =	vsel vm3, v6, v19  }
0x3f8: {  	v19 =	vsel vm0, v6, v22;
	v22 =	vnsel vm2, $0x0, v11;
	[tilespmem:s22+$0x20] =	vst v18;
	v18 =	vsel vm3, v5, v20  }
0x3f9: {  	v20 =	vsel vm0, v5, v23;
	v22 =	vsel vm3, v4, v22;
	v23 =	vnsel vm2, $0x0, v10;
	[tilespmem:s22+$0x30] =	vst v18  }
0x3fa: {  	v18 =	vsel vm0, v4, v24;
	[tilespmem:s22+$0x40] =	vst v22;
	v22 =	vsel vm3, v2, v23;
	v23 =	vnsel vm2, $0x0, v9  }
0x3fb: {  	[tilespmem:s22+$0x50] =	vst v22;
	v22 =	vsel vm3, v1, v23;
	v23 =	vnsel vm2, $0x0, v3;
	vm2 =	veq.s32 v21, $0x2  }
0x3fc: {  	vm1 =	veq.s32 v21, $0x1;
	[tilespmem:s22+$0x60] =	vst v22;
	v23 =	vsel vm3, v0, v23;
	v21 =	vnsel vm2, $0x0, v14  }
0x3fd: {  	s24 =	simm.s32 $0xA87;
	v22 =	vsel vm0, v2, v25;
	v24 =	vnsel vm2, $0x0, v15;
	[tilespmem:s22+$0x70] =	vst v23;
	v23 =	vsel vm1, v8, v21  }
0x3fe: {  	v25 =	vnsel vm2, $0x0, v13;
	v24 =	vsel vm1, v7, v24;
	[tilespmem:s22+$0x80] =	vst v23;
	v23 =	vmov s24  }
0x3ff: {  	s23 =	simm.s32 $0x0;
	v21 =	vsel vm0, v1, v26;
	[tilespmem:s22+$0x90] =	vst v24;
	v24 =	vsel vm1, v6, v25;
	v25 =	vnsel vm2, $0x0, v12  }
.LBB2_18:
0x400: {  	s25 =	sadd.s32 $0xA88, s23;
	[tilespmem:s22+$0xA0] =	vst v24;
	v24 =	vsel vm1, v5, v25;
	v25 =	vnsel vm2, $0x0, v11;
	s24 =	smov.u32 s23  }
0x401: {  	v26 =	vmov s25;
	[tilespmem:s22+$0xB0] =	vst v24;
	v24 =	vsel vm1, v4, v25;
	v25 =	vnsel vm2, $0x0, v10  }
0x402: {  	v26 =	vand.u32 $0xFFFFFFF8, v26;
	[tilespmem:s22+$0xC0] =	vst v24;
	v24 =	vsel vm1, v2, v25;
	v25 =	vnsel vm2, $0x0, v9  }
0x403: {  	s23 =	sadd.s32 $0x8, s23;
	s25 =	sadd.s32 $0xA8E, s24;
	v26 =	vbroadcast v26, $0x0;
	[tilespmem:s22+$0xD0] =	vst v24;
	v24 =	vsel vm1, v1, v25;
	v25 =	vnsel vm2, $0x0, v3;
	v23 =	vld.idx.msk [tilespmem:v23+s3+$0x0], $0xffff  }
0x404: {  	p1 =	slt.u32 s23, $0x58;
	v27 =	vmov s25;
	[tilespmem:s22+$0xE0] =	vst v24;
	v24 =	vsel vm1, v0, v25  }
0x405: {  	s25 =	sadd.s32 $0xA89, s24;
	v25 =	vand.u32 $0xFFFFFFFE, v27;
	[tilespmem:s22+$0xF0] =	vst v24  }
0x406: {  	v24 =	vmov s25;
	s25 =	sadd.s32 $0xA8A, s24;
	v25 =	vbroadcast v25, $0x0;
	[tilespmem:s22+$0x100] =	vst v16  }
0x407: {  	v16 =	vand.u32 $0xFFFFFFF9, v24;
	v24 =	vmov s25;
	[tilespmem:s22+$0x110] =	vst v17  }
0x408: {  	v16 =	vbroadcast v16, $0x0;
	v17 =	vand.u32 $0xFFFFFFFA, v24;
	[tilespmem:s22+$0x120] =	vst v19  }
0x409: {  	v24 =	vbroadcast v17, $0x0;
	vm2 =	veq.s32 v23, $0x1;
	vm0 =	veq.s32 v23, $0x2;
	v19 =	vld.idx.msk [tilespmem:v26+s3+$0x0], $0xffff;
	[tilespmem:s22+$0x130] =	vst v20  }
0x40a: {  	v17 =	vnsel vm0, $0x0, v14;
	v20 =	vnsel vm0, $0x0, v13;
	[tilespmem:s22+$0x140] =	vst v18;
	v18 =	vnsel vm0, $0x0, v15  }
0x40b: {  	v23 =	vnsel vm0, $0x0, v11;
	v26 =	vnsel vm0, $0x0, v10;
	[tilespmem:s22+$0x150] =	vst v22;
	v22 =	vnsel vm0, $0x0, v12  }
0x40c: {  	v27 =	vnsel vm0, $0x0, v3;
	v17 =	vsel vm2, v8, v17;
	v25 =	vld.idx.msk [tilespmem:v25+s3+$0x0], $0xffff;
	[tilespmem:s22+$0x160] =	vst v21;
	v21 =	vnsel vm0, $0x0, v9  }
0x40d: {  	[tilespmem:s22+$0x180] =	vst v17;
	v17 =	vsel vm2, v7, v18;
	v18 =	vsel vm2, v6, v20;
	v20 =	vsel vm2, v5, v22  }
0x40e: {  	v22 =	vsel vm2, v2, v26;
	v21 =	vsel vm2, v1, v21;
	[tilespmem:s22+$0x190] =	vst v17;
	v17 =	vsel vm2, v4, v23  }
0x40f: {  	vm0 =	veq.s32 v19, $0x1;
	vm1 =	veq.s32 v19, $0x2;
	[tilespmem:s22+$0x1A0] =	vst v18;
	v18 =	vsel vm2, v0, v27  }
0x410: {  	v19 =	vnsel vm1, $0x0, v14;
	v23 =	vnsel vm1, $0x0, v15;
	v26 =	vnsel vm1, $0x0, v13;
	[tilespmem:s22+$0x1B0] =	vst v20  }
0x411: {  	v27 =	vnsel vm1, $0x0, v12;
	v28 =	vnsel vm1, $0x0, v11;
	v19 =	vsel vm0, v8, v19;
	[tilespmem:s22+$0x1C0] =	vst v17  }
0x412: {  	v20 =	vsel vm0, v7, v23;
	v23 =	vsel vm0, v6, v26;
	vm2 =	veq.s32 v25, $0x2;
	[tilespmem:s22+$0x1D0] =	vst v22  }
0x413: {  	vm3 =	veq.s32 v25, $0x1;
	v17 =	vnsel vm2, $0x0, v14;
	v22 =	vnsel vm2, $0x0, v3;
	[tilespmem:s22+$0x1E0] =	vst v21  }
0x414: {  	v25 =	vnsel vm2, $0x0, v13;
	v21 =	vnsel vm2, $0x0, v15;
	v22 =	vsel vm3, v0, v22;
	[tilespmem:s22+$0x1F0] =	vst v18;
	s22 =	sadd.s32 $0x400, s22  }
0x415: {  	v29 =	vnsel vm2, $0x0, v11;
	v30 =	vnsel vm2, $0x0, v10;
	v18 =	vnsel vm2, $0x0, v12;
	v26 =	vld.idx.msk [tilespmem:v16+s3+$0x0], $0xffff;
	[tilespmem:s22+$0x170] =	vst v22  }
0x416: {  	v16 =	vsel vm3, v8, v17;
	v17 =	vsel vm3, v7, v21;
	v21 =	vnsel vm2, $0x0, v9;
	[tilespmem:s22+$0xFFFFFE00] =	vst v19  }
0x417: {  	v19 =	vsel vm3, v6, v25;
	[tilespmem:s22+$0xFFFFFE10] =	vst v20;
	v20 =	vsel vm3, v5, v18;
	v18 =	vsel vm3, v4, v29  }
0x418: {  	v22 =	vsel vm3, v2, v30;
	v21 =	vsel vm3, v1, v21;
	[tilespmem:s22+$0xFFFFFE20] =	vst v23;
	v23 =	vsel vm0, v5, v27  }
0x419: {  	v25 =	vnsel vm1, $0x0, v10;
	[tilespmem:s22+$0xFFFFFE30] =	vst v23;
	v23 =	vsel vm0, v4, v28  }
0x41a: {  	[tilespmem:s22+$0xFFFFFE40] =	vst v23;
	v23 =	vsel vm0, v2, v25;
	v25 =	vnsel vm1, $0x0, v9  }
0x41b: {  	[tilespmem:s22+$0xFFFFFE50] =	vst v23;
	v23 =	vsel vm0, v1, v25;
	v25 =	vnsel vm1, $0x0, v3;
	vm1 =	veq.s32 v26, $0x2  }
0x41c: {  	s25 =	sadd.s32 $0xA8B, s24;
	[tilespmem:s22+$0xFFFFFE60] =	vst v23;
	v23 =	vsel vm0, v0, v25;
	vm0 =	veq.s32 v26, $0x1;
	v25 =	vnsel vm1, $0x0, v14  }
0x41d: {  	v26 =	vmov s25;
	[tilespmem:s22+$0xFFFFFE70] =	vst v23;
	v23 =	vsel vm0, v8, v25;
	v25 =	vnsel vm1, $0x0, v15;
	v24 =	vld.idx.msk [tilespmem:v24+s3+$0x0], $0xffff  }
0x41e: {  	v26 =	vand.u32 $0xFFFFFFFB, v26;
	[tilespmem:s22+$0xFFFFFE80] =	vst v23;
	v23 =	vsel vm0, v7, v25;
	v25 =	vnsel vm1, $0x0, v13  }
0x41f: {  	v26 =	vbroadcast v26, $0x0;
	[tilespmem:s22+$0xFFFFFE90] =	vst v23;
	v23 =	vsel vm0, v6, v25;
	v25 =	vnsel vm1, $0x0, v12  }
0x420: {  	[tilespmem:s22+$0xFFFFFEA0] =	vst v23;
	v23 =	vsel vm0, v5, v25;
	v25 =	vnsel vm1, $0x0, v11  }
0x421: {  	[tilespmem:s22+$0xFFFFFEB0] =	vst v23;
	v23 =	vsel vm0, v4, v25;
	v25 =	vnsel vm1, $0x0, v10  }
0x422: {  	[tilespmem:s22+$0xFFFFFEC0] =	vst v23;
	v23 =	vsel vm0, v2, v25;
	v25 =	vnsel vm1, $0x0, v9  }
0x423: {  	[tilespmem:s22+$0xFFFFFED0] =	vst v23;
	v23 =	vsel vm0, v1, v25;
	v25 =	vnsel vm1, $0x0, v3;
	vm1 =	veq.s32 v24, $0x2  }
0x424: {  	s25 =	sadd.s32 $0xA8C, s24;
	[tilespmem:s22+$0xFFFFFEE0] =	vst v23;
	v23 =	vsel vm0, v0, v25;
	vm0 =	veq.s32 v24, $0x1;
	v24 =	vnsel vm1, $0x0, v14  }
0x425: {  	[tilespmem:s22+$0xFFFFFEF0] =	vst v23;
	v23 =	vsel vm0, v8, v24;
	v24 =	vnsel vm1, $0x0, v15;
	v25 =	vld.idx.msk [tilespmem:v26+s3+$0x0], $0xffff;
	v26 =	vmov s25  }
0x426: {  	[tilespmem:s22+$0xFFFFFF00] =	vst v23;
	v23 =	vsel vm0, v7, v24;
	v24 =	vnsel vm1, $0x0, v13;
	v26 =	vand.u32 $0xFFFFFFFC, v26  }
0x427: {  	[tilespmem:s22+$0xFFFFFF10] =	vst v23;
	v23 =	vsel vm0, v6, v24;
	v24 =	vnsel vm1, $0x0, v12;
	v26 =	vbroadcast v26, $0x0  }
0x428: {  	[tilespmem:s22+$0xFFFFFF20] =	vst v23;
	v23 =	vsel vm0, v5, v24;
	v24 =	vnsel vm1, $0x0, v11  }
0x429: {  	[tilespmem:s22+$0xFFFFFF30] =	vst v23;
	v23 =	vsel vm0, v4, v24;
	v24 =	vnsel vm1, $0x0, v10  }
0x42a: {  	[tilespmem:s22+$0xFFFFFF40] =	vst v23;
	v23 =	vsel vm0, v2, v24;
	v24 =	vnsel vm1, $0x0, v9  }
0x42b: {  	[tilespmem:s22+$0xFFFFFF50] =	vst v23;
	v23 =	vsel vm0, v1, v24;
	v24 =	vnsel vm1, $0x0, v3;
	vm1 =	veq.s32 v25, $0x2  }
0x42c: {  	s25 =	sadd.s32 $0xA8D, s24;
	[tilespmem:s22+$0xFFFFFF60] =	vst v23;
	v23 =	vsel vm0, v0, v24;
	vm0 =	veq.s32 v25, $0x1;
	v24 =	vnsel vm1, $0x0, v14  }
0x42d: {  	[tilespmem:s22+$0xFFFFFF70] =	vst v23;
	v23 =	vsel vm0, v8, v24;
	v24 =	vnsel vm1, $0x0, v15;
	v25 =	vld.idx.msk [tilespmem:v26+s3+$0x0], $0xffff;
	v26 =	vmov s25  }
0x42e: {  	[tilespmem:s22+$0xFFFFFF80] =	vst v23;
	v23 =	vsel vm0, v7, v24;
	v24 =	vnsel vm1, $0x0, v13;
	v26 =	vand.u32 $0xFFFFFFFD, v26  }
0x42f: {  	[tilespmem:s22+$0xFFFFFF90] =	vst v23;
	v23 =	vsel vm0, v6, v24;
	v24 =	vnsel vm1, $0x0, v12;
	v26 =	vbroadcast v26, $0x0  }
0x430: {  	[tilespmem:s22+$0xFFFFFFA0] =	vst v23;
	v23 =	vsel vm0, v5, v24;
	v24 =	vnsel vm1, $0x0, v11  }
0x431: {  	[tilespmem:s22+$0xFFFFFFB0] =	vst v23;
	v23 =	vsel vm0, v4, v24;
	v24 =	vnsel vm1, $0x0, v10  }
0x432: {  	[tilespmem:s22+$0xFFFFFFC0] =	vst v23;
	v23 =	vsel vm0, v2, v24;
	v24 =	vnsel vm1, $0x0, v9  }
0x433: {  	[tilespmem:s22+$0xFFFFFFD0] =	vst v23;
	v23 =	vsel vm0, v1, v24;
	v24 =	vnsel vm1, $0x0, v3;
	vm1 =	veq.s32 v25, $0x2  }
0x434: {  	[tilespmem:s22+$0xFFFFFFE0] =	vst v23;
	v23 =	vsel vm0, v0, v24;
	vm0 =	veq.s32 v25, $0x1;
	v24 =	vnsel vm1, $0x0, v14  }
0x435: {  	[tilespmem:s22+$0xFFFFFFF0] =	vst v23;
	v23 =	vsel vm0, v8, v24;
	v24 =	vnsel vm1, $0x0, v15;
	v25 =	vld.idx.msk [tilespmem:v26+s3+$0x0], $0xffff  }
0x436: {  	[tilespmem:s22+$0x0] =	vst v23;
	v23 =	vsel vm0, v7, v24;
	v24 =	vnsel vm1, $0x0, v13  }
0x437: {  	[tilespmem:s22+$0x10] =	vst v23;
	v23 =	vsel vm0, v6, v24;
	v24 =	vnsel vm1, $0x0, v12  }
0x438: {  	[tilespmem:s22+$0x20] =	vst v23;
	v23 =	vsel vm0, v5, v24;
	v24 =	vnsel vm1, $0x0, v11  }
0x439: {  	[tilespmem:s22+$0x30] =	vst v23;
	v23 =	vsel vm0, v4, v24;
	v24 =	vnsel vm1, $0x0, v10  }
0x43a: {  	[tilespmem:s22+$0x40] =	vst v23;
	v23 =	vsel vm0, v2, v24;
	v24 =	vnsel vm1, $0x0, v9  }
.Ltmp9:
0x43b: {  	vm2 =	veq.s32 v25, $0x2;
	[tilespmem:s22+$0x50] =	vst v23;
	v23 =	vsel vm0, v1, v24;
	v24 =	vnsel vm1, $0x0, v3;
	(pc) =	sbr.rel @p1 .LBB2_18-.Ltmp9, $4  }
0x43c: {  	vm1 =	veq.s32 v25, $0x1;
	[tilespmem:s22+$0x60] =	vst v23;
	v23 =	vsel vm0, v0, v24;
	v24 =	vnsel vm2, $0x0, v14  }
0x43d: {  	s24 =	sadd.s32 $0xA8F, s24;
	[tilespmem:s22+$0x70] =	vst v23;
	v23 =	vsel vm1, v8, v24;
	v24 =	vnsel vm2, $0x0, v15  }
0x43e: {  	v25 =	vnsel vm2, $0x0, v13;
	[tilespmem:s22+$0x80] =	vst v23;
	v24 =	vsel vm1, v7, v24;
	v23 =	vmov s24  }
0x43f: {  	[tilespmem:s22+$0x90] =	vst v24;
	v24 =	vsel vm1, v6, v25;
	v25 =	vnsel vm2, $0x0, v12  }
0x440: {  	[tilespmem:s22+$0xA0] =	vst v24  }
0x441: {  	[tilespmem:s22+$0x100] =	vst v16  }
0x442: {  	[tilespmem:s22+$0x110] =	vst v17  }
0x443: {  	[tilespmem:s22+$0x120] =	vst v19  }
0x444: {  	[tilespmem:s22+$0x130] =	vst v20  }
0x445: {  	v23 =	vld.idx.msk [tilespmem:v23+s3+$0x0], $0xffff;
	[tilespmem:s22+$0x140] =	vst v18  }
0x446: {  	[tilespmem:s22+$0x150] =	vst v22  }
0x447: {  	v45 =	vsel vm1, v5, v25;
	v46 =	vnsel vm2, $0x0, v11;
	[tilespmem:s22+$0x160] =	vst v21  }
0x448: {  	v48 =	vnsel vm2, $0x0, v10;
	[tilespmem:s22+$0xB0] =	vst v45;
	v47 =	vsel vm1, v4, v46  }
0x449: {  	v50 =	vnsel vm2, $0x0, v9;
	v49 =	vsel vm1, v2, v48;
	[tilespmem:s22+$0xC0] =	vst v47  }
0x44a: {  	v52 =	vnsel vm2, $0x0, v3;
	v51 =	vsel vm1, v1, v50;
	[tilespmem:s22+$0xD0] =	vst v49;
	vm0 =	veq.s32 v23, $0x2  }
0x44b: {  	v53 =	vsel vm1, v0, v52;
	[tilespmem:s22+$0xE0] =	vst v51;
	vm15 =	veq.s32 v23, $0x1;
	v14 =	vnsel vm0, $0x0, v14  }
0x44c: {  	[tilespmem:s22+$0xF0] =	vst v53;
	v15 =	vnsel vm0, $0x0, v15;
	v8 =	vsel vm15, v8, v14  }
0x44d: {  	v13 =	vnsel vm0, $0x0, v13;
	v7 =	vsel vm15, v7, v15;
	[tilespmem:s22+$0x180] =	vst v8  }
0x44e: {  	v54 =	vnsel vm0, $0x0, v12;
	v6 =	vsel vm15, v6, v13;
	[tilespmem:s22+$0x190] =	vst v7  }
0x44f: {  	v55 =	vnsel vm0, $0x0, v11;
	v56 =	vsel vm15, v5, v54;
	[tilespmem:s22+$0x1A0] =	vst v6  }
0x450: {  	v57 =	vnsel vm0, $0x0, v10;
	v58 =	vsel vm15, v4, v55;
	[tilespmem:s22+$0x1B0] =	vst v56  }
0x451: {  	v59 =	vnsel vm0, $0x0, v9;
	v60 =	vsel vm15, v2, v57;
	[tilespmem:s22+$0x1C0] =	vst v58  }
0x452: {  	v61 =	vnsel vm0, $0x0, v3;
	v62 =	vsel vm15, v1, v59;
	[tilespmem:s22+$0x1D0] =	vst v60  }
0x453: {  	v63 =	vsel vm15, v0, v61;
	[tilespmem:s22+$0x1E0] =	vst v62  }
0x454: {  	[tilespmem:s22+$0x1F0] =	vst v63  }
0x455: {  	[hbm4b:s14+s3] =	stream.linear.scatter [tilespmem:s18], [sflag:$0x1], $0x3000, $0x38;
	[tilespmem:$0x1CE80] =	vst v63  }
0x456: {  	_ =	swait.ge [sflag:s20], $0xE000  }
.Ltmp10:
0x457: {  	[sflag:s20] =	ssyncset.done $0x0;
	(pc) =	sbr.rel .LBB2_20-.Ltmp10, $4  }
0x458: {  	[sflag:s20] =	ssyncadd.s32 $0xFFFF2000  }
0x459: {  	_ =	swait.ge [sflag:s20], $0x3000  }
0x45a: {  	[sflag:s20] =	ssyncset.done $0x0  }
0x45b: {  	[sflag:s20] =	ssyncadd.s32 $0xFFFFD000  }
.LBB2_14:
0x45c: {  	_ =	sdelay $0x4  }
0x45d: {  	v16 =	vld.idx.msk [tilespmem:v16+s3+$0x0], $0xffff  }
0x45e: {  	v18 =	vmov s23;
	v17 =	vld.idx.msk [tilespmem:v17+s3+$0x0], $0xffff  }
0x45f: {  	v18 =	vand.u32 $0xFFFFFFF9, v18  }
0x460: {  	v18 =	vbroadcast v18, $0x0;
	_ =	sdelay $0x1  }
0x461: {  	vm1 =	veq.s32 v16, $0x2  }
0x462: {  	vm2 =	veq.s32 v17, $0x2;
	vm0 =	veq.s32 v16, $0x1;
	v16 =	vnsel vm1, $0x0, v3  }
0x463: {  	vm3 =	veq.s32 v17, $0x1;
	v17 =	vnsel vm2, $0x0, v14;
	v16 =	vsel vm0, v0, v16  }
0x464: {  	s28 =	simm.s32 $0xA82;
	v19 =	vnsel vm2, $0x0, v15;
	v17 =	vsel vm3, v8, v17;
	[tilespmem:s22+$0x170] =	vst v16  }
0x465: {  	v20 =	vnsel vm2, $0x0, v13;
	v19 =	vsel vm3, v7, v19;
	v18 =	vld.idx.msk [tilespmem:v18+s3+$0x0], $0xffff;
	v16 =	vmov s28;
	[tilespmem:s22+$0xFFFFFE00] =	vst v17  }
0x466: {  	v20 =	vsel vm3, v6, v20;
	v17 =	vnsel vm2, $0x0, v12;
	[tilespmem:s22+$0xFFFFFE10] =	vst v19;
	v16 =	vand.u32 $0xFFFFFFFA, v16  }
0x467: {  	v19 =	vnsel vm2, $0x0, v11;
	[tilespmem:s22+$0xFFFFFE20] =	vst v20;
	v17 =	vsel vm3, v5, v17;
	v16 =	vbroadcast v16, $0x0  }
0x468: {  	[tilespmem:s22+$0xFFFFFE30] =	vst v17;
	v17 =	vsel vm3, v4, v19;
	v19 =	vnsel vm2, $0x0, v10  }
0x469: {  	[tilespmem:s22+$0xFFFFFE40] =	vst v17;
	v17 =	vsel vm3, v2, v19;
	v19 =	vnsel vm2, $0x0, v9  }
0x46a: {  	[tilespmem:s22+$0xFFFFFE50] =	vst v17;
	v17 =	vsel vm3, v1, v19;
	v19 =	vnsel vm2, $0x0, v3;
	vm2 =	veq.s32 v18, $0x2  }
0x46b: {  	[tilespmem:s22+$0xFFFFFE60] =	vst v17;
	v17 =	vsel vm3, v0, v19;
	vm3 =	veq.s32 v18, $0x1;
	v18 =	vnsel vm2, $0x0, v14  }
0x46c: {  	s29 =	simm.s32 $0xA83;
	[tilespmem:s22+$0xFFFFFE70] =	vst v17;
	v17 =	vsel vm3, v8, v18;
	v18 =	vnsel vm2, $0x0, v15  }
0x46d: {  	v19 =	vmov s29;
	[tilespmem:s22+$0xFFFFFE80] =	vst v17;
	v17 =	vsel vm3, v7, v18;
	v18 =	vnsel vm2, $0x0, v13;
	v16 =	vld.idx.msk [tilespmem:v16+s3+$0x0], $0xffff  }
0x46e: {  	v19 =	vand.u32 $0xFFFFFFFB, v19;
	[tilespmem:s22+$0xFFFFFE90] =	vst v17;
	v17 =	vsel vm3, v6, v18;
	v18 =	vnsel vm2, $0x0, v12  }
0x46f: {  	v19 =	vbroadcast v19, $0x0;
	[tilespmem:s22+$0xFFFFFEA0] =	vst v17;
	v17 =	vsel vm3, v5, v18;
	v18 =	vnsel vm2, $0x0, v11  }
0x470: {  	[tilespmem:s22+$0xFFFFFEB0] =	vst v17;
	v17 =	vsel vm3, v4, v18;
	v18 =	vnsel vm2, $0x0, v10  }
0x471: {  	[tilespmem:s22+$0xFFFFFEC0] =	vst v17;
	v17 =	vsel vm3, v2, v18;
	v18 =	vnsel vm2, $0x0, v9  }
0x472: {  	[tilespmem:s22+$0xFFFFFED0] =	vst v17;
	v17 =	vsel vm3, v1, v18;
	v18 =	vnsel vm2, $0x0, v3;
	vm2 =	veq.s32 v16, $0x2  }
0x473: {  	[tilespmem:s22+$0xFFFFFEE0] =	vst v17;
	v17 =	vsel vm3, v0, v18;
	vm3 =	veq.s32 v16, $0x1;
	v16 =	vnsel vm2, $0x0, v14  }
0x474: {  	s30 =	simm.s32 $0xA84;
	v21 =	vnsel vm1, $0x0, v15;
	[tilespmem:s22+$0xFFFFFEF0] =	vst v17;
	v17 =	vnsel vm2, $0x0, v15;
	v16 =	vsel vm3, v8, v16  }
0x475: {  	v20 =	vmov s30;
	v19 =	vld.idx.msk [tilespmem:v19+s3+$0x0], $0xffff;
	[tilespmem:s22+$0xFFFFFF00] =	vst v16;
	v16 =	vsel vm3, v7, v17;
	v17 =	vnsel vm2, $0x0, v13  }
0x476: {  	v20 =	vand.u32 $0xFFFFFFFC, v20;
	[tilespmem:s22+$0xFFFFFF10] =	vst v16;
	v16 =	vsel vm3, v6, v17;
	v17 =	vnsel vm2, $0x0, v12  }
0x477: {  	v20 =	vbroadcast v20, $0x0;
	[tilespmem:s22+$0xFFFFFF20] =	vst v16;
	v16 =	vsel vm3, v5, v17;
	v17 =	vnsel vm2, $0x0, v11  }
0x478: {  	v22 =	vnsel vm1, $0x0, v13;
	[tilespmem:s22+$0xFFFFFF30] =	vst v16;
	v16 =	vsel vm3, v4, v17;
	v17 =	vnsel vm2, $0x0, v10  }
0x479: {  	v23 =	vnsel vm1, $0x0, v12;
	[tilespmem:s22+$0xFFFFFF40] =	vst v16;
	v16 =	vsel vm3, v2, v17;
	v17 =	vnsel vm2, $0x0, v9  }
0x47a: {  	[tilespmem:s22+$0xFFFFFF50] =	vst v16;
	v16 =	vsel vm3, v1, v17;
	v17 =	vnsel vm2, $0x0, v3;
	vm2 =	veq.s32 v19, $0x2  }
0x47b: {  	[tilespmem:s22+$0xFFFFFF60] =	vst v16;
	v16 =	vsel vm3, v0, v17;
	vm3 =	veq.s32 v19, $0x1;
	v17 =	vnsel vm2, $0x0, v14  }
0x47c: {  	s31 =	simm.s32 $0xA85;
	v24 =	vnsel vm1, $0x0, v11;
	[tilespmem:s22+$0xFFFFFF70] =	vst v16;
	v16 =	vsel vm3, v8, v17;
	v17 =	vnsel vm2, $0x0, v15  }
0x47d: {  	v19 =	vld.idx.msk [tilespmem:v20+s3+$0x0], $0xffff;
	v20 =	vmov s31;
	[tilespmem:s22+$0xFFFFFF80] =	vst v16;
	v16 =	vsel vm3, v7, v17;
	v17 =	vnsel vm2, $0x0, v13  }
0x47e: {  	v20 =	vand.u32 $0xFFFFFFFD, v20;
	[tilespmem:s22+$0xFFFFFF90] =	vst v16;
	v16 =	vsel vm3, v6, v17;
	v17 =	vnsel vm2, $0x0, v12  }
0x47f: {  	v20 =	vbroadcast v20, $0x0;
	[tilespmem:s22+$0xFFFFFFA0] =	vst v16;
	v16 =	vsel vm3, v5, v17;
	v17 =	vnsel vm2, $0x0, v11  }
0x480: {  	v25 =	vnsel vm1, $0x0, v10;
	[tilespmem:s22+$0xFFFFFFB0] =	vst v16;
	v16 =	vsel vm3, v4, v17;
	v17 =	vnsel vm2, $0x0, v10  }
0x481: {  	v18 =	vnsel vm1, $0x0, v14;
	[tilespmem:s22+$0xFFFFFFC0] =	vst v16;
	v16 =	vsel vm3, v2, v17;
	v17 =	vnsel vm2, $0x0, v9  }
0x482: {  	[tilespmem:s22+$0xFFFFFFD0] =	vst v16;
	v16 =	vsel vm3, v1, v17;
	v17 =	vnsel vm2, $0x0, v3;
	vm2 =	veq.s32 v19, $0x2  }
0x483: {  	[tilespmem:s22+$0xFFFFFFE0] =	vst v16;
	v17 =	vsel vm3, v0, v17;
	vm3 =	veq.s32 v19, $0x1;
	v19 =	vnsel vm2, $0x0, v14  }
0x484: {  	v16 =	vsel vm0, v8, v18;
	[tilespmem:s22+$0xFFFFFFF0] =	vst v17;
	v18 =	vsel vm3, v8, v19;
	v19 =	vnsel vm2, $0x0, v15  }
0x485: {  	v17 =	vsel vm0, v7, v21;
	v21 =	vld.idx.msk [tilespmem:v20+s3+$0x0], $0xffff;
	[tilespmem:s22+$0x0] =	vst v18;
	v18 =	vsel vm3, v7, v19;
	v19 =	vnsel vm2, $0x0, v13  }
0x486: {  	v26 =	vnsel vm1, $0x0, v9;
	v20 =	vnsel vm2, $0x0, v12;
	[tilespmem:s22+$0x10] =	vst v18;
	v18 =	vsel vm3, v6, v19  }
0x487: {  	v19 =	vsel vm0, v6, v22;
	v22 =	vnsel vm2, $0x0, v11;
	[tilespmem:s22+$0x20] =	vst v18;
	v18 =	vsel vm3, v5, v20  }
0x488: {  	v20 =	vsel vm0, v5, v23;
	v22 =	vsel vm3, v4, v22;
	v23 =	vnsel vm2, $0x0, v10;
	[tilespmem:s22+$0x30] =	vst v18  }
0x489: {  	v18 =	vsel vm0, v4, v24;
	[tilespmem:s22+$0x40] =	vst v22;
	v22 =	vsel vm3, v2, v23;
	v23 =	vnsel vm2, $0x0, v9  }
0x48a: {  	[tilespmem:s22+$0x50] =	vst v22;
	v22 =	vsel vm3, v1, v23;
	v23 =	vnsel vm2, $0x0, v3;
	vm2 =	veq.s32 v21, $0x2  }
0x48b: {  	vm1 =	veq.s32 v21, $0x1;
	[tilespmem:s22+$0x60] =	vst v22;
	v23 =	vsel vm3, v0, v23;
	v21 =	vnsel vm2, $0x0, v14  }
0x48c: {  	s24 =	simm.s32 $0xA87;
	v22 =	vsel vm0, v2, v25;
	v24 =	vnsel vm2, $0x0, v15;
	[tilespmem:s22+$0x70] =	vst v23;
	v23 =	vsel vm1, v8, v21  }
0x48d: {  	v25 =	vnsel vm2, $0x0, v13;
	v24 =	vsel vm1, v7, v24;
	[tilespmem:s22+$0x80] =	vst v23;
	v23 =	vmov s24  }
0x48e: {  	s23 =	simm.s32 $0x0;
	v21 =	vsel vm0, v1, v26;
	[tilespmem:s22+$0x90] =	vst v24;
	v24 =	vsel vm1, v6, v25;
	v25 =	vnsel vm2, $0x0, v12  }
.LBB2_15:
0x48f: {  	s25 =	sadd.s32 $0xA88, s23;
	[tilespmem:s22+$0xA0] =	vst v24;
	v24 =	vsel vm1, v5, v25;
	v25 =	vnsel vm2, $0x0, v11;
	s24 =	smov.u32 s23  }
0x490: {  	v26 =	vmov s25;
	[tilespmem:s22+$0xB0] =	vst v24;
	v24 =	vsel vm1, v4, v25;
	v25 =	vnsel vm2, $0x0, v10  }
0x491: {  	v26 =	vand.u32 $0xFFFFFFF8, v26;
	[tilespmem:s22+$0xC0] =	vst v24;
	v24 =	vsel vm1, v2, v25;
	v25 =	vnsel vm2, $0x0, v9  }
0x492: {  	s23 =	sadd.s32 $0x8, s23;
	s25 =	sadd.s32 $0xA8E, s24;
	v26 =	vbroadcast v26, $0x0;
	[tilespmem:s22+$0xD0] =	vst v24;
	v24 =	vsel vm1, v1, v25;
	v25 =	vnsel vm2, $0x0, v3;
	v23 =	vld.idx.msk [tilespmem:v23+s3+$0x0], $0xffff  }
0x493: {  	p1 =	slt.u32 s23, $0x1B8;
	v27 =	vmov s25;
	[tilespmem:s22+$0xE0] =	vst v24;
	v24 =	vsel vm1, v0, v25  }
0x494: {  	s25 =	sadd.s32 $0xA89, s24;
	v25 =	vand.u32 $0xFFFFFFFE, v27;
	[tilespmem:s22+$0xF0] =	vst v24  }
0x495: {  	v24 =	vmov s25;
	s25 =	sadd.s32 $0xA8A, s24;
	v25 =	vbroadcast v25, $0x0;
	[tilespmem:s22+$0x100] =	vst v16  }
0x496: {  	v16 =	vand.u32 $0xFFFFFFF9, v24;
	v24 =	vmov s25;
	[tilespmem:s22+$0x110] =	vst v17  }
0x497: {  	v16 =	vbroadcast v16, $0x0;
	v17 =	vand.u32 $0xFFFFFFFA, v24;
	[tilespmem:s22+$0x120] =	vst v19  }
0x498: {  	v24 =	vbroadcast v17, $0x0;
	vm2 =	veq.s32 v23, $0x1;
	vm0 =	veq.s32 v23, $0x2;
	v19 =	vld.idx.msk [tilespmem:v26+s3+$0x0], $0xffff;
	[tilespmem:s22+$0x130] =	vst v20  }
0x499: {  	v17 =	vnsel vm0, $0x0, v14;
	v20 =	vnsel vm0, $0x0, v13;
	[tilespmem:s22+$0x140] =	vst v18;
	v18 =	vnsel vm0, $0x0, v15  }
0x49a: {  	v23 =	vnsel vm0, $0x0, v11;
	v26 =	vnsel vm0, $0x0, v10;
	[tilespmem:s22+$0x150] =	vst v22;
	v22 =	vnsel vm0, $0x0, v12  }
0x49b: {  	v27 =	vnsel vm0, $0x0, v3;
	v17 =	vsel vm2, v8, v17;
	v25 =	vld.idx.msk [tilespmem:v25+s3+$0x0], $0xffff;
	[tilespmem:s22+$0x160] =	vst v21;
	v21 =	vnsel vm0, $0x0, v9  }
0x49c: {  	[tilespmem:s22+$0x180] =	vst v17;
	v17 =	vsel vm2, v7, v18;
	v18 =	vsel vm2, v6, v20;
	v20 =	vsel vm2, v5, v22  }
0x49d: {  	v22 =	vsel vm2, v2, v26;
	v21 =	vsel vm2, v1, v21;
	[tilespmem:s22+$0x190] =	vst v17;
	v17 =	vsel vm2, v4, v23  }
0x49e: {  	vm0 =	veq.s32 v19, $0x1;
	vm1 =	veq.s32 v19, $0x2;
	[tilespmem:s22+$0x1A0] =	vst v18;
	v18 =	vsel vm2, v0, v27  }
0x49f: {  	v19 =	vnsel vm1, $0x0, v14;
	v23 =	vnsel vm1, $0x0, v15;
	v26 =	vnsel vm1, $0x0, v13;
	[tilespmem:s22+$0x1B0] =	vst v20  }
0x4a0: {  	v27 =	vnsel vm1, $0x0, v12;
	v28 =	vnsel vm1, $0x0, v11;
	v19 =	vsel vm0, v8, v19;
	[tilespmem:s22+$0x1C0] =	vst v17  }
0x4a1: {  	v20 =	vsel vm0, v7, v23;
	v23 =	vsel vm0, v6, v26;
	vm2 =	veq.s32 v25, $0x2;
	[tilespmem:s22+$0x1D0] =	vst v22  }
0x4a2: {  	vm3 =	veq.s32 v25, $0x1;
	v17 =	vnsel vm2, $0x0, v14;
	v22 =	vnsel vm2, $0x0, v3;
	[tilespmem:s22+$0x1E0] =	vst v21  }
0x4a3: {  	v25 =	vnsel vm2, $0x0, v13;
	v21 =	vnsel vm2, $0x0, v15;
	v22 =	vsel vm3, v0, v22;
	[tilespmem:s22+$0x1F0] =	vst v18;
	s22 =	sadd.s32 $0x400, s22  }
0x4a4: {  	v29 =	vnsel vm2, $0x0, v11;
	v30 =	vnsel vm2, $0x0, v10;
	v18 =	vnsel vm2, $0x0, v12;
	v26 =	vld.idx.msk [tilespmem:v16+s3+$0x0], $0xffff;
	[tilespmem:s22+$0x170] =	vst v22  }
0x4a5: {  	v16 =	vsel vm3, v8, v17;
	v17 =	vsel vm3, v7, v21;
	v21 =	vnsel vm2, $0x0, v9;
	[tilespmem:s22+$0xFFFFFE00] =	vst v19  }
0x4a6: {  	v19 =	vsel vm3, v6, v25;
	[tilespmem:s22+$0xFFFFFE10] =	vst v20;
	v20 =	vsel vm3, v5, v18;
	v18 =	vsel vm3, v4, v29  }
0x4a7: {  	v22 =	vsel vm3, v2, v30;
	v21 =	vsel vm3, v1, v21;
	[tilespmem:s22+$0xFFFFFE20] =	vst v23;
	v23 =	vsel vm0, v5, v27  }
0x4a8: {  	v25 =	vnsel vm1, $0x0, v10;
	[tilespmem:s22+$0xFFFFFE30] =	vst v23;
	v23 =	vsel vm0, v4, v28  }
0x4a9: {  	[tilespmem:s22+$0xFFFFFE40] =	vst v23;
	v23 =	vsel vm0, v2, v25;
	v25 =	vnsel vm1, $0x0, v9  }
0x4aa: {  	[tilespmem:s22+$0xFFFFFE50] =	vst v23;
	v23 =	vsel vm0, v1, v25;
	v25 =	vnsel vm1, $0x0, v3;
	vm1 =	veq.s32 v26, $0x2  }
0x4ab: {  	s25 =	sadd.s32 $0xA8B, s24;
	[tilespmem:s22+$0xFFFFFE60] =	vst v23;
	v23 =	vsel vm0, v0, v25;
	vm0 =	veq.s32 v26, $0x1;
	v25 =	vnsel vm1, $0x0, v14  }
0x4ac: {  	v26 =	vmov s25;
	[tilespmem:s22+$0xFFFFFE70] =	vst v23;
	v23 =	vsel vm0, v8, v25;
	v25 =	vnsel vm1, $0x0, v15;
	v24 =	vld.idx.msk [tilespmem:v24+s3+$0x0], $0xffff  }
0x4ad: {  	v26 =	vand.u32 $0xFFFFFFFB, v26;
	[tilespmem:s22+$0xFFFFFE80] =	vst v23;
	v23 =	vsel vm0, v7, v25;
	v25 =	vnsel vm1, $0x0, v13  }
0x4ae: {  	v26 =	vbroadcast v26, $0x0;
	[tilespmem:s22+$0xFFFFFE90] =	vst v23;
	v23 =	vsel vm0, v6, v25;
	v25 =	vnsel vm1, $0x0, v12  }
0x4af: {  	[tilespmem:s22+$0xFFFFFEA0] =	vst v23;
	v23 =	vsel vm0, v5, v25;
	v25 =	vnsel vm1, $0x0, v11  }
0x4b0: {  	[tilespmem:s22+$0xFFFFFEB0] =	vst v23;
	v23 =	vsel vm0, v4, v25;
	v25 =	vnsel vm1, $0x0, v10  }
0x4b1: {  	[tilespmem:s22+$0xFFFFFEC0] =	vst v23;
	v23 =	vsel vm0, v2, v25;
	v25 =	vnsel vm1, $0x0, v9  }
0x4b2: {  	[tilespmem:s22+$0xFFFFFED0] =	vst v23;
	v23 =	vsel vm0, v1, v25;
	v25 =	vnsel vm1, $0x0, v3;
	vm1 =	veq.s32 v24, $0x2  }
0x4b3: {  	s25 =	sadd.s32 $0xA8C, s24;
	[tilespmem:s22+$0xFFFFFEE0] =	vst v23;
	v23 =	vsel vm0, v0, v25;
	vm0 =	veq.s32 v24, $0x1;
	v24 =	vnsel vm1, $0x0, v14  }
0x4b4: {  	[tilespmem:s22+$0xFFFFFEF0] =	vst v23;
	v23 =	vsel vm0, v8, v24;
	v24 =	vnsel vm1, $0x0, v15;
	v25 =	vld.idx.msk [tilespmem:v26+s3+$0x0], $0xffff;
	v26 =	vmov s25  }
0x4b5: {  	[tilespmem:s22+$0xFFFFFF00] =	vst v23;
	v23 =	vsel vm0, v7, v24;
	v24 =	vnsel vm1, $0x0, v13;
	v26 =	vand.u32 $0xFFFFFFFC, v26  }
0x4b6: {  	[tilespmem:s22+$0xFFFFFF10] =	vst v23;
	v23 =	vsel vm0, v6, v24;
	v24 =	vnsel vm1, $0x0, v12;
	v26 =	vbroadcast v26, $0x0  }
0x4b7: {  	[tilespmem:s22+$0xFFFFFF20] =	vst v23;
	v23 =	vsel vm0, v5, v24;
	v24 =	vnsel vm1, $0x0, v11  }
0x4b8: {  	[tilespmem:s22+$0xFFFFFF30] =	vst v23;
	v23 =	vsel vm0, v4, v24;
	v24 =	vnsel vm1, $0x0, v10  }
0x4b9: {  	[tilespmem:s22+$0xFFFFFF40] =	vst v23;
	v23 =	vsel vm0, v2, v24;
	v24 =	vnsel vm1, $0x0, v9  }
0x4ba: {  	[tilespmem:s22+$0xFFFFFF50] =	vst v23;
	v23 =	vsel vm0, v1, v24;
	v24 =	vnsel vm1, $0x0, v3;
	vm1 =	veq.s32 v25, $0x2  }
0x4bb: {  	s25 =	sadd.s32 $0xA8D, s24;
	[tilespmem:s22+$0xFFFFFF60] =	vst v23;
	v23 =	vsel vm0, v0, v24;
	vm0 =	veq.s32 v25, $0x1;
	v24 =	vnsel vm1, $0x0, v14  }
0x4bc: {  	[tilespmem:s22+$0xFFFFFF70] =	vst v23;
	v23 =	vsel vm0, v8, v24;
	v24 =	vnsel vm1, $0x0, v15;
	v25 =	vld.idx.msk [tilespmem:v26+s3+$0x0], $0xffff;
	v26 =	vmov s25  }
0x4bd: {  	[tilespmem:s22+$0xFFFFFF80] =	vst v23;
	v23 =	vsel vm0, v7, v24;
	v24 =	vnsel vm1, $0x0, v13;
	v26 =	vand.u32 $0xFFFFFFFD, v26  }
0x4be: {  	[tilespmem:s22+$0xFFFFFF90] =	vst v23;
	v23 =	vsel vm0, v6, v24;
	v24 =	vnsel vm1, $0x0, v12;
	v26 =	vbroadcast v26, $0x0  }
0x4bf: {  	[tilespmem:s22+$0xFFFFFFA0] =	vst v23;
	v23 =	vsel vm0, v5, v24;
	v24 =	vnsel vm1, $0x0, v11  }
0x4c0: {  	[tilespmem:s22+$0xFFFFFFB0] =	vst v23;
	v23 =	vsel vm0, v4, v24;
	v24 =	vnsel vm1, $0x0, v10  }
0x4c1: {  	[tilespmem:s22+$0xFFFFFFC0] =	vst v23;
	v23 =	vsel vm0, v2, v24;
	v24 =	vnsel vm1, $0x0, v9  }
0x4c2: {  	[tilespmem:s22+$0xFFFFFFD0] =	vst v23;
	v23 =	vsel vm0, v1, v24;
	v24 =	vnsel vm1, $0x0, v3;
	vm1 =	veq.s32 v25, $0x2  }
0x4c3: {  	[tilespmem:s22+$0xFFFFFFE0] =	vst v23;
	v23 =	vsel vm0, v0, v24;
	vm0 =	veq.s32 v25, $0x1;
	v24 =	vnsel vm1, $0x0, v14  }
0x4c4: {  	[tilespmem:s22+$0xFFFFFFF0] =	vst v23;
	v23 =	vsel vm0, v8, v24;
	v24 =	vnsel vm1, $0x0, v15;
	v25 =	vld.idx.msk [tilespmem:v26+s3+$0x0], $0xffff  }
0x4c5: {  	[tilespmem:s22+$0x0] =	vst v23;
	v23 =	vsel vm0, v7, v24;
	v24 =	vnsel vm1, $0x0, v13  }
0x4c6: {  	[tilespmem:s22+$0x10] =	vst v23;
	v23 =	vsel vm0, v6, v24;
	v24 =	vnsel vm1, $0x0, v12  }
0x4c7: {  	[tilespmem:s22+$0x20] =	vst v23;
	v23 =	vsel vm0, v5, v24;
	v24 =	vnsel vm1, $0x0, v11  }
0x4c8: {  	[tilespmem:s22+$0x30] =	vst v23;
	v23 =	vsel vm0, v4, v24;
	v24 =	vnsel vm1, $0x0, v10  }
0x4c9: {  	[tilespmem:s22+$0x40] =	vst v23;
	v23 =	vsel vm0, v2, v24;
	v24 =	vnsel vm1, $0x0, v9  }
.Ltmp11:
0x4ca: {  	vm2 =	veq.s32 v25, $0x2;
	[tilespmem:s22+$0x50] =	vst v23;
	v23 =	vsel vm0, v1, v24;
	v24 =	vnsel vm1, $0x0, v3;
	(pc) =	sbr.rel @p1 .LBB2_15-.Ltmp11, $4  }
0x4cb: {  	vm1 =	veq.s32 v25, $0x1;
	[tilespmem:s22+$0x60] =	vst v23;
	v23 =	vsel vm0, v0, v24;
	v24 =	vnsel vm2, $0x0, v14  }
0x4cc: {  	s24 =	sadd.s32 $0xA8F, s24;
	[tilespmem:s22+$0x70] =	vst v23;
	v23 =	vsel vm1, v8, v24;
	v24 =	vnsel vm2, $0x0, v15  }
0x4cd: {  	v25 =	vnsel vm2, $0x0, v13;
	[tilespmem:s22+$0x80] =	vst v23;
	v24 =	vsel vm1, v7, v24;
	v23 =	vmov s24  }
0x4ce: {  	[tilespmem:s22+$0x90] =	vst v24;
	v24 =	vsel vm1, v6, v25;
	v25 =	vnsel vm2, $0x0, v12  }
.Ltmp12:
0x4cf: {  	_ = 	snop;
	(pc) =	sbr.rel .LBB2_16-.Ltmp12, $1  }
0x4d0: {  	_ =	sdelay $0x3  }
.LBB2_21:
0x4d1: {  	_ =	sfence.sel $0x180000  }
0x4d2: {  	[bflag:$0x0] =	sbarrier.arrive $0xFFFF  }
0x4d3: {  	p0 =	sne.s32 s0, $0x0;
	_ =	strace $0x90000047  }
0x4d4: {  	s0 =	sadd.s32 @!p0 $0x100000, s1;
	[bflag:$0x2] =	sbarrier.arrive $0xFFFF  }
0x4d5: {  	[sflag:s0] =	ssyncadd.tile.s32 @!p0 $0x1;
	_ =	shalt  }
.Lfunc_end2:
_tile_overlayer_lowered:
.L_overlay_start_2:
0x4d6: {  	(tag) =	ssettag $0x2  }
0x4d7: {  	s0 =	rddreg [dreg:$0x0];
	s2 =	stileid.u32  }
0x4d8: {  	s1 =	rddreg [dreg:$0x1];
	p0 =	sne.s32 s2, $0x0  }
0x4d9: {  	s3 =	rddreg [dreg:$0x2];
	[bflag:$0x3] =	sbarrier.arrive $0xFFFF;
	s2 =	simm.s32 @!p0 $0x1C03  }
0x4da: {  	[timem:s3], [sflag:s2] =	dma.local @!p0 [hbm:s0], s1  }
0x4db: {  	s0 =	simm.s32 @!p0 $0x3  }
0x4dc: {  	_ =	swait.ge @!p0 [sflag:s0], s1  }
0x4dd: {  	s1 =	ssub.s32 @!p0 $0x0, s1;
	[sflag:s0] =	ssyncset.done @!p0 $0x0  }
0x4de: {  	[sflag:s0] =	ssyncadd.s32 @!p0 s1  }
0x4df: {  	[bflag:$0x3] =	sbarrier.arrive $0xFFFF  }
0x4e0: {  	_ =	shalt  }

</sc_bundles>
